<compile_context>
chip_gen: v7x
topology: tpu7x:2x2x1
jax: 0.10.2.dev20260603
libtpu: 0.0.44.dev20260713+nightly
codegen_flags: <defaults>
</compile_context>

<pallas_src>
import jax
import jax.numpy as jnp
from jax import lax
from jax.experimental import pallas as pl
from jax.experimental.pallas import tpu as pltpu
from jax.experimental.pallas import tpu_sc as plsc

N_NODES = 100000
N_EDGES = 6400000
BATCH = 4

NC = 2
NS = 16
NW = NC * NS

N_PAD = 100352
ROWS_PER_TILE = N_PAD // NS

CHUNK = 5000
E_PER_W = N_EDGES // NW
N_CHUNKS = E_PER_W // CHUNK

_mesh = plsc.VectorSubcoreMesh(core_axis_name="c", subcore_axis_name="s")
_sc_params = pltpu.CompilerParams(use_tc_tiling_on_sc=False)
_sc_params_nl = pltpu.CompilerParams(use_tc_tiling_on_sc=False,
                                     needs_layout_passes=False)


def _deg_body(dst_hbm, degp_hbm, idx_v, ones_v, fill_v, deg_sh):
    c = lax.axis_index("c")
    s = lax.axis_index("s")
    w = c * NS + s
    rs = pl.ds(s * ROWS_PER_TILE, ROWS_PER_TILE)

    def fill_ones(i, carry):
        ones_v[pl.ds(i * 16, 16)] = jnp.full((16,), 1.0, jnp.float32)
        return carry

    lax.fori_loop(0, CHUNK // 16, fill_ones, 0)

    def fill_half(i, carry):
        fill_v[pl.ds(i * 16, 16)] = jnp.full((16,), 0.5, jnp.float32)
        return carry

    lax.fori_loop(0, ROWS_PER_TILE // 16, fill_half, 0)
    pltpu.sync_copy(fill_v, deg_sh.at[rs])
    plsc.subcore_barrier()

    base = w * E_PER_W

    def body(i, carry):
        off = pl.multiple_of(base + i * CHUNK, CHUNK)
        pltpu.sync_copy(dst_hbm.at[pl.ds(off, CHUNK)], idx_v)
        pltpu.sync_copy(ones_v, deg_sh.at[idx_v], add=True)
        return carry

    lax.fori_loop(0, N_CHUNKS, body, 0)
    plsc.subcore_barrier()
    pltpu.sync_copy(deg_sh.at[rs], degp_hbm.at[c].at[rs])


_deg_call = pl.kernel(
    _deg_body,
    out_type=jax.ShapeDtypeStruct((NC, N_PAD), jnp.float32),
    mesh=_mesh,
    compiler_params=_sc_params,
    scratch_types=[
        pltpu.VMEM((CHUNK,), jnp.int32),
        pltpu.VMEM((CHUNK,), jnp.float32),
        pltpu.VMEM((ROWS_PER_TILE,), jnp.float32),
        pltpu.VMEM_SHARED((N_PAD,), jnp.float32),
    ],
)


def _edge_body(src_hbm, dst_hbm, p01_hbm, p23_hbm,
               a0_hbm, a1_hbm, a2_hbm, a3_hbm,
               src0_v, dst0_v, src1_v, dst1_v,
               pk0, pk1,
               m00, m01, m02, m03, m10, m11, m12, m13,
               stf_v, sti_v,
               p01_sh, p23_sh, ac0_sh, ac1_sh, ac2_sh, ac3_sh,
               is0, id0, is1, id1, gsem0, gsem1,
               ss00, ss01, ss02, ss03, ss10, ss11, ss12, ss13):
    c = lax.axis_index("c")
    s = lax.axis_index("s")
    w = c * NS + s
    rs = pl.ds(s * ROWS_PER_TILE, ROWS_PER_TILE)
    p_hbms = (p01_hbm, p23_hbm)
    a_hbms = (a0_hbm, a1_hbm, a2_hbm, a3_hbm)
    p_shs = (p01_sh, p23_sh)
    a_shs = (ac0_sh, ac1_sh, ac2_sh, ac3_sh)
    srcs = (src0_v, src1_v)
    dsts = (dst0_v, dst1_v)
    isems = ((is0, id0), (is1, id1))
    pks = (pk0, pk1)
    msgs = ((m00, m01, m02, m03), (m10, m11, m12, m13))
    gsems = (gsem0, gsem1)
    ssems = ((ss00, ss01, ss02, ss03), (ss10, ss11, ss12, ss13))
    base = w * E_PER_W

    for t in range(2):
        pltpu.sync_copy(p_hbms[t].at[rs], sti_v)
        pltpu.sync_copy(sti_v, p_shs[t].at[rs])

    def fill_zero(i, carry):
        stf_v[pl.ds(i * 16, 16)] = jnp.full((16,), 0.0, jnp.float32)
        return carry

    lax.fori_loop(0, ROWS_PER_TILE // 16, fill_zero, 0)
    for b in range(BATCH):
        pltpu.sync_copy(stf_v, a_shs[b].at[rs])
    plsc.subcore_barrier()

    def load_idx(j, p):
        off = pl.multiple_of(base + j * CHUNK, 8)
        pltpu.async_copy(src_hbm.at[pl.ds(off, CHUNK)], srcs[p], isems[p][0])
        pltpu.async_copy(dst_hbm.at[pl.ds(off, CHUNK)], dsts[p], isems[p][1])

    def wait_idx(p):
        pltpu.make_async_copy(src_hbm.at[pl.ds(0, CHUNK)], srcs[p],
                              isems[p][0]).wait()
        pltpu.make_async_copy(dst_hbm.at[pl.ds(0, CHUNK)], dsts[p],
                              isems[p][1]).wait()

    def start_gathers(p):
        for t in range(2):
            pltpu.async_copy(p_shs[t].at[srcs[p]], pks[t], gsems[t])

    def wait_gathers(p):
        for t in range(2):
            pltpu.make_async_copy(p_shs[t].at[srcs[p]], pks[t],
                                  gsems[t]).wait()

    def unpack_chunk(p):
        for t in range(2):
            ua = msgs[p][2 * t]
            ub = msgs[p][2 * t + 1]

            def u(k, carry, _t=t, _ua=ua, _ub=ub):
                sl = pl.ds(k * 16, 16)
                ab = plsc.bitcast(pks[_t][sl], jnp.bfloat16)
                a, b = plsc.unpack(ab, format=plsc.PackFormat.INTERLEAVED)
                _ua[sl] = a
                _ub[sl] = b
                return carry

            lax.fori_loop(0, CHUNK // 16, u, 0)
            sl = pl.ds(CHUNK - 16, 16)
            ab = plsc.bitcast(pks[t][sl], jnp.bfloat16)
            a, b = plsc.unpack(ab, format=plsc.PackFormat.INTERLEAVED)
            ua[sl] = a
            ub[sl] = b

    def start_scats(p):
        for b in range(BATCH):
            pltpu.async_copy(msgs[p][b], a_shs[b].at[dsts[p]],
                             ssems[p][b], add=True)

    def wait_scats(p):
        for b in range(BATCH):
            pltpu.make_async_copy(msgs[p][b], a_shs[b].at[dsts[p]],
                                  ssems[p][b]).wait()

    load_idx(0, 0)
    wait_idx(0)
    start_gathers(0)
    load_idx(1, 1)
    wait_gathers(0)
    unpack_chunk(0)
    start_scats(0)

    def body(i, carry):
        pred = lax.rem(i, 2) == 0

        def one(p, q):
            wait_idx(p)
            start_gathers(p)
            wait_scats(q)
            @pl.when(i + 1 < N_CHUNKS)
            def _():
                load_idx(i + 1, q)
            wait_gathers(p)
            unpack_chunk(p)
            start_scats(p)

        @pl.when(pred)
        def _():
            one(0, 1)

        @pl.when(jnp.logical_not(pred))
        def _():
            one(1, 0)

        return carry

    lax.fori_loop(1, N_CHUNKS, body, 0)
    wait_scats((N_CHUNKS - 1) % 2)
    plsc.subcore_barrier()
    for b in range(BATCH):
        pltpu.sync_copy(a_shs[b].at[rs], a_hbms[b].at[c].at[rs])


_edge_call = pl.kernel(
    _edge_body,
    out_type=tuple(jax.ShapeDtypeStruct((NC, N_PAD), jnp.float32)
                   for _ in range(BATCH)),
    mesh=_mesh,
    compiler_params=_sc_params_nl,
    scratch_types=(
        [pltpu.VMEM((CHUNK,), jnp.int32)] * 4
        + [pltpu.VMEM((CHUNK,), jnp.int32)] * 2
        + [pltpu.VMEM((CHUNK,), jnp.float32)] * 8
        + [pltpu.VMEM((ROWS_PER_TILE,), jnp.float32)]
        + [pltpu.VMEM((ROWS_PER_TILE,), jnp.int32)]
        + [pltpu.VMEM_SHARED((N_PAD,), jnp.int32)] * 2
        + [pltpu.VMEM_SHARED((N_PAD,), jnp.float32)] * 4
        + [pltpu.SemaphoreType.DMA] * 14
    ),
)


def _packrows(g):
    lo = jnp.concatenate([g[0:1, :], g[2:3, :]], axis=0)
    hi = jnp.concatenate([g[1:2, :], g[3:4, :]], axis=0)
    lo = jax.lax.bitcast_convert_type(
        lo.astype(jnp.bfloat16), jnp.uint16).astype(jnp.int32)
    hi = jax.lax.bitcast_convert_type(
        hi.astype(jnp.bfloat16), jnp.uint16).astype(jnp.int32)
    return lo | (hi << 16)


def _prep1_body(w1_ref, degp_ref, x4_ref, g1_ref, dis_ref, p1_ref):
    deg = degp_ref[0:1, :] + degp_ref[1:2, :]
    dis = lax.rsqrt(deg)
    dis_ref[...] = dis
    g1 = x4_ref[...] * (dis * w1_ref[0:1, 0:1])
    g1_ref[...] = g1
    p1_ref[...] = _packrows(g1)


_prep1_call = pl.pallas_call(
    _prep1_body,
    out_shape=(
        jax.ShapeDtypeStruct((BATCH, N_PAD), jnp.float32),
        jax.ShapeDtypeStruct((1, N_PAD), jnp.float32),
        jax.ShapeDtypeStruct((2, N_PAD), jnp.int32),
    ),
)


def _prep2_body(w2_ref, b1_ref, a0_ref, a1_ref, a2_ref, a3_ref,
                g1t_ref, dis_ref, g2_ref, p2_ref):
    a = jnp.concatenate([
        a0_ref[0:1, :] + a0_ref[1:2, :],
        a1_ref[0:1, :] + a1_ref[1:2, :],
        a2_ref[0:1, :] + a2_ref[1:2, :],
        a3_ref[0:1, :] + a3_ref[1:2, :],
    ], axis=0)
    y1 = dis_ref[...] * (a + g1t_ref[...]) + b1_ref[0:1, 0:1]
    h = jnp.maximum(y1, 0.0)
    g2 = h * (dis_ref[...] * w2_ref[0:1, 0:1])
    g2_ref[...] = g2
    p2_ref[...] = _packrows(g2)


_prep2_call = pl.pallas_call(
    _prep2_body,
    out_shape=(
        jax.ShapeDtypeStruct((BATCH, N_PAD), jnp.float32),
        jax.ShapeDtypeStruct((2, N_PAD), jnp.int32),
    ),
)


def _out_body(b2_ref, a0_ref, a1_ref, a2_ref, a3_ref, g2t_ref, dis_ref,
              y_ref):
    a = jnp.concatenate([
        a0_ref[0:1, :] + a0_ref[1:2, :],
        a1_ref[0:1, :] + a1_ref[1:2, :],
        a2_ref[0:1, :] + a2_ref[1:2, :],
        a3_ref[0:1, :] + a3_ref[1:2, :],
    ], axis=0)
    y_ref[...] = dis_ref[...] * (a + g2t_ref[...]) + b2_ref[0:1, 0:1]


_out_call = pl.pallas_call(
    _out_body,
    out_shape=jax.ShapeDtypeStruct((BATCH, N_PAD), jnp.float32),
)


def kernel(x, edge_index, W1, b1, W2, b2):
    n = x.shape[1]
    e32 = edge_index.astype(jnp.int32)
    src = e32[0]
    dst = e32[1]

    x4 = jnp.pad(x[:, :, 0], ((0, 0), (0, N_PAD - n)))
    w1 = W1.reshape(1, 1)
    w2 = W2.reshape(1, 1)
    b1r = b1.reshape(1, 1)
    b2r = b2.reshape(1, 1)

    degp = _deg_call(dst)
    g1t, dis, p1 = _prep1_call(w1, degp, x4)
    acc1 = _edge_call(src, dst, p1[0], p1[1])
    g2t, p2 = _prep2_call(w2, b1r, acc1[0], acc1[1], acc1[2], acc1[3],
                          g1t, dis)
    acc2 = _edge_call(src, dst, p2[0], p2[1])
    y2t = _out_call(b2r, acc2[0], acc2[1], acc2[2], acc2[3], g2t, dis)
    return y2t[:, :n][:, :, None]

# --- scband reference (transcript-rebuilt; emitter-appended) ---
"""Pipeline reference for scband-graph-embedding-13211319403233 (READ-ONLY COPY).

The authoritative reference and input builder live on the scoring server;
editing this copy changes nothing except your own understanding.
"""

import jax, jax.numpy as jnp
import numpy as np

N_NODES = 100000
N_EDGES = 6400000
BATCH = 4


def setup_inputs(seed: int = 0) -> dict:
    key = jax.random.key(seed)
    k1, k2, k3, k4 = jax.random.split(key, 4)
    x = jax.random.normal(k1, (BATCH, N_NODES, 1), dtype=jnp.float32)
    edge_index = jax.random.randint(k2, (2, N_EDGES), 0, N_NODES).astype(jnp.int64)
    # GCNConv(1, 1) learned params: weight [out, in] and bias [out]
    W1 = jax.random.normal(k3, (1, 1), dtype=jnp.float32) * 0.5
    b1 = jnp.zeros((1,), dtype=jnp.float32)
    W2 = jax.random.normal(k4, (1, 1), dtype=jnp.float32) * 0.5
    b2 = jnp.zeros((1,), dtype=jnp.float32)
    return {"x": x, "edge_index": edge_index, "W1": W1, "b1": b1, "W2": W2, "b2": b2}


def _gcn_norm(edge_index, num_nodes):
    # PyG gcn_norm with add_self_loops=True, improved=False
    src = edge_index[0]
    dst = edge_index[1]
    loop = jnp.arange(num_nodes, dtype=src.dtype)
    src = jnp.concatenate([src, loop])
    dst = jnp.concatenate([dst, loop])
    ew = jnp.ones(src.shape[0], dtype=jnp.float32)
    deg = jnp.zeros((num_nodes,), dtype=jnp.float32).at[dst].add(ew)
    deg_inv_sqrt = jnp.where(deg > 0, deg ** -0.5, 0.0)
    norm = deg_inv_sqrt[src] * ew * deg_inv_sqrt[dst]
    return src, dst, norm


def _gcn_conv(x, src, dst, norm, W, b):
    # x: [B, N, C_in]; node_dim=1 -> gather/scatter along axis 1
    h = x @ W.T  # linear first (GCNConv applies lin before propagate)
    msgs = jnp.take(h, src, axis=1) * norm[None, :, None]
    out = jnp.zeros_like(h).at[:, dst, :].add(msgs)
    return out + b


def reference(x, edge_index, W1, b1, W2, b2):
    num_nodes = x.shape[1]
    src, dst, norm = _gcn_norm(edge_index, num_nodes)
    h = _gcn_conv(x, src, dst, norm, W1, b1)
    h = jax.nn.relu(h)
    out = _gcn_conv(h, src, dst, norm, W2, b2)
    return out

if __name__ == "__main__":
    import jax
    _d = setup_inputs()
    print(jax.jit(kernel)(*tuple(_d.values())))

</pallas_src>

<mosaic_0001>
#map = affine_map<(d0, d1) -> (0)>
#map1 = affine_map<(d0, d1) -> (0, 0)>
module attributes {stable_mosaic.version = 14 : i64} {
  func.func @_edge_body(%arg0: i32, %arg1: i32, %arg2: memref<6400000xi32, #tpu.memory_space<hbm>>, %arg3: memref<6400000xi32, #tpu.memory_space<hbm>>, %arg4: memref<100352xi32, #tpu.memory_space<hbm>>, %arg5: memref<100352xi32, #tpu.memory_space<hbm>>, %arg6: memref<2x100352xf32, #tpu.memory_space<hbm>>, %arg7: memref<2x100352xf32, #tpu.memory_space<hbm>>, %arg8: memref<2x100352xf32, #tpu.memory_space<hbm>>, %arg9: memref<2x100352xf32, #tpu.memory_space<hbm>>, %arg10: memref<5000xi32, #tpu.memory_space<vmem>>, %arg11: memref<5000xi32, #tpu.memory_space<vmem>>, %arg12: memref<5000xi32, #tpu.memory_space<vmem>>, %arg13: memref<5000xi32, #tpu.memory_space<vmem>>, %arg14: memref<5000xi32, #tpu.memory_space<vmem>>, %arg15: memref<5000xi32, #tpu.memory_space<vmem>>, %arg16: memref<5000xf32, #tpu.memory_space<vmem>>, %arg17: memref<5000xf32, #tpu.memory_space<vmem>>, %arg18: memref<5000xf32, #tpu.memory_space<vmem>>, %arg19: memref<5000xf32, #tpu.memory_space<vmem>>, %arg20: memref<5000xf32, #tpu.memory_space<vmem>>, %arg21: memref<5000xf32, #tpu.memory_space<vmem>>, %arg22: memref<5000xf32, #tpu.memory_space<vmem>>, %arg23: memref<5000xf32, #tpu.memory_space<vmem>>, %arg24: memref<6272xf32, #tpu.memory_space<vmem>>, %arg25: memref<6272xi32, #tpu.memory_space<vmem>>, %arg26: memref<100352xi32, #tpu.memory_space<vmem_shared>>, %arg27: memref<100352xi32, #tpu.memory_space<vmem_shared>>, %arg28: memref<100352xf32, #tpu.memory_space<vmem_shared>>, %arg29: memref<100352xf32, #tpu.memory_space<vmem_shared>>, %arg30: memref<100352xf32, #tpu.memory_space<vmem_shared>>, %arg31: memref<100352xf32, #tpu.memory_space<vmem_shared>>, %arg32: memref<!tpu.dma_semaphore, #tpu.memory_space<semaphore_mem>>, %arg33: memref<!tpu.dma_semaphore, #tpu.memory_space<semaphore_mem>>, %arg34: memref<!tpu.dma_semaphore, #tpu.memory_space<semaphore_mem>>, %arg35: memref<!tpu.dma_semaphore, #tpu.memory_space<semaphore_mem>>, %arg36: memref<!tpu.dma_semaphore, #tpu.memory_space<semaphore_mem>>, %arg37: memref<!tpu.dma_semaphore, #tpu.memory_space<semaphore_mem>>, %arg38: memref<!tpu.dma_semaphore, #tpu.memory_space<semaphore_mem>>, %arg39: memref<!tpu.dma_semaphore, #tpu.memory_space<semaphore_mem>>, %arg40: memref<!tpu.dma_semaphore, #tpu.memory_space<semaphore_mem>>, %arg41: memref<!tpu.dma_semaphore, #tpu.memory_space<semaphore_mem>>, %arg42: memref<!tpu.dma_semaphore, #tpu.memory_space<semaphore_mem>>, %arg43: memref<!tpu.dma_semaphore, #tpu.memory_space<semaphore_mem>>, %arg44: memref<!tpu.dma_semaphore, #tpu.memory_space<semaphore_mem>>, %arg45: memref<!tpu.dma_semaphore, #tpu.memory_space<semaphore_mem>>) attributes {dimension_semantics = [#tpu.dimension_semantics<core_parallel>, #tpu.dimension_semantics<subcore_parallel>], iteration_bounds = array<i64: 2, 16>, scalar_prefetch = 0 : i64, scratch_operands = 36 : i64, tpu.core_type = #tpu.core_type<sc_vector_subcore>, window_params = [{transform_indices = #map}, {transform_indices = #map}, {transform_indices = #map}, {transform_indices = #map}, {transform_indices = #map1}, {transform_indices = #map1}, {transform_indices = #map1}, {transform_indices = #map1}]} {
    %mul3A = arith.constant 16 : i32
    %mul3A_0 = arith.muli %arg0, %mul3A : i32
    %add3A = arith.addi %mul3A_0, %arg1 : i32
    %mul3A_1 = arith.constant 6272 : i32
    %mul3A_2 = arith.muli %arg1, %mul3A_1 : i32
    %mul3A_3 = arith.constant 200000 : i32
    %mul3A_4 = arith.muli %add3A, %mul3A_3 : i32
    "tpu.region"() ({
      %run_scoped3A = tpu.sem_alloc : memref<!tpu.dma_semaphore, #tpu.memory_space<semaphore_mem>>
      %dma_start3A_86 = tpu.memref_slice %arg4[%mul3A_2] : memref<100352xi32, #tpu.memory_space<hbm>> -> memref<6272xi32, #tpu.memory_space<hbm>>
      %dma_start3A_87 = tpu.memref_slice %arg4[%mul3A_2] : memref<100352xi32, #tpu.memory_space<hbm>> -> memref<6272xi32, #tpu.memory_space<hbm>>
      tpu.enqueue_dma source(%dma_start3A_87 : memref<6272xi32, #tpu.memory_space<hbm>>) target(%arg25 : memref<6272xi32, #tpu.memory_space<vmem>>) target_semaphore(%run_scoped3A : memref<!tpu.dma_semaphore, #tpu.memory_space<semaphore_mem>>)
      %dma_wait3A_88 = tpu.memref_slice %arg4[%mul3A_2] : memref<100352xi32, #tpu.memory_space<hbm>> -> memref<6272xi32, #tpu.memory_space<hbm>>
      %dma_wait3A_89 = tpu.memref_slice %arg4[%mul3A_2] : memref<100352xi32, #tpu.memory_space<hbm>> -> memref<6272xi32, #tpu.memory_space<hbm>>
      tpu.wait_dma2 semaphore(%run_scoped3A : memref<!tpu.dma_semaphore, #tpu.memory_space<semaphore_mem>>) src(%dma_wait3A_89 : memref<6272xi32, #tpu.memory_space<hbm>>) dst(%arg25 : memref<6272xi32, #tpu.memory_space<vmem>>)
      tpu.yield
    }) : () -> ()
    "tpu.region"() ({
      %run_scoped3A = tpu.sem_alloc : memref<!tpu.dma_semaphore, #tpu.memory_space<semaphore_mem>>
      %dma_start3A_86 = tpu.memref_slice %arg26[%mul3A_2] : memref<100352xi32, #tpu.memory_space<vmem_shared>> -> memref<6272xi32, #tpu.memory_space<vmem_shared>>
      %dma_start3A_87 = tpu.memref_slice %arg26[%mul3A_2] : memref<100352xi32, #tpu.memory_space<vmem_shared>> -> memref<6272xi32, #tpu.memory_space<vmem_shared>>
      tpu.enqueue_dma source(%arg25 : memref<6272xi32, #tpu.memory_space<vmem>>) target(%dma_start3A_87 : memref<6272xi32, #tpu.memory_space<vmem_shared>>) target_semaphore(%run_scoped3A : memref<!tpu.dma_semaphore, #tpu.memory_space<semaphore_mem>>)
      %dma_wait3A_88 = tpu.memref_slice %arg26[%mul3A_2] : memref<100352xi32, #tpu.memory_space<vmem_shared>> -> memref<6272xi32, #tpu.memory_space<vmem_shared>>
      %dma_wait3A_89 = tpu.memref_slice %arg26[%mul3A_2] : memref<100352xi32, #tpu.memory_space<vmem_shared>> -> memref<6272xi32, #tpu.memory_space<vmem_shared>>
      tpu.wait_dma2 semaphore(%run_scoped3A : memref<!tpu.dma_semaphore, #tpu.memory_space<semaphore_mem>>) src(%arg25 : memref<6272xi32, #tpu.memory_space<vmem>>) dst(%dma_wait3A_89 : memref<6272xi32, #tpu.memory_space<vmem_shared>>)
      tpu.yield
    }) : () -> ()
    "tpu.region"() ({
      %run_scoped3A = tpu.sem_alloc : memref<!tpu.dma_semaphore, #tpu.memory_space<semaphore_mem>>
      %dma_start3A_86 = tpu.memref_slice %arg5[%mul3A_2] : memref<100352xi32, #tpu.memory_space<hbm>> -> memref<6272xi32, #tpu.memory_space<hbm>>
      %dma_start3A_87 = tpu.memref_slice %arg5[%mul3A_2] : memref<100352xi32, #tpu.memory_space<hbm>> -> memref<6272xi32, #tpu.memory_space<hbm>>
      tpu.enqueue_dma source(%dma_start3A_87 : memref<6272xi32, #tpu.memory_space<hbm>>) target(%arg25 : memref<6272xi32, #tpu.memory_space<vmem>>) target_semaphore(%run_scoped3A : memref<!tpu.dma_semaphore, #tpu.memory_space<semaphore_mem>>)
      %dma_wait3A_88 = tpu.memref_slice %arg5[%mul3A_2] : memref<100352xi32, #tpu.memory_space<hbm>> -> memref<6272xi32, #tpu.memory_space<hbm>>
      %dma_wait3A_89 = tpu.memref_slice %arg5[%mul3A_2] : memref<100352xi32, #tpu.memory_space<hbm>> -> memref<6272xi32, #tpu.memory_space<hbm>>
      tpu.wait_dma2 semaphore(%run_scoped3A : memref<!tpu.dma_semaphore, #tpu.memory_space<semaphore_mem>>) src(%dma_wait3A_89 : memref<6272xi32, #tpu.memory_space<hbm>>) dst(%arg25 : memref<6272xi32, #tpu.memory_space<vmem>>)
      tpu.yield
    }) : () -> ()
    "tpu.region"() ({
      %run_scoped3A = tpu.sem_alloc : memref<!tpu.dma_semaphore, #tpu.memory_space<semaphore_mem>>
      %dma_start3A_86 = tpu.memref_slice %arg27[%mul3A_2] : memref<100352xi32, #tpu.memory_space<vmem_shared>> -> memref<6272xi32, #tpu.memory_space<vmem_shared>>
      %dma_start3A_87 = tpu.memref_slice %arg27[%mul3A_2] : memref<100352xi32, #tpu.memory_space<vmem_shared>> -> memref<6272xi32, #tpu.memory_space<vmem_shared>>
      tpu.enqueue_dma source(%arg25 : memref<6272xi32, #tpu.memory_space<vmem>>) target(%dma_start3A_87 : memref<6272xi32, #tpu.memory_space<vmem_shared>>) target_semaphore(%run_scoped3A : memref<!tpu.dma_semaphore, #tpu.memory_space<semaphore_mem>>)
      %dma_wait3A_88 = tpu.memref_slice %arg27[%mul3A_2] : memref<100352xi32, #tpu.memory_space<vmem_shared>> -> memref<6272xi32, #tpu.memory_space<vmem_shared>>
      %dma_wait3A_89 = tpu.memref_slice %arg27[%mul3A_2] : memref<100352xi32, #tpu.memory_space<vmem_shared>> -> memref<6272xi32, #tpu.memory_space<vmem_shared>>
      tpu.wait_dma2 semaphore(%run_scoped3A : memref<!tpu.dma_semaphore, #tpu.memory_space<semaphore_mem>>) src(%arg25 : memref<6272xi32, #tpu.memory_space<vmem>>) dst(%dma_wait3A_89 : memref<6272xi32, #tpu.memory_space<vmem_shared>>)
      tpu.yield
    }) : () -> ()
    %scan3A = arith.constant 0 : i32
    %scan3A_5 = arith.constant 0 : i32
    %scan3A_6 = arith.constant 392 : i32
    %scan3A_7 = arith.addi %scan3A_5, %scan3A_6 : i32
    %scan3A_8 = arith.constant 1 : i32
    scf.for %scan3A_86 = %scan3A_5 to %scan3A_7 step %scan3A_8  : i32 {
      %broadcast_in_dim3A = arith.constant 0.000000e+00 : f32
      %broadcast_in_dim3A_87 = vector.broadcast %broadcast_in_dim3A : f32 to vector<16xf32>
      %mul3A_88 = arith.constant 16 : i32
      %mul3A_89 = arith.muli %scan3A_86, %mul3A_88 : i32
      %swap3A_90 = arith.index_cast %mul3A_89 : i32 to index
      %swap3A_91 = tpu.vector_load %arg24[%swap3A_90] {strides = array<i32>} : memref<6272xf32, #tpu.memory_space<vmem>>, vector<16xf32>,
      %swap3A_92 = vector.shape_cast %swap3A_91 : vector<16xf32> to vector<16xf32>
      %swap3A_93 = vector.shape_cast %broadcast_in_dim3A_87 : vector<16xf32> to vector<16xf32>
      tpu.vector_store %arg24[%swap3A_90], %swap3A_93 {strides = array<i32>} : memref<6272xf32, #tpu.memory_space<vmem>>, vector<16xf32>,
    }
    %scan3A_9 = arith.constant 392 : i32
    "tpu.region"() ({
      %run_scoped3A = tpu.sem_alloc : memref<!tpu.dma_semaphore, #tpu.memory_space<semaphore_mem>>
      %dma_start3A_86 = tpu.memref_slice %arg28[%mul3A_2] : memref<100352xf32, #tpu.memory_space<vmem_shared>> -> memref<6272xf32, #tpu.memory_space<vmem_shared>>
      %dma_start3A_87 = tpu.memref_slice %arg28[%mul3A_2] : memref<100352xf32, #tpu.memory_space<vmem_shared>> -> memref<6272xf32, #tpu.memory_space<vmem_shared>>
      tpu.enqueue_dma source(%arg24 : memref<6272xf32, #tpu.memory_space<vmem>>) target(%dma_start3A_87 : memref<6272xf32, #tpu.memory_space<vmem_shared>>) target_semaphore(%run_scoped3A : memref<!tpu.dma_semaphore, #tpu.memory_space<semaphore_mem>>)
      %dma_wait3A_88 = tpu.memref_slice %arg28[%mul3A_2] : memref<100352xf32, #tpu.memory_space<vmem_shared>> -> memref<6272xf32, #tpu.memory_space<vmem_shared>>
      %dma_wait3A_89 = tpu.memref_slice %arg28[%mul3A_2] : memref<100352xf32, #tpu.memory_space<vmem_shared>> -> memref<6272xf32, #tpu.memory_space<vmem_shared>>
      tpu.wait_dma2 semaphore(%run_scoped3A : memref<!tpu.dma_semaphore, #tpu.memory_space<semaphore_mem>>) src(%arg24 : memref<6272xf32, #tpu.memory_space<vmem>>) dst(%dma_wait3A_89 : memref<6272xf32, #tpu.memory_space<vmem_shared>>)
      tpu.yield
    }) : () -> ()
    "tpu.region"() ({
      %run_scoped3A = tpu.sem_alloc : memref<!tpu.dma_semaphore, #tpu.memory_space<semaphore_mem>>
      %dma_start3A_86 = tpu.memref_slice %arg29[%mul3A_2] : memref<100352xf32, #tpu.memory_space<vmem_shared>> -> memref<6272xf32, #tpu.memory_space<vmem_shared>>
      %dma_start3A_87 = tpu.memref_slice %arg29[%mul3A_2] : memref<100352xf32, #tpu.memory_space<vmem_shared>> -> memref<6272xf32, #tpu.memory_space<vmem_shared>>
      tpu.enqueue_dma source(%arg24 : memref<6272xf32, #tpu.memory_space<vmem>>) target(%dma_start3A_87 : memref<6272xf32, #tpu.memory_space<vmem_shared>>) target_semaphore(%run_scoped3A : memref<!tpu.dma_semaphore, #tpu.memory_space<semaphore_mem>>)
      %dma_wait3A_88 = tpu.memref_slice %arg29[%mul3A_2] : memref<100352xf32, #tpu.memory_space<vmem_shared>> -> memref<6272xf32, #tpu.memory_space<vmem_shared>>
      %dma_wait3A_89 = tpu.memref_slice %arg29[%mul3A_2] : memref<100352xf32, #tpu.memory_space<vmem_shared>> -> memref<6272xf32, #tpu.memory_space<vmem_shared>>
      tpu.wait_dma2 semaphore(%run_scoped3A : memref<!tpu.dma_semaphore, #tpu.memory_space<semaphore_mem>>) src(%arg24 : memref<6272xf32, #tpu.memory_space<vmem>>) dst(%dma_wait3A_89 : memref<6272xf32, #tpu.memory_space<vmem_shared>>)
      tpu.yield
    }) : () -> ()
    "tpu.region"() ({
      %run_scoped3A = tpu.sem_alloc : memref<!tpu.dma_semaphore, #tpu.memory_space<semaphore_mem>>
      %dma_start3A_86 = tpu.memref_slice %arg30[%mul3A_2] : memref<100352xf32, #tpu.memory_space<vmem_shared>> -> memref<6272xf32, #tpu.memory_space<vmem_shared>>
      %dma_start3A_87 = tpu.memref_slice %arg30[%mul3A_2] : memref<100352xf32, #tpu.memory_space<vmem_shared>> -> memref<6272xf32, #tpu.memory_space<vmem_shared>>
      tpu.enqueue_dma source(%arg24 : memref<6272xf32, #tpu.memory_space<vmem>>) target(%dma_start3A_87 : memref<6272xf32, #tpu.memory_space<vmem_shared>>) target_semaphore(%run_scoped3A : memref<!tpu.dma_semaphore, #tpu.memory_space<semaphore_mem>>)
      %dma_wait3A_88 = tpu.memref_slice %arg30[%mul3A_2] : memref<100352xf32, #tpu.memory_space<vmem_shared>> -> memref<6272xf32, #tpu.memory_space<vmem_shared>>
      %dma_wait3A_89 = tpu.memref_slice %arg30[%mul3A_2] : memref<100352xf32, #tpu.memory_space<vmem_shared>> -> memref<6272xf32, #tpu.memory_space<vmem_shared>>
      tpu.wait_dma2 semaphore(%run_scoped3A : memref<!tpu.dma_semaphore, #tpu.memory_space<semaphore_mem>>) src(%arg24 : memref<6272xf32, #tpu.memory_space<vmem>>) dst(%dma_wait3A_89 : memref<6272xf32, #tpu.memory_space<vmem_shared>>)
      tpu.yield
    }) : () -> ()
    "tpu.region"() ({
      %run_scoped3A = tpu.sem_alloc : memref<!tpu.dma_semaphore, #tpu.memory_space<semaphore_mem>>
      %dma_start3A_86 = tpu.memref_slice %arg31[%mul3A_2] : memref<100352xf32, #tpu.memory_space<vmem_shared>> -> memref<6272xf32, #tpu.memory_space<vmem_shared>>
      %dma_start3A_87 = tpu.memref_slice %arg31[%mul3A_2] : memref<100352xf32, #tpu.memory_space<vmem_shared>> -> memref<6272xf32, #tpu.memory_space<vmem_shared>>
      tpu.enqueue_dma source(%arg24 : memref<6272xf32, #tpu.memory_space<vmem>>) target(%dma_start3A_87 : memref<6272xf32, #tpu.memory_space<vmem_shared>>) target_semaphore(%run_scoped3A : memref<!tpu.dma_semaphore, #tpu.memory_space<semaphore_mem>>)
      %dma_wait3A_88 = tpu.memref_slice %arg31[%mul3A_2] : memref<100352xf32, #tpu.memory_space<vmem_shared>> -> memref<6272xf32, #tpu.memory_space<vmem_shared>>
      %dma_wait3A_89 = tpu.memref_slice %arg31[%mul3A_2] : memref<100352xf32, #tpu.memory_space<vmem_shared>> -> memref<6272xf32, #tpu.memory_space<vmem_shared>>
      tpu.wait_dma2 semaphore(%run_scoped3A : memref<!tpu.dma_semaphore, #tpu.memory_space<semaphore_mem>>) src(%arg24 : memref<6272xf32, #tpu.memory_space<vmem>>) dst(%dma_wait3A_89 : memref<6272xf32, #tpu.memory_space<vmem_shared>>)
      tpu.yield
    }) : () -> ()
    %barrier3A = arith.constant 0 : index
    tpu.barrier barrier_id(%barrier3A)
    %add3A_10 = arith.constant 0 : i32
    %add3A_11 = arith.addi %mul3A_4, %add3A_10 : i32
    %multiple_of3A = tpu.assume_multiple %add3A_11, 8 : i32
    %dma_start3A = tpu.memref_slice %arg2[%multiple_of3A] : memref<6400000xi32, #tpu.memory_space<hbm>> -> memref<5000xi32, #tpu.memory_space<hbm>>
    %dma_start3A_12 = tpu.memref_slice %arg2[%multiple_of3A] : memref<6400000xi32, #tpu.memory_space<hbm>> -> memref<5000xi32, #tpu.memory_space<hbm>>
    tpu.enqueue_dma source(%dma_start3A_12 : memref<5000xi32, #tpu.memory_space<hbm>>) target(%arg10 : memref<5000xi32, #tpu.memory_space<vmem>>) target_semaphore(%arg32 : memref<!tpu.dma_semaphore, #tpu.memory_space<semaphore_mem>>)
    %dma_start3A_13 = tpu.memref_slice %arg3[%multiple_of3A] : memref<6400000xi32, #tpu.memory_space<hbm>> -> memref<5000xi32, #tpu.memory_space<hbm>>
    %dma_start3A_14 = tpu.memref_slice %arg3[%multiple_of3A] : memref<6400000xi32, #tpu.memory_space<hbm>> -> memref<5000xi32, #tpu.memory_space<hbm>>
    tpu.enqueue_dma source(%dma_start3A_14 : memref<5000xi32, #tpu.memory_space<hbm>>) target(%arg11 : memref<5000xi32, #tpu.memory_space<vmem>>) target_semaphore(%arg33 : memref<!tpu.dma_semaphore, #tpu.memory_space<semaphore_mem>>)
    %dma_wait3A = arith.constant 0 : i32
    %dma_wait3A_15 = tpu.memref_slice %arg2[%dma_wait3A] : memref<6400000xi32, #tpu.memory_space<hbm>> -> memref<5000xi32, #tpu.memory_space<hbm>>
    %dma_wait3A_16 = arith.constant 0 : i32
    %dma_wait3A_17 = tpu.memref_slice %arg2[%dma_wait3A_16] : memref<6400000xi32, #tpu.memory_space<hbm>> -> memref<5000xi32, #tpu.memory_space<hbm>>
    tpu.wait_dma2 semaphore(%arg32 : memref<!tpu.dma_semaphore, #tpu.memory_space<semaphore_mem>>) src(%dma_wait3A_17 : memref<5000xi32, #tpu.memory_space<hbm>>) dst(%arg10 : memref<5000xi32, #tpu.memory_space<vmem>>)
    %dma_wait3A_18 = arith.constant 0 : i32
    %dma_wait3A_19 = tpu.memref_slice %arg3[%dma_wait3A_18] : memref<6400000xi32, #tpu.memory_space<hbm>> -> memref<5000xi32, #tpu.memory_space<hbm>>
    %dma_wait3A_20 = arith.constant 0 : i32
    %dma_wait3A_21 = tpu.memref_slice %arg3[%dma_wait3A_20] : memref<6400000xi32, #tpu.memory_space<hbm>> -> memref<5000xi32, #tpu.memory_space<hbm>>
    tpu.wait_dma2 semaphore(%arg33 : memref<!tpu.dma_semaphore, #tpu.memory_space<semaphore_mem>>) src(%dma_wait3A_21 : memref<5000xi32, #tpu.memory_space<hbm>>) dst(%arg11 : memref<5000xi32, #tpu.memory_space<vmem>>)
    %dma_start3A_22 = arith.constant 0 : i32
    %dma_start3A_23 = tpu.memref_slice %arg26[%dma_start3A_22] : memref<100352xi32, #tpu.memory_space<vmem_shared>> -> memref<100352xi32, #tpu.memory_space<vmem_shared>>
    tpu.enqueue_indirect_dma source(%dma_start3A_23 : memref<100352xi32, #tpu.memory_space<vmem_shared>>) target(%arg14 : memref<5000xi32, #tpu.memory_space<vmem>>) offsets(%arg10 : memref<5000xi32, #tpu.memory_space<vmem>>) semaphore(%arg36 : memref<!tpu.dma_semaphore, #tpu.memory_space<semaphore_mem>>)
    %dma_start3A_24 = arith.constant 0 : i32
    %dma_start3A_25 = tpu.memref_slice %arg27[%dma_start3A_24] : memref<100352xi32, #tpu.memory_space<vmem_shared>> -> memref<100352xi32, #tpu.memory_space<vmem_shared>>
    tpu.enqueue_indirect_dma source(%dma_start3A_25 : memref<100352xi32, #tpu.memory_space<vmem_shared>>) target(%arg15 : memref<5000xi32, #tpu.memory_space<vmem>>) offsets(%arg10 : memref<5000xi32, #tpu.memory_space<vmem>>) semaphore(%arg37 : memref<!tpu.dma_semaphore, #tpu.memory_space<semaphore_mem>>)
    %add3A_26 = arith.constant 5000 : i32
    %add3A_27 = arith.addi %mul3A_4, %add3A_26 : i32
    %multiple_of3A_28 = tpu.assume_multiple %add3A_27, 8 : i32
    %dma_start3A_29 = tpu.memref_slice %arg2[%multiple_of3A_28] : memref<6400000xi32, #tpu.memory_space<hbm>> -> memref<5000xi32, #tpu.memory_space<hbm>>
    %dma_start3A_30 = tpu.memref_slice %arg2[%multiple_of3A_28] : memref<6400000xi32, #tpu.memory_space<hbm>> -> memref<5000xi32, #tpu.memory_space<hbm>>
    tpu.enqueue_dma source(%dma_start3A_30 : memref<5000xi32, #tpu.memory_space<hbm>>) target(%arg12 : memref<5000xi32, #tpu.memory_space<vmem>>) target_semaphore(%arg34 : memref<!tpu.dma_semaphore, #tpu.memory_space<semaphore_mem>>)
    %dma_start3A_31 = tpu.memref_slice %arg3[%multiple_of3A_28] : memref<6400000xi32, #tpu.memory_space<hbm>> -> memref<5000xi32, #tpu.memory_space<hbm>>
    %dma_start3A_32 = tpu.memref_slice %arg3[%multiple_of3A_28] : memref<6400000xi32, #tpu.memory_space<hbm>> -> memref<5000xi32, #tpu.memory_space<hbm>>
    tpu.enqueue_dma source(%dma_start3A_32 : memref<5000xi32, #tpu.memory_space<hbm>>) target(%arg13 : memref<5000xi32, #tpu.memory_space<vmem>>) target_semaphore(%arg35 : memref<!tpu.dma_semaphore, #tpu.memory_space<semaphore_mem>>)
    %dma_wait3A_33 = arith.constant 0 : i32
    %dma_wait3A_34 = tpu.memref_slice %arg26[%dma_wait3A_33] : memref<100352xi32, #tpu.memory_space<vmem_shared>> -> memref<100352xi32, #tpu.memory_space<vmem_shared>>
    tpu.wait_indirect_dma semaphore(%arg36 : memref<!tpu.dma_semaphore, #tpu.memory_space<semaphore_mem>>) src(%dma_wait3A_34 : memref<100352xi32, #tpu.memory_space<vmem_shared>>) dst(%arg14 : memref<5000xi32, #tpu.memory_space<vmem>>)
    %dma_wait3A_35 = arith.constant 0 : i32
    %dma_wait3A_36 = tpu.memref_slice %arg27[%dma_wait3A_35] : memref<100352xi32, #tpu.memory_space<vmem_shared>> -> memref<100352xi32, #tpu.memory_space<vmem_shared>>
    tpu.wait_indirect_dma semaphore(%arg37 : memref<!tpu.dma_semaphore, #tpu.memory_space<semaphore_mem>>) src(%dma_wait3A_36 : memref<100352xi32, #tpu.memory_space<vmem_shared>>) dst(%arg15 : memref<5000xi32, #tpu.memory_space<vmem>>)
    %scan3A_37 = arith.constant 0 : i32
    %scan3A_38 = arith.constant 0 : i32
    %scan3A_39 = arith.constant 312 : i32
    %scan3A_40 = arith.addi %scan3A_38, %scan3A_39 : i32
    %scan3A_41 = arith.constant 1 : i32
    scf.for %scan3A_86 = %scan3A_38 to %scan3A_40 step %scan3A_41  : i32 {
      %mul3A_87 = arith.constant 16 : i32
      %mul3A_88 = arith.muli %scan3A_86, %mul3A_87 : i32
      %get3A_89 = arith.index_cast %mul3A_88 : i32 to index
      %get3A_90 = tpu.vector_load %arg14[%get3A_89] {strides = array<i32>} : memref<5000xi32, #tpu.memory_space<vmem>>, vector<16xi32>,
      %bitcast3A_91 = vector.bitcast %get3A_90 : vector<16xi32> to vector<32xbf16>
      %unpack3A_92 = tpu.unpack_subelements %bitcast3A_91, 0 {pack_format = #tpu.pack_format<interleaved>} : vector<32xbf16> -> vector<16xf32>
      %unpack3A_93 = tpu.unpack_subelements %bitcast3A_91, 1 {pack_format = #tpu.pack_format<interleaved>} : vector<32xbf16> -> vector<16xf32>
      %swap3A_94 = arith.index_cast %mul3A_88 : i32 to index
      %swap3A_95 = tpu.vector_load %arg16[%swap3A_94] {strides = array<i32>} : memref<5000xf32, #tpu.memory_space<vmem>>, vector<16xf32>,
      %swap3A_96 = vector.shape_cast %swap3A_95 : vector<16xf32> to vector<16xf32>
      %swap3A_97 = vector.shape_cast %unpack3A_92 : vector<16xf32> to vector<16xf32>
      tpu.vector_store %arg16[%swap3A_94], %swap3A_97 {strides = array<i32>} : memref<5000xf32, #tpu.memory_space<vmem>>, vector<16xf32>,
      %swap3A_98 = arith.index_cast %mul3A_88 : i32 to index
      %swap3A_99 = tpu.vector_load %arg17[%swap3A_98] {strides = array<i32>} : memref<5000xf32, #tpu.memory_space<vmem>>, vector<16xf32>,
      %swap3A_100 = vector.shape_cast %swap3A_99 : vector<16xf32> to vector<16xf32>
      %swap3A_101 = vector.shape_cast %unpack3A_93 : vector<16xf32> to vector<16xf32>
      tpu.vector_store %arg17[%swap3A_98], %swap3A_101 {strides = array<i32>} : memref<5000xf32, #tpu.memory_space<vmem>>, vector<16xf32>,
    }
    %scan3A_42 = arith.constant 312 : i32
    %get3A = arith.constant 4984 : index
    %get3A_43 = tpu.vector_load %arg14[%get3A] {strides = array<i32>} : memref<5000xi32, #tpu.memory_space<vmem>>, vector<16xi32>,
    %bitcast3A = vector.bitcast %get3A_43 : vector<16xi32> to vector<32xbf16>
    %unpack3A = tpu.unpack_subelements %bitcast3A, 0 {pack_format = #tpu.pack_format<interleaved>} : vector<32xbf16> -> vector<16xf32>
    %unpack3A_44 = tpu.unpack_subelements %bitcast3A, 1 {pack_format = #tpu.pack_format<interleaved>} : vector<32xbf16> -> vector<16xf32>
    %swap3A = arith.constant 4984 : index
    %swap3A_45 = tpu.vector_load %arg16[%swap3A] {strides = array<i32>} : memref<5000xf32, #tpu.memory_space<vmem>>, vector<16xf32>,
    tpu.vector_store %arg16[%swap3A], %unpack3A {strides = array<i32>} : memref<5000xf32, #tpu.memory_space<vmem>>, vector<16xf32>,
    %swap3A_46 = arith.constant 4984 : index
    %swap3A_47 = tpu.vector_load %arg17[%swap3A_46] {strides = array<i32>} : memref<5000xf32, #tpu.memory_space<vmem>>, vector<16xf32>,
    tpu.vector_store %arg17[%swap3A_46], %unpack3A_44 {strides = array<i32>} : memref<5000xf32, #tpu.memory_space<vmem>>, vector<16xf32>,
    %scan3A_48 = arith.constant 0 : i32
    %scan3A_49 = arith.constant 0 : i32
    %scan3A_50 = arith.constant 312 : i32
    %scan3A_51 = arith.addi %scan3A_49, %scan3A_50 : i32
    %scan3A_52 = arith.constant 1 : i32
    scf.for %scan3A_86 = %scan3A_49 to %scan3A_51 step %scan3A_52  : i32 {
      %mul3A_87 = arith.constant 16 : i32
      %mul3A_88 = arith.muli %scan3A_86, %mul3A_87 : i32
      %get3A_89 = arith.index_cast %mul3A_88 : i32 to index
      %get3A_90 = tpu.vector_load %arg15[%get3A_89] {strides = array<i32>} : memref<5000xi32, #tpu.memory_space<vmem>>, vector<16xi32>,
      %bitcast3A_91 = vector.bitcast %get3A_90 : vector<16xi32> to vector<32xbf16>
      %unpack3A_92 = tpu.unpack_subelements %bitcast3A_91, 0 {pack_format = #tpu.pack_format<interleaved>} : vector<32xbf16> -> vector<16xf32>
      %unpack3A_93 = tpu.unpack_subelements %bitcast3A_91, 1 {pack_format = #tpu.pack_format<interleaved>} : vector<32xbf16> -> vector<16xf32>
      %swap3A_94 = arith.index_cast %mul3A_88 : i32 to index
      %swap3A_95 = tpu.vector_load %arg18[%swap3A_94] {strides = array<i32>} : memref<5000xf32, #tpu.memory_space<vmem>>, vector<16xf32>,
      %swap3A_96 = vector.shape_cast %swap3A_95 : vector<16xf32> to vector<16xf32>
      %swap3A_97 = vector.shape_cast %unpack3A_92 : vector<16xf32> to vector<16xf32>
      tpu.vector_store %arg18[%swap3A_94], %swap3A_97 {strides = array<i32>} : memref<5000xf32, #tpu.memory_space<vmem>>, vector<16xf32>,
      %swap3A_98 = arith.index_cast %mul3A_88 : i32 to index
      %swap3A_99 = tpu.vector_load %arg19[%swap3A_98] {strides = array<i32>} : memref<5000xf32, #tpu.memory_space<vmem>>, vector<16xf32>,
      %swap3A_100 = vector.shape_cast %swap3A_99 : vector<16xf32> to vector<16xf32>
      %swap3A_101 = vector.shape_cast %unpack3A_93 : vector<16xf32> to vector<16xf32>
      tpu.vector_store %arg19[%swap3A_98], %swap3A_101 {strides = array<i32>} : memref<5000xf32, #tpu.memory_space<vmem>>, vector<16xf32>,
    }
    %scan3A_53 = arith.constant 312 : i32
    %get3A_54 = arith.constant 4984 : index
    %get3A_55 = tpu.vector_load %arg15[%get3A_54] {strides = array<i32>} : memref<5000xi32, #tpu.memory_space<vmem>>, vector<16xi32>,
    %bitcast3A_56 = vector.bitcast %get3A_55 : vector<16xi32> to vector<32xbf16>
    %unpack3A_57 = tpu.unpack_subelements %bitcast3A_56, 0 {pack_format = #tpu.pack_format<interleaved>} : vector<32xbf16> -> vector<16xf32>
    %unpack3A_58 = tpu.unpack_subelements %bitcast3A_56, 1 {pack_format = #tpu.pack_format<interleaved>} : vector<32xbf16> -> vector<16xf32>
    %swap3A_59 = arith.constant 4984 : index
    %swap3A_60 = tpu.vector_load %arg18[%swap3A_59] {strides = array<i32>} : memref<5000xf32, #tpu.memory_space<vmem>>, vector<16xf32>,
    tpu.vector_store %arg18[%swap3A_59], %unpack3A_57 {strides = array<i32>} : memref<5000xf32, #tpu.memory_space<vmem>>, vector<16xf32>,
    %swap3A_61 = arith.constant 4984 : index
    %swap3A_62 = tpu.vector_load %arg19[%swap3A_61] {strides = array<i32>} : memref<5000xf32, #tpu.memory_space<vmem>>, vector<16xf32>,
    tpu.vector_store %arg19[%swap3A_61], %unpack3A_58 {strides = array<i32>} : memref<5000xf32, #tpu.memory_space<vmem>>, vector<16xf32>,
    %dma_start3A_63 = arith.constant 0 : i32
    %dma_start3A_64 = tpu.memref_slice %arg28[%dma_start3A_63] : memref<100352xf32, #tpu.memory_space<vmem_shared>> -> memref<100352xf32, #tpu.memory_space<vmem_shared>>
    tpu.enqueue_indirect_dma source(%arg16 : memref<5000xf32, #tpu.memory_space<vmem>>) target(%dma_start3A_64 : memref<100352xf32, #tpu.memory_space<vmem_shared>>) offsets(%arg11 : memref<5000xi32, #tpu.memory_space<vmem>>) semaphore(%arg38 : memref<!tpu.dma_semaphore, #tpu.memory_space<semaphore_mem>>) {add = true}
    %dma_start3A_65 = arith.constant 0 : i32
    %dma_start3A_66 = tpu.memref_slice %arg29[%dma_start3A_65] : memref<100352xf32, #tpu.memory_space<vmem_shared>> -> memref<100352xf32, #tpu.memory_space<vmem_shared>>
    tpu.enqueue_indirect_dma source(%arg17 : memref<5000xf32, #tpu.memory_space<vmem>>) target(%dma_start3A_66 : memref<100352xf32, #tpu.memory_space<vmem_shared>>) offsets(%arg11 : memref<5000xi32, #tpu.memory_space<vmem>>) semaphore(%arg39 : memref<!tpu.dma_semaphore, #tpu.memory_space<semaphore_mem>>) {add = true}
    %dma_start3A_67 = arith.constant 0 : i32
    %dma_start3A_68 = tpu.memref_slice %arg30[%dma_start3A_67] : memref<100352xf32, #tpu.memory_space<vmem_shared>> -> memref<100352xf32, #tpu.memory_space<vmem_shared>>
    tpu.enqueue_indirect_dma source(%arg18 : memref<5000xf32, #tpu.memory_space<vmem>>) target(%dma_start3A_68 : memref<100352xf32, #tpu.memory_space<vmem_shared>>) offsets(%arg11 : memref<5000xi32, #tpu.memory_space<vmem>>) semaphore(%arg40 : memref<!tpu.dma_semaphore, #tpu.memory_space<semaphore_mem>>) {add = true}
    %dma_start3A_69 = arith.constant 0 : i32
    %dma_start3A_70 = tpu.memref_slice %arg31[%dma_start3A_69] : memref<100352xf32, #tpu.memory_space<vmem_shared>> -> memref<100352xf32, #tpu.memory_space<vmem_shared>>
    tpu.enqueue_indirect_dma source(%arg19 : memref<5000xf32, #tpu.memory_space<vmem>>) target(%dma_start3A_70 : memref<100352xf32, #tpu.memory_space<vmem_shared>>) offsets(%arg11 : memref<5000xi32, #tpu.memory_space<vmem>>) semaphore(%arg41 : memref<!tpu.dma_semaphore, #tpu.memory_space<semaphore_mem>>) {add = true}
    %scan3A_71 = arith.constant 0 : i32
    %scan3A_72 = arith.constant 1 : i32
    %scan3A_73 = arith.constant 39 : i32
    %scan3A_74 = arith.addi %scan3A_72, %scan3A_73 : i32
    %scan3A_75 = arith.constant 1 : i32
    scf.for %scan3A_86 = %scan3A_72 to %scan3A_74 step %scan3A_75  : i32 {
      %rem3A = arith.constant 2 : i32
      %rem3A_87 = arith.remsi %scan3A_86, %rem3A : i32
      %eq3A = arith.constant 0 : i32
      %eq3A_88 = arith.cmpi eq, %rem3A_87, %eq3A : i32
      %convert_element_type3A = arith.extui %eq3A_88 : i1 to i32
      %cond3A = arith.constant 0 : i32
      %cond3A_89 = arith.cmpi ne, %convert_element_type3A, %cond3A : i32
      scf.if %cond3A_89 {
        %dma_wait3A_94 = arith.constant 0 : i32
        %dma_wait3A_95 = tpu.memref_slice %arg2[%dma_wait3A_94] : memref<6400000xi32, #tpu.memory_space<hbm>> -> memref<5000xi32, #tpu.memory_space<hbm>>
        %dma_wait3A_96 = arith.constant 0 : i32
        %dma_wait3A_97 = tpu.memref_slice %arg2[%dma_wait3A_96] : memref<6400000xi32, #tpu.memory_space<hbm>> -> memref<5000xi32, #tpu.memory_space<hbm>>
        tpu.wait_dma2 semaphore(%arg32 : memref<!tpu.dma_semaphore, #tpu.memory_space<semaphore_mem>>) src(%dma_wait3A_97 : memref<5000xi32, #tpu.memory_space<hbm>>) dst(%arg10 : memref<5000xi32, #tpu.memory_space<vmem>>)
        %dma_wait3A_98 = arith.constant 0 : i32
        %dma_wait3A_99 = tpu.memref_slice %arg3[%dma_wait3A_98] : memref<6400000xi32, #tpu.memory_space<hbm>> -> memref<5000xi32, #tpu.memory_space<hbm>>
        %dma_wait3A_100 = arith.constant 0 : i32
        %dma_wait3A_101 = tpu.memref_slice %arg3[%dma_wait3A_100] : memref<6400000xi32, #tpu.memory_space<hbm>> -> memref<5000xi32, #tpu.memory_space<hbm>>
        tpu.wait_dma2 semaphore(%arg33 : memref<!tpu.dma_semaphore, #tpu.memory_space<semaphore_mem>>) src(%dma_wait3A_101 : memref<5000xi32, #tpu.memory_space<hbm>>) dst(%arg11 : memref<5000xi32, #tpu.memory_space<vmem>>)
        %dma_start3A_102 = arith.constant 0 : i32
        %dma_start3A_103 = tpu.memref_slice %arg26[%dma_start3A_102] : memref<100352xi32, #tpu.memory_space<vmem_shared>> -> memref<100352xi32, #tpu.memory_space<vmem_shared>>
        tpu.enqueue_indirect_dma source(%dma_start3A_103 : memref<100352xi32, #tpu.memory_space<vmem_shared>>) target(%arg14 : memref<5000xi32, #tpu.memory_space<vmem>>) offsets(%arg10 : memref<5000xi32, #tpu.memory_space<vmem>>) semaphore(%arg36 : memref<!tpu.dma_semaphore, #tpu.memory_space<semaphore_mem>>)
        %dma_start3A_104 = arith.constant 0 : i32
        %dma_start3A_105 = tpu.memref_slice %arg27[%dma_start3A_104] : memref<100352xi32, #tpu.memory_space<vmem_shared>> -> memref<100352xi32, #tpu.memory_space<vmem_shared>>
        tpu.enqueue_indirect_dma source(%dma_start3A_105 : memref<100352xi32, #tpu.memory_space<vmem_shared>>) target(%arg15 : memref<5000xi32, #tpu.memory_space<vmem>>) offsets(%arg10 : memref<5000xi32, #tpu.memory_space<vmem>>) semaphore(%arg37 : memref<!tpu.dma_semaphore, #tpu.memory_space<semaphore_mem>>)
        %dma_wait3A_106 = arith.constant 0 : i32
        %dma_wait3A_107 = tpu.memref_slice %arg28[%dma_wait3A_106] : memref<100352xf32, #tpu.memory_space<vmem_shared>> -> memref<100352xf32, #tpu.memory_space<vmem_shared>>
        tpu.wait_indirect_dma semaphore(%arg42 : memref<!tpu.dma_semaphore, #tpu.memory_space<semaphore_mem>>) src(%arg20 : memref<5000xf32, #tpu.memory_space<vmem>>) dst(%dma_wait3A_107 : memref<100352xf32, #tpu.memory_space<vmem_shared>>)
        %dma_wait3A_108 = arith.constant 0 : i32
        %dma_wait3A_109 = tpu.memref_slice %arg29[%dma_wait3A_108] : memref<100352xf32, #tpu.memory_space<vmem_shared>> -> memref<100352xf32, #tpu.memory_space<vmem_shared>>
        tpu.wait_indirect_dma semaphore(%arg43 : memref<!tpu.dma_semaphore, #tpu.memory_space<semaphore_mem>>) src(%arg21 : memref<5000xf32, #tpu.memory_space<vmem>>) dst(%dma_wait3A_109 : memref<100352xf32, #tpu.memory_space<vmem_shared>>)
        %dma_wait3A_110 = arith.constant 0 : i32
        %dma_wait3A_111 = tpu.memref_slice %arg30[%dma_wait3A_110] : memref<100352xf32, #tpu.memory_space<vmem_shared>> -> memref<100352xf32, #tpu.memory_space<vmem_shared>>
        tpu.wait_indirect_dma semaphore(%arg44 : memref<!tpu.dma_semaphore, #tpu.memory_space<semaphore_mem>>) src(%arg22 : memref<5000xf32, #tpu.memory_space<vmem>>) dst(%dma_wait3A_111 : memref<100352xf32, #tpu.memory_space<vmem_shared>>)
        %dma_wait3A_112 = arith.constant 0 : i32
        %dma_wait3A_113 = tpu.memref_slice %arg31[%dma_wait3A_112] : memref<100352xf32, #tpu.memory_space<vmem_shared>> -> memref<100352xf32, #tpu.memory_space<vmem_shared>>
        tpu.wait_indirect_dma semaphore(%arg45 : memref<!tpu.dma_semaphore, #tpu.memory_space<semaphore_mem>>) src(%arg23 : memref<5000xf32, #tpu.memory_space<vmem>>) dst(%dma_wait3A_113 : memref<100352xf32, #tpu.memory_space<vmem_shared>>)
        %add3A_114 = arith.constant 1 : i32
        %add3A_115 = arith.addi %scan3A_86, %add3A_114 : i32
        %lt3A = arith.constant 40 : i32
        %lt3A_116 = arith.cmpi slt, %add3A_115, %lt3A : i32
        %convert_element_type3A_117 = arith.extui %lt3A_116 : i1 to i32
        %cond3A_118 = arith.constant 0 : i32
        %cond3A_119 = arith.cmpi ne, %convert_element_type3A_117, %cond3A_118 : i32
        scf.if %cond3A_119 {
          %add3A_162 = arith.constant 1 : i32
          %add3A_163 = arith.addi %scan3A_86, %add3A_162 : i32
          %mul3A_164 = arith.constant 5000 : i32
          %mul3A_165 = arith.muli %add3A_163, %mul3A_164 : i32
          %add3A_166 = arith.addi %mul3A_4, %mul3A_165 : i32
          %multiple_of3A_167 = tpu.assume_multiple %add3A_166, 8 : i32
          %dma_start3A_168 = tpu.memref_slice %arg2[%multiple_of3A_167] : memref<6400000xi32, #tpu.memory_space<hbm>> -> memref<5000xi32, #tpu.memory_space<hbm>>
          %dma_start3A_169 = tpu.memref_slice %arg2[%multiple_of3A_167] : memref<6400000xi32, #tpu.memory_space<hbm>> -> memref<5000xi32, #tpu.memory_space<hbm>>
          tpu.enqueue_dma source(%dma_start3A_169 : memref<5000xi32, #tpu.memory_space<hbm>>) target(%arg12 : memref<5000xi32, #tpu.memory_space<vmem>>) target_semaphore(%arg34 : memref<!tpu.dma_semaphore, #tpu.memory_space<semaphore_mem>>)
          %dma_start3A_170 = tpu.memref_slice %arg3[%multiple_of3A_167] : memref<6400000xi32, #tpu.memory_space<hbm>> -> memref<5000xi32, #tpu.memory_space<hbm>>
          %dma_start3A_171 = tpu.memref_slice %arg3[%multiple_of3A_167] : memref<6400000xi32, #tpu.memory_space<hbm>> -> memref<5000xi32, #tpu.memory_space<hbm>>
          tpu.enqueue_dma source(%dma_start3A_171 : memref<5000xi32, #tpu.memory_space<hbm>>) target(%arg13 : memref<5000xi32, #tpu.memory_space<vmem>>) target_semaphore(%arg35 : memref<!tpu.dma_semaphore, #tpu.memory_space<semaphore_mem>>)
        } else {
        }
        %dma_wait3A_120 = arith.constant 0 : i32
        %dma_wait3A_121 = tpu.memref_slice %arg26[%dma_wait3A_120] : memref<100352xi32, #tpu.memory_space<vmem_shared>> -> memref<100352xi32, #tpu.memory_space<vmem_shared>>
        tpu.wait_indirect_dma semaphore(%arg36 : memref<!tpu.dma_semaphore, #tpu.memory_space<semaphore_mem>>) src(%dma_wait3A_121 : memref<100352xi32, #tpu.memory_space<vmem_shared>>) dst(%arg14 : memref<5000xi32, #tpu.memory_space<vmem>>)
        %dma_wait3A_122 = arith.constant 0 : i32
        %dma_wait3A_123 = tpu.memref_slice %arg27[%dma_wait3A_122] : memref<100352xi32, #tpu.memory_space<vmem_shared>> -> memref<100352xi32, #tpu.memory_space<vmem_shared>>
        tpu.wait_indirect_dma semaphore(%arg37 : memref<!tpu.dma_semaphore, #tpu.memory_space<semaphore_mem>>) src(%dma_wait3A_123 : memref<100352xi32, #tpu.memory_space<vmem_shared>>) dst(%arg15 : memref<5000xi32, #tpu.memory_space<vmem>>)
        %scan3A_124 = arith.constant 0 : i32
        %scan3A_125 = arith.constant 0 : i32
        %scan3A_126 = arith.constant 312 : i32
        %scan3A_127 = arith.addi %scan3A_125, %scan3A_126 : i32
        %scan3A_128 = arith.constant 1 : i32
        scf.for %scan3A_162 = %scan3A_125 to %scan3A_127 step %scan3A_128  : i32 {
          %mul3A_163 = arith.constant 16 : i32
          %mul3A_164 = arith.muli %scan3A_162, %mul3A_163 : i32
          %get3A_165 = arith.index_cast %mul3A_164 : i32 to index
          %get3A_166 = tpu.vector_load %arg14[%get3A_165] {strides = array<i32>} : memref<5000xi32, #tpu.memory_space<vmem>>, vector<16xi32>,
          %bitcast3A_167 = vector.bitcast %get3A_166 : vector<16xi32> to vector<32xbf16>
          %unpack3A_168 = tpu.unpack_subelements %bitcast3A_167, 0 {pack_format = #tpu.pack_format<interleaved>} : vector<32xbf16> -> vector<16xf32>
          %unpack3A_169 = tpu.unpack_subelements %bitcast3A_167, 1 {pack_format = #tpu.pack_format<interleaved>} : vector<32xbf16> -> vector<16xf32>
          %swap3A_170 = arith.index_cast %mul3A_164 : i32 to index
          %swap3A_171 = tpu.vector_load %arg16[%swap3A_170] {strides = array<i32>} : memref<5000xf32, #tpu.memory_space<vmem>>, vector<16xf32>,
          %swap3A_172 = vector.shape_cast %swap3A_171 : vector<16xf32> to vector<16xf32>
          %swap3A_173 = vector.shape_cast %unpack3A_168 : vector<16xf32> to vector<16xf32>
          tpu.vector_store %arg16[%swap3A_170], %swap3A_173 {strides = array<i32>} : memref<5000xf32, #tpu.memory_space<vmem>>, vector<16xf32>,
          %swap3A_174 = arith.index_cast %mul3A_164 : i32 to index
          %swap3A_175 = tpu.vector_load %arg17[%swap3A_174] {strides = array<i32>} : memref<5000xf32, #tpu.memory_space<vmem>>, vector<16xf32>,
          %swap3A_176 = vector.shape_cast %swap3A_175 : vector<16xf32> to vector<16xf32>
          %swap3A_177 = vector.shape_cast %unpack3A_169 : vector<16xf32> to vector<16xf32>
          tpu.vector_store %arg17[%swap3A_174], %swap3A_177 {strides = array<i32>} : memref<5000xf32, #tpu.memory_space<vmem>>, vector<16xf32>,
        }
        %scan3A_129 = arith.constant 312 : i32
        %get3A_130 = arith.constant 4984 : index
        %get3A_131 = tpu.vector_load %arg14[%get3A_130] {strides = array<i32>} : memref<5000xi32, #tpu.memory_space<vmem>>, vector<16xi32>,
        %bitcast3A_132 = vector.bitcast %get3A_131 : vector<16xi32> to vector<32xbf16>
        %unpack3A_133 = tpu.unpack_subelements %bitcast3A_132, 0 {pack_format = #tpu.pack_format<interleaved>} : vector<32xbf16> -> vector<16xf32>
        %unpack3A_134 = tpu.unpack_subelements %bitcast3A_132, 1 {pack_format = #tpu.pack_format<interleaved>} : vector<32xbf16> -> vector<16xf32>
        %swap3A_135 = arith.constant 4984 : index
        %swap3A_136 = tpu.vector_load %arg16[%swap3A_135] {strides = array<i32>} : memref<5000xf32, #tpu.memory_space<vmem>>, vector<16xf32>,
        tpu.vector_store %arg16[%swap3A_135], %unpack3A_133 {strides = array<i32>} : memref<5000xf32, #tpu.memory_space<vmem>>, vector<16xf32>,
        %swap3A_137 = arith.constant 4984 : index
        %swap3A_138 = tpu.vector_load %arg17[%swap3A_137] {strides = array<i32>} : memref<5000xf32, #tpu.memory_space<vmem>>, vector<16xf32>,
        tpu.vector_store %arg17[%swap3A_137], %unpack3A_134 {strides = array<i32>} : memref<5000xf32, #tpu.memory_space<vmem>>, vector<16xf32>,
        %scan3A_139 = arith.constant 0 : i32
        %scan3A_140 = arith.constant 0 : i32
        %scan3A_141 = arith.constant 312 : i32
        %scan3A_142 = arith.addi %scan3A_140, %scan3A_141 : i32
        %scan3A_143 = arith.constant 1 : i32
        scf.for %scan3A_162 = %scan3A_140 to %scan3A_142 step %scan3A_143  : i32 {
          %mul3A_163 = arith.constant 16 : i32
          %mul3A_164 = arith.muli %scan3A_162, %mul3A_163 : i32
          %get3A_165 = arith.index_cast %mul3A_164 : i32 to index
          %get3A_166 = tpu.vector_load %arg15[%get3A_165] {strides = array<i32>} : memref<5000xi32, #tpu.memory_space<vmem>>, vector<16xi32>,
          %bitcast3A_167 = vector.bitcast %get3A_166 : vector<16xi32> to vector<32xbf16>
          %unpack3A_168 = tpu.unpack_subelements %bitcast3A_167, 0 {pack_format = #tpu.pack_format<interleaved>} : vector<32xbf16> -> vector<16xf32>
          %unpack3A_169 = tpu.unpack_subelements %bitcast3A_167, 1 {pack_format = #tpu.pack_format<interleaved>} : vector<32xbf16> -> vector<16xf32>
          %swap3A_170 = arith.index_cast %mul3A_164 : i32 to index
          %swap3A_171 = tpu.vector_load %arg18[%swap3A_170] {strides = array<i32>} : memref<5000xf32, #tpu.memory_space<vmem>>, vector<16xf32>,
          %swap3A_172 = vector.shape_cast %swap3A_171 : vector<16xf32> to vector<16xf32>
          %swap3A_173 = vector.shape_cast %unpack3A_168 : vector<16xf32> to vector<16xf32>
          tpu.vector_store %arg18[%swap3A_170], %swap3A_173 {strides = array<i32>} : memref<5000xf32, #tpu.memory_space<vmem>>, vector<16xf32>,
          %swap3A_174 = arith.index_cast %mul3A_164 : i32 to index
          %swap3A_175 = tpu.vector_load %arg19[%swap3A_174] {strides = array<i32>} : memref<5000xf32, #tpu.memory_space<vmem>>, vector<16xf32>,
          %swap3A_176 = vector.shape_cast %swap3A_175 : vector<16xf32> to vector<16xf32>
          %swap3A_177 = vector.shape_cast %unpack3A_169 : vector<16xf32> to vector<16xf32>
          tpu.vector_store %arg19[%swap3A_174], %swap3A_177 {strides = array<i32>} : memref<5000xf32, #tpu.memory_space<vmem>>, vector<16xf32>,
        }
        %scan3A_144 = arith.constant 312 : i32
        %get3A_145 = arith.constant 4984 : index
        %get3A_146 = tpu.vector_load %arg15[%get3A_145] {strides = array<i32>} : memref<5000xi32, #tpu.memory_space<vmem>>, vector<16xi32>,
        %bitcast3A_147 = vector.bitcast %get3A_146 : vector<16xi32> to vector<32xbf16>
        %unpack3A_148 = tpu.unpack_subelements %bitcast3A_147, 0 {pack_format = #tpu.pack_format<interleaved>} : vector<32xbf16> -> vector<16xf32>
        %unpack3A_149 = tpu.unpack_subelements %bitcast3A_147, 1 {pack_format = #tpu.pack_format<interleaved>} : vector<32xbf16> -> vector<16xf32>
        %swap3A_150 = arith.constant 4984 : index
        %swap3A_151 = tpu.vector_load %arg18[%swap3A_150] {strides = array<i32>} : memref<5000xf32, #tpu.memory_space<vmem>>, vector<16xf32>,
        tpu.vector_store %arg18[%swap3A_150], %unpack3A_148 {strides = array<i32>} : memref<5000xf32, #tpu.memory_space<vmem>>, vector<16xf32>,
        %swap3A_152 = arith.constant 4984 : index
        %swap3A_153 = tpu.vector_load %arg19[%swap3A_152] {strides = array<i32>} : memref<5000xf32, #tpu.memory_space<vmem>>, vector<16xf32>,
        tpu.vector_store %arg19[%swap3A_152], %unpack3A_149 {strides = array<i32>} : memref<5000xf32, #tpu.memory_space<vmem>>, vector<16xf32>,
        %dma_start3A_154 = arith.constant 0 : i32
        %dma_start3A_155 = tpu.memref_slice %arg28[%dma_start3A_154] : memref<100352xf32, #tpu.memory_space<vmem_shared>> -> memref<100352xf32, #tpu.memory_space<vmem_shared>>
        tpu.enqueue_indirect_dma source(%arg16 : memref<5000xf32, #tpu.memory_space<vmem>>) target(%dma_start3A_155 : memref<100352xf32, #tpu.memory_space<vmem_shared>>) offsets(%arg11 : memref<5000xi32, #tpu.memory_space<vmem>>) semaphore(%arg38 : memref<!tpu.dma_semaphore, #tpu.memory_space<semaphore_mem>>) {add = true}
        %dma_start3A_156 = arith.constant 0 : i32
        %dma_start3A_157 = tpu.memref_slice %arg29[%dma_start3A_156] : memref<100352xf32, #tpu.memory_space<vmem_shared>> -> memref<100352xf32, #tpu.memory_space<vmem_shared>>
        tpu.enqueue_indirect_dma source(%arg17 : memref<5000xf32, #tpu.memory_space<vmem>>) target(%dma_start3A_157 : memref<100352xf32, #tpu.memory_space<vmem_shared>>) offsets(%arg11 : memref<5000xi32, #tpu.memory_space<vmem>>) semaphore(%arg39 : memref<!tpu.dma_semaphore, #tpu.memory_space<semaphore_mem>>) {add = true}
        %dma_start3A_158 = arith.constant 0 : i32
        %dma_start3A_159 = tpu.memref_slice %arg30[%dma_start3A_158] : memref<100352xf32, #tpu.memory_space<vmem_shared>> -> memref<100352xf32, #tpu.memory_space<vmem_shared>>
        tpu.enqueue_indirect_dma source(%arg18 : memref<5000xf32, #tpu.memory_space<vmem>>) target(%dma_start3A_159 : memref<100352xf32, #tpu.memory_space<vmem_shared>>) offsets(%arg11 : memref<5000xi32, #tpu.memory_space<vmem>>) semaphore(%arg40 : memref<!tpu.dma_semaphore, #tpu.memory_space<semaphore_mem>>) {add = true}
        %dma_start3A_160 = arith.constant 0 : i32
        %dma_start3A_161 = tpu.memref_slice %arg31[%dma_start3A_160] : memref<100352xf32, #tpu.memory_space<vmem_shared>> -> memref<100352xf32, #tpu.memory_space<vmem_shared>>
        tpu.enqueue_indirect_dma source(%arg19 : memref<5000xf32, #tpu.memory_space<vmem>>) target(%dma_start3A_161 : memref<100352xf32, #tpu.memory_space<vmem_shared>>) offsets(%arg11 : memref<5000xi32, #tpu.memory_space<vmem>>) semaphore(%arg41 : memref<!tpu.dma_semaphore, #tpu.memory_space<semaphore_mem>>) {add = true}
      } else {
      }
      %not3A = arith.constant true
      %not3A_90 = arith.xori %eq3A_88, %not3A : i1
      %convert_element_type3A_91 = arith.extui %not3A_90 : i1 to i32
      %cond3A_92 = arith.constant 0 : i32
      %cond3A_93 = arith.cmpi ne, %convert_element_type3A_91, %cond3A_92 : i32
      scf.if %cond3A_93 {
        %dma_wait3A_94 = arith.constant 0 : i32
        %dma_wait3A_95 = tpu.memref_slice %arg2[%dma_wait3A_94] : memref<6400000xi32, #tpu.memory_space<hbm>> -> memref<5000xi32, #tpu.memory_space<hbm>>
        %dma_wait3A_96 = arith.constant 0 : i32
        %dma_wait3A_97 = tpu.memref_slice %arg2[%dma_wait3A_96] : memref<6400000xi32, #tpu.memory_space<hbm>> -> memref<5000xi32, #tpu.memory_space<hbm>>
        tpu.wait_dma2 semaphore(%arg34 : memref<!tpu.dma_semaphore, #tpu.memory_space<semaphore_mem>>) src(%dma_wait3A_97 : memref<5000xi32, #tpu.memory_space<hbm>>) dst(%arg12 : memref<5000xi32, #tpu.memory_space<vmem>>)
        %dma_wait3A_98 = arith.constant 0 : i32
        %dma_wait3A_99 = tpu.memref_slice %arg3[%dma_wait3A_98] : memref<6400000xi32, #tpu.memory_space<hbm>> -> memref<5000xi32, #tpu.memory_space<hbm>>
        %dma_wait3A_100 = arith.constant 0 : i32
        %dma_wait3A_101 = tpu.memref_slice %arg3[%dma_wait3A_100] : memref<6400000xi32, #tpu.memory_space<hbm>> -> memref<5000xi32, #tpu.memory_space<hbm>>
        tpu.wait_dma2 semaphore(%arg35 : memref<!tpu.dma_semaphore, #tpu.memory_space<semaphore_mem>>) src(%dma_wait3A_101 : memref<5000xi32, #tpu.memory_space<hbm>>) dst(%arg13 : memref<5000xi32, #tpu.memory_space<vmem>>)
        %dma_start3A_102 = arith.constant 0 : i32
        %dma_start3A_103 = tpu.memref_slice %arg26[%dma_start3A_102] : memref<100352xi32, #tpu.memory_space<vmem_shared>> -> memref<100352xi32, #tpu.memory_space<vmem_shared>>
        tpu.enqueue_indirect_dma source(%dma_start3A_103 : memref<100352xi32, #tpu.memory_space<vmem_shared>>) target(%arg14 : memref<5000xi32, #tpu.memory_space<vmem>>) offsets(%arg12 : memref<5000xi32, #tpu.memory_space<vmem>>) semaphore(%arg36 : memref<!tpu.dma_semaphore, #tpu.memory_space<semaphore_mem>>)
        %dma_start3A_104 = arith.constant 0 : i32
        %dma_start3A_105 = tpu.memref_slice %arg27[%dma_start3A_104] : memref<100352xi32, #tpu.memory_space<vmem_shared>> -> memref<100352xi32, #tpu.memory_space<vmem_shared>>
        tpu.enqueue_indirect_dma source(%dma_start3A_105 : memref<100352xi32, #tpu.memory_space<vmem_shared>>) target(%arg15 : memref<5000xi32, #tpu.memory_space<vmem>>) offsets(%arg12 : memref<5000xi32, #tpu.memory_space<vmem>>) semaphore(%arg37 : memref<!tpu.dma_semaphore, #tpu.memory_space<semaphore_mem>>)
        %dma_wait3A_106 = arith.constant 0 : i32
        %dma_wait3A_107 = tpu.memref_slice %arg28[%dma_wait3A_106] : memref<100352xf32, #tpu.memory_space<vmem_shared>> -> memref<100352xf32, #tpu.memory_space<vmem_shared>>
        tpu.wait_indirect_dma semaphore(%arg38 : memref<!tpu.dma_semaphore, #tpu.memory_space<semaphore_mem>>) src(%arg16 : memref<5000xf32, #tpu.memory_space<vmem>>) dst(%dma_wait3A_107 : memref<100352xf32, #tpu.memory_space<vmem_shared>>)
        %dma_wait3A_108 = arith.constant 0 : i32
        %dma_wait3A_109 = tpu.memref_slice %arg29[%dma_wait3A_108] : memref<100352xf32, #tpu.memory_space<vmem_shared>> -> memref<100352xf32, #tpu.memory_space<vmem_shared>>
        tpu.wait_indirect_dma semaphore(%arg39 : memref<!tpu.dma_semaphore, #tpu.memory_space<semaphore_mem>>) src(%arg17 : memref<5000xf32, #tpu.memory_space<vmem>>) dst(%dma_wait3A_109 : memref<100352xf32, #tpu.memory_space<vmem_shared>>)
        %dma_wait3A_110 = arith.constant 0 : i32
        %dma_wait3A_111 = tpu.memref_slice %arg30[%dma_wait3A_110] : memref<100352xf32, #tpu.memory_space<vmem_shared>> -> memref<100352xf32, #tpu.memory_space<vmem_shared>>
        tpu.wait_indirect_dma semaphore(%arg40 : memref<!tpu.dma_semaphore, #tpu.memory_space<semaphore_mem>>) src(%arg18 : memref<5000xf32, #tpu.memory_space<vmem>>) dst(%dma_wait3A_111 : memref<100352xf32, #tpu.memory_space<vmem_shared>>)
        %dma_wait3A_112 = arith.constant 0 : i32
        %dma_wait3A_113 = tpu.memref_slice %arg31[%dma_wait3A_112] : memref<100352xf32, #tpu.memory_space<vmem_shared>> -> memref<100352xf32, #tpu.memory_space<vmem_shared>>
        tpu.wait_indirect_dma semaphore(%arg41 : memref<!tpu.dma_semaphore, #tpu.memory_space<semaphore_mem>>) src(%arg19 : memref<5000xf32, #tpu.memory_space<vmem>>) dst(%dma_wait3A_113 : memref<100352xf32, #tpu.memory_space<vmem_shared>>)
        %add3A_114 = arith.constant 1 : i32
        %add3A_115 = arith.addi %scan3A_86, %add3A_114 : i32
        %lt3A = arith.constant 40 : i32
        %lt3A_116 = arith.cmpi slt, %add3A_115, %lt3A : i32
        %convert_element_type3A_117 = arith.extui %lt3A_116 : i1 to i32
        %cond3A_118 = arith.constant 0 : i32
        %cond3A_119 = arith.cmpi ne, %convert_element_type3A_117, %cond3A_118 : i32
        scf.if %cond3A_119 {
          %add3A_162 = arith.constant 1 : i32
          %add3A_163 = arith.addi %scan3A_86, %add3A_162 : i32
          %mul3A_164 = arith.constant 5000 : i32
          %mul3A_165 = arith.muli %add3A_163, %mul3A_164 : i32
          %add3A_166 = arith.addi %mul3A_4, %mul3A_165 : i32
          %multiple_of3A_167 = tpu.assume_multiple %add3A_166, 8 : i32
          %dma_start3A_168 = tpu.memref_slice %arg2[%multiple_of3A_167] : memref<6400000xi32, #tpu.memory_space<hbm>> -> memref<5000xi32, #tpu.memory_space<hbm>>
          %dma_start3A_169 = tpu.memref_slice %arg2[%multiple_of3A_167] : memref<6400000xi32, #tpu.memory_space<hbm>> -> memref<5000xi32, #tpu.memory_space<hbm>>
          tpu.enqueue_dma source(%dma_start3A_169 : memref<5000xi32, #tpu.memory_space<hbm>>) target(%arg10 : memref<5000xi32, #tpu.memory_space<vmem>>) target_semaphore(%arg32 : memref<!tpu.dma_semaphore, #tpu.memory_space<semaphore_mem>>)
          %dma_start3A_170 = tpu.memref_slice %arg3[%multiple_of3A_167] : memref<6400000xi32, #tpu.memory_space<hbm>> -> memref<5000xi32, #tpu.memory_space<hbm>>
          %dma_start3A_171 = tpu.memref_slice %arg3[%multiple_of3A_167] : memref<6400000xi32, #tpu.memory_space<hbm>> -> memref<5000xi32, #tpu.memory_space<hbm>>
          tpu.enqueue_dma source(%dma_start3A_171 : memref<5000xi32, #tpu.memory_space<hbm>>) target(%arg11 : memref<5000xi32, #tpu.memory_space<vmem>>) target_semaphore(%arg33 : memref<!tpu.dma_semaphore, #tpu.memory_space<semaphore_mem>>)
        } else {
        }
        %dma_wait3A_120 = arith.constant 0 : i32
        %dma_wait3A_121 = tpu.memref_slice %arg26[%dma_wait3A_120] : memref<100352xi32, #tpu.memory_space<vmem_shared>> -> memref<100352xi32, #tpu.memory_space<vmem_shared>>
        tpu.wait_indirect_dma semaphore(%arg36 : memref<!tpu.dma_semaphore, #tpu.memory_space<semaphore_mem>>) src(%dma_wait3A_121 : memref<100352xi32, #tpu.memory_space<vmem_shared>>) dst(%arg14 : memref<5000xi32, #tpu.memory_space<vmem>>)
        %dma_wait3A_122 = arith.constant 0 : i32
        %dma_wait3A_123 = tpu.memref_slice %arg27[%dma_wait3A_122] : memref<100352xi32, #tpu.memory_space<vmem_shared>> -> memref<100352xi32, #tpu.memory_space<vmem_shared>>
        tpu.wait_indirect_dma semaphore(%arg37 : memref<!tpu.dma_semaphore, #tpu.memory_space<semaphore_mem>>) src(%dma_wait3A_123 : memref<100352xi32, #tpu.memory_space<vmem_shared>>) dst(%arg15 : memref<5000xi32, #tpu.memory_space<vmem>>)
        %scan3A_124 = arith.constant 0 : i32
        %scan3A_125 = arith.constant 0 : i32
        %scan3A_126 = arith.constant 312 : i32
        %scan3A_127 = arith.addi %scan3A_125, %scan3A_126 : i32
        %scan3A_128 = arith.constant 1 : i32
        scf.for %scan3A_162 = %scan3A_125 to %scan3A_127 step %scan3A_128  : i32 {
          %mul3A_163 = arith.constant 16 : i32
          %mul3A_164 = arith.muli %scan3A_162, %mul3A_163 : i32
          %get3A_165 = arith.index_cast %mul3A_164 : i32 to index
          %get3A_166 = tpu.vector_load %arg14[%get3A_165] {strides = array<i32>} : memref<5000xi32, #tpu.memory_space<vmem>>, vector<16xi32>,
          %bitcast3A_167 = vector.bitcast %get3A_166 : vector<16xi32> to vector<32xbf16>
          %unpack3A_168 = tpu.unpack_subelements %bitcast3A_167, 0 {pack_format = #tpu.pack_format<interleaved>} : vector<32xbf16> -> vector<16xf32>
          %unpack3A_169 = tpu.unpack_subelements %bitcast3A_167, 1 {pack_format = #tpu.pack_format<interleaved>} : vector<32xbf16> -> vector<16xf32>
          %swap3A_170 = arith.index_cast %mul3A_164 : i32 to index
          %swap3A_171 = tpu.vector_load %arg20[%swap3A_170] {strides = array<i32>} : memref<5000xf32, #tpu.memory_space<vmem>>, vector<16xf32>,
          %swap3A_172 = vector.shape_cast %swap3A_171 : vector<16xf32> to vector<16xf32>
          %swap3A_173 = vector.shape_cast %unpack3A_168 : vector<16xf32> to vector<16xf32>
          tpu.vector_store %arg20[%swap3A_170], %swap3A_173 {strides = array<i32>} : memref<5000xf32, #tpu.memory_space<vmem>>, vector<16xf32>,
          %swap3A_174 = arith.index_cast %mul3A_164 : i32 to index
          %swap3A_175 = tpu.vector_load %arg21[%swap3A_174] {strides = array<i32>} : memref<5000xf32, #tpu.memory_space<vmem>>, vector<16xf32>,
          %swap3A_176 = vector.shape_cast %swap3A_175 : vector<16xf32> to vector<16xf32>
          %swap3A_177 = vector.shape_cast %unpack3A_169 : vector<16xf32> to vector<16xf32>
          tpu.vector_store %arg21[%swap3A_174], %swap3A_177 {strides = array<i32>} : memref<5000xf32, #tpu.memory_space<vmem>>, vector<16xf32>,
        }
        %scan3A_129 = arith.constant 312 : i32
        %get3A_130 = arith.constant 4984 : index
        %get3A_131 = tpu.vector_load %arg14[%get3A_130] {strides = array<i32>} : memref<5000xi32, #tpu.memory_space<vmem>>, vector<16xi32>,
        %bitcast3A_132 = vector.bitcast %get3A_131 : vector<16xi32> to vector<32xbf16>
        %unpack3A_133 = tpu.unpack_subelements %bitcast3A_132, 0 {pack_format = #tpu.pack_format<interleaved>} : vector<32xbf16> -> vector<16xf32>
        %unpack3A_134 = tpu.unpack_subelements %bitcast3A_132, 1 {pack_format = #tpu.pack_format<interleaved>} : vector<32xbf16> -> vector<16xf32>
        %swap3A_135 = arith.constant 4984 : index
        %swap3A_136 = tpu.vector_load %arg20[%swap3A_135] {strides = array<i32>} : memref<5000xf32, #tpu.memory_space<vmem>>, vector<16xf32>,
        tpu.vector_store %arg20[%swap3A_135], %unpack3A_133 {strides = array<i32>} : memref<5000xf32, #tpu.memory_space<vmem>>, vector<16xf32>,
        %swap3A_137 = arith.constant 4984 : index
        %swap3A_138 = tpu.vector_load %arg21[%swap3A_137] {strides = array<i32>} : memref<5000xf32, #tpu.memory_space<vmem>>, vector<16xf32>,
        tpu.vector_store %arg21[%swap3A_137], %unpack3A_134 {strides = array<i32>} : memref<5000xf32, #tpu.memory_space<vmem>>, vector<16xf32>,
        %scan3A_139 = arith.constant 0 : i32
        %scan3A_140 = arith.constant 0 : i32
        %scan3A_141 = arith.constant 312 : i32
        %scan3A_142 = arith.addi %scan3A_140, %scan3A_141 : i32
        %scan3A_143 = arith.constant 1 : i32
        scf.for %scan3A_162 = %scan3A_140 to %scan3A_142 step %scan3A_143  : i32 {
          %mul3A_163 = arith.constant 16 : i32
          %mul3A_164 = arith.muli %scan3A_162, %mul3A_163 : i32
          %get3A_165 = arith.index_cast %mul3A_164 : i32 to index
          %get3A_166 = tpu.vector_load %arg15[%get3A_165] {strides = array<i32>} : memref<5000xi32, #tpu.memory_space<vmem>>, vector<16xi32>,
          %bitcast3A_167 = vector.bitcast %get3A_166 : vector<16xi32> to vector<32xbf16>
          %unpack3A_168 = tpu.unpack_subelements %bitcast3A_167, 0 {pack_format = #tpu.pack_format<interleaved>} : vector<32xbf16> -> vector<16xf32>
          %unpack3A_169 = tpu.unpack_subelements %bitcast3A_167, 1 {pack_format = #tpu.pack_format<interleaved>} : vector<32xbf16> -> vector<16xf32>
          %swap3A_170 = arith.index_cast %mul3A_164 : i32 to index
          %swap3A_171 = tpu.vector_load %arg22[%swap3A_170] {strides = array<i32>} : memref<5000xf32, #tpu.memory_space<vmem>>, vector<16xf32>,
          %swap3A_172 = vector.shape_cast %swap3A_171 : vector<16xf32> to vector<16xf32>
          %swap3A_173 = vector.shape_cast %unpack3A_168 : vector<16xf32> to vector<16xf32>
          tpu.vector_store %arg22[%swap3A_170], %swap3A_173 {strides = array<i32>} : memref<5000xf32, #tpu.memory_space<vmem>>, vector<16xf32>,
          %swap3A_174 = arith.index_cast %mul3A_164 : i32 to index
          %swap3A_175 = tpu.vector_load %arg23[%swap3A_174] {strides = array<i32>} : memref<5000xf32, #tpu.memory_space<vmem>>, vector<16xf32>,
          %swap3A_176 = vector.shape_cast %swap3A_175 : vector<16xf32> to vector<16xf32>
          %swap3A_177 = vector.shape_cast %unpack3A_169 : vector<16xf32> to vector<16xf32>
          tpu.vector_store %arg23[%swap3A_174], %swap3A_177 {strides = array<i32>} : memref<5000xf32, #tpu.memory_space<vmem>>, vector<16xf32>,
        }
        %scan3A_144 = arith.constant 312 : i32
        %get3A_145 = arith.constant 4984 : index
        %get3A_146 = tpu.vector_load %arg15[%get3A_145] {strides = array<i32>} : memref<5000xi32, #tpu.memory_space<vmem>>, vector<16xi32>,
        %bitcast3A_147 = vector.bitcast %get3A_146 : vector<16xi32> to vector<32xbf16>
        %unpack3A_148 = tpu.unpack_subelements %bitcast3A_147, 0 {pack_format = #tpu.pack_format<interleaved>} : vector<32xbf16> -> vector<16xf32>
        %unpack3A_149 = tpu.unpack_subelements %bitcast3A_147, 1 {pack_format = #tpu.pack_format<interleaved>} : vector<32xbf16> -> vector<16xf32>
        %swap3A_150 = arith.constant 4984 : index
        %swap3A_151 = tpu.vector_load %arg22[%swap3A_150] {strides = array<i32>} : memref<5000xf32, #tpu.memory_space<vmem>>, vector<16xf32>,
        tpu.vector_store %arg22[%swap3A_150], %unpack3A_148 {strides = array<i32>} : memref<5000xf32, #tpu.memory_space<vmem>>, vector<16xf32>,
        %swap3A_152 = arith.constant 4984 : index
        %swap3A_153 = tpu.vector_load %arg23[%swap3A_152] {strides = array<i32>} : memref<5000xf32, #tpu.memory_space<vmem>>, vector<16xf32>,
        tpu.vector_store %arg23[%swap3A_152], %unpack3A_149 {strides = array<i32>} : memref<5000xf32, #tpu.memory_space<vmem>>, vector<16xf32>,
        %dma_start3A_154 = arith.constant 0 : i32
        %dma_start3A_155 = tpu.memref_slice %arg28[%dma_start3A_154] : memref<100352xf32, #tpu.memory_space<vmem_shared>> -> memref<100352xf32, #tpu.memory_space<vmem_shared>>
        tpu.enqueue_indirect_dma source(%arg20 : memref<5000xf32, #tpu.memory_space<vmem>>) target(%dma_start3A_155 : memref<100352xf32, #tpu.memory_space<vmem_shared>>) offsets(%arg13 : memref<5000xi32, #tpu.memory_space<vmem>>) semaphore(%arg42 : memref<!tpu.dma_semaphore, #tpu.memory_space<semaphore_mem>>) {add = true}
        %dma_start3A_156 = arith.constant 0 : i32
        %dma_start3A_157 = tpu.memref_slice %arg29[%dma_start3A_156] : memref<100352xf32, #tpu.memory_space<vmem_shared>> -> memref<100352xf32, #tpu.memory_space<vmem_shared>>
        tpu.enqueue_indirect_dma source(%arg21 : memref<5000xf32, #tpu.memory_space<vmem>>) target(%dma_start3A_157 : memref<100352xf32, #tpu.memory_space<vmem_shared>>) offsets(%arg13 : memref<5000xi32, #tpu.memory_space<vmem>>) semaphore(%arg43 : memref<!tpu.dma_semaphore, #tpu.memory_space<semaphore_mem>>) {add = true}
        %dma_start3A_158 = arith.constant 0 : i32
        %dma_start3A_159 = tpu.memref_slice %arg30[%dma_start3A_158] : memref<100352xf32, #tpu.memory_space<vmem_shared>> -> memref<100352xf32, #tpu.memory_space<vmem_shared>>
        tpu.enqueue_indirect_dma source(%arg22 : memref<5000xf32, #tpu.memory_space<vmem>>) target(%dma_start3A_159 : memref<100352xf32, #tpu.memory_space<vmem_shared>>) offsets(%arg13 : memref<5000xi32, #tpu.memory_space<vmem>>) semaphore(%arg44 : memref<!tpu.dma_semaphore, #tpu.memory_space<semaphore_mem>>) {add = true}
        %dma_start3A_160 = arith.constant 0 : i32
        %dma_start3A_161 = tpu.memref_slice %arg31[%dma_start3A_160] : memref<100352xf32, #tpu.memory_space<vmem_shared>> -> memref<100352xf32, #tpu.memory_space<vmem_shared>>
        tpu.enqueue_indirect_dma source(%arg23 : memref<5000xf32, #tpu.memory_space<vmem>>) target(%dma_start3A_161 : memref<100352xf32, #tpu.memory_space<vmem_shared>>) offsets(%arg13 : memref<5000xi32, #tpu.memory_space<vmem>>) semaphore(%arg45 : memref<!tpu.dma_semaphore, #tpu.memory_space<semaphore_mem>>) {add = true}
      } else {
      }
    }
    %scan3A_76 = arith.constant 39 : i32
    %dma_wait3A_77 = arith.constant 0 : i32
    %dma_wait3A_78 = tpu.memref_slice %arg28[%dma_wait3A_77] : memref<100352xf32, #tpu.memory_space<vmem_shared>> -> memref<100352xf32, #tpu.memory_space<vmem_shared>>
    tpu.wait_indirect_dma semaphore(%arg42 : memref<!tpu.dma_semaphore, #tpu.memory_space<semaphore_mem>>) src(%arg20 : memref<5000xf32, #tpu.memory_space<vmem>>) dst(%dma_wait3A_78 : memref<100352xf32, #tpu.memory_space<vmem_shared>>)
    %dma_wait3A_79 = arith.constant 0 : i32
    %dma_wait3A_80 = tpu.memref_slice %arg29[%dma_wait3A_79] : memref<100352xf32, #tpu.memory_space<vmem_shared>> -> memref<100352xf32, #tpu.memory_space<vmem_shared>>
    tpu.wait_indirect_dma semaphore(%arg43 : memref<!tpu.dma_semaphore, #tpu.memory_space<semaphore_mem>>) src(%arg21 : memref<5000xf32, #tpu.memory_space<vmem>>) dst(%dma_wait3A_80 : memref<100352xf32, #tpu.memory_space<vmem_shared>>)
    %dma_wait3A_81 = arith.constant 0 : i32
    %dma_wait3A_82 = tpu.memref_slice %arg30[%dma_wait3A_81] : memref<100352xf32, #tpu.memory_space<vmem_shared>> -> memref<100352xf32, #tpu.memory_space<vmem_shared>>
    tpu.wait_indirect_dma semaphore(%arg44 : memref<!tpu.dma_semaphore, #tpu.memory_space<semaphore_mem>>) src(%arg22 : memref<5000xf32, #tpu.memory_space<vmem>>) dst(%dma_wait3A_82 : memref<100352xf32, #tpu.memory_space<vmem_shared>>)
    %dma_wait3A_83 = arith.constant 0 : i32
    %dma_wait3A_84 = tpu.memref_slice %arg31[%dma_wait3A_83] : memref<100352xf32, #tpu.memory_space<vmem_shared>> -> memref<100352xf32, #tpu.memory_space<vmem_shared>>
    tpu.wait_indirect_dma semaphore(%arg45 : memref<!tpu.dma_semaphore, #tpu.memory_space<semaphore_mem>>) src(%arg23 : memref<5000xf32, #tpu.memory_space<vmem>>) dst(%dma_wait3A_84 : memref<100352xf32, #tpu.memory_space<vmem_shared>>)
    %barrier3A_85 = arith.constant 0 : index
    tpu.barrier barrier_id(%barrier3A_85)
    "tpu.region"() ({
      %run_scoped3A = tpu.sem_alloc : memref<!tpu.dma_semaphore, #tpu.memory_space<semaphore_mem>>
      %dma_start3A_86 = arith.constant 0 : i32
      %dma_start3A_87 = tpu.memref_slice %arg6[%arg0, %dma_start3A_86] : memref<2x100352xf32, #tpu.memory_space<hbm>> -> memref<1x100352xf32, #tpu.memory_space<hbm>>
      %dma_start3A_88 = tpu.memref_squeeze %dma_start3A_87 : memref<1x100352xf32, #tpu.memory_space<hbm>> -> memref<100352xf32, #tpu.memory_space<hbm>>
      %dma_start3A_89 = tpu.memref_slice %dma_start3A_88[%mul3A_2] : memref<100352xf32, #tpu.memory_space<hbm>> -> memref<6272xf32, #tpu.memory_space<hbm>>
      %dma_start3A_90 = tpu.memref_slice %arg28[%mul3A_2] : memref<100352xf32, #tpu.memory_space<vmem_shared>> -> memref<6272xf32, #tpu.memory_space<vmem_shared>>
      tpu.enqueue_dma source(%dma_start3A_90 : memref<6272xf32, #tpu.memory_space<vmem_shared>>) target(%dma_start3A_89 : memref<6272xf32, #tpu.memory_space<hbm>>) target_semaphore(%run_scoped3A : memref<!tpu.dma_semaphore, #tpu.memory_space<semaphore_mem>>)
      %dma_wait3A_91 = arith.constant 0 : i32
      %dma_wait3A_92 = tpu.memref_slice %arg6[%arg0, %dma_wait3A_91] : memref<2x100352xf32, #tpu.memory_space<hbm>> -> memref<1x100352xf32, #tpu.memory_space<hbm>>
      %dma_wait3A_93 = tpu.memref_squeeze %dma_wait3A_92 : memref<1x100352xf32, #tpu.memory_space<hbm>> -> memref<100352xf32, #tpu.memory_space<hbm>>
      %dma_wait3A_94 = tpu.memref_slice %dma_wait3A_93[%mul3A_2] : memref<100352xf32, #tpu.memory_space<hbm>> -> memref<6272xf32, #tpu.memory_space<hbm>>
      %dma_wait3A_95 = tpu.memref_slice %arg28[%mul3A_2] : memref<100352xf32, #tpu.memory_space<vmem_shared>> -> memref<6272xf32, #tpu.memory_space<vmem_shared>>
      tpu.wait_dma2 semaphore(%run_scoped3A : memref<!tpu.dma_semaphore, #tpu.memory_space<semaphore_mem>>) src(%dma_wait3A_95 : memref<6272xf32, #tpu.memory_space<vmem_shared>>) dst(%dma_wait3A_94 : memref<6272xf32, #tpu.memory_space<hbm>>)
      tpu.yield
    }) : () -> ()
    "tpu.region"() ({
      %run_scoped3A = tpu.sem_alloc : memref<!tpu.dma_semaphore, #tpu.memory_space<semaphore_mem>>
      %dma_start3A_86 = arith.constant 0 : i32
      %dma_start3A_87 = tpu.memref_slice %arg7[%arg0, %dma_start3A_86] : memref<2x100352xf32, #tpu.memory_space<hbm>> -> memref<1x100352xf32, #tpu.memory_space<hbm>>
      %dma_start3A_88 = tpu.memref_squeeze %dma_start3A_87 : memref<1x100352xf32, #tpu.memory_space<hbm>> -> memref<100352xf32, #tpu.memory_space<hbm>>
      %dma_start3A_89 = tpu.memref_slice %dma_start3A_88[%mul3A_2] : memref<100352xf32, #tpu.memory_space<hbm>> -> memref<6272xf32, #tpu.memory_space<hbm>>
      %dma_start3A_90 = tpu.memref_slice %arg29[%mul3A_2] : memref<100352xf32, #tpu.memory_space<vmem_shared>> -> memref<6272xf32, #tpu.memory_space<vmem_shared>>
      tpu.enqueue_dma source(%dma_start3A_90 : memref<6272xf32, #tpu.memory_space<vmem_shared>>) target(%dma_start3A_89 : memref<6272xf32, #tpu.memory_space<hbm>>) target_semaphore(%run_scoped3A : memref<!tpu.dma_semaphore, #tpu.memory_space<semaphore_mem>>)
      %dma_wait3A_91 = arith.constant 0 : i32
      %dma_wait3A_92 = tpu.memref_slice %arg7[%arg0, %dma_wait3A_91] : memref<2x100352xf32, #tpu.memory_space<hbm>> -> memref<1x100352xf32, #tpu.memory_space<hbm>>
      %dma_wait3A_93 = tpu.memref_squeeze %dma_wait3A_92 : memref<1x100352xf32, #tpu.memory_space<hbm>> -> memref<100352xf32, #tpu.memory_space<hbm>>
      %dma_wait3A_94 = tpu.memref_slice %dma_wait3A_93[%mul3A_2] : memref<100352xf32, #tpu.memory_space<hbm>> -> memref<6272xf32, #tpu.memory_space<hbm>>
      %dma_wait3A_95 = tpu.memref_slice %arg29[%mul3A_2] : memref<100352xf32, #tpu.memory_space<vmem_shared>> -> memref<6272xf32, #tpu.memory_space<vmem_shared>>
      tpu.wait_dma2 semaphore(%run_scoped3A : memref<!tpu.dma_semaphore, #tpu.memory_space<semaphore_mem>>) src(%dma_wait3A_95 : memref<6272xf32, #tpu.memory_space<vmem_shared>>) dst(%dma_wait3A_94 : memref<6272xf32, #tpu.memory_space<hbm>>)
      tpu.yield
    }) : () -> ()
    "tpu.region"() ({
      %run_scoped3A = tpu.sem_alloc : memref<!tpu.dma_semaphore, #tpu.memory_space<semaphore_mem>>
      %dma_start3A_86 = arith.constant 0 : i32
      %dma_start3A_87 = tpu.memref_slice %arg8[%arg0, %dma_start3A_86] : memref<2x100352xf32, #tpu.memory_space<hbm>> -> memref<1x100352xf32, #tpu.memory_space<hbm>>
      %dma_start3A_88 = tpu.memref_squeeze %dma_start3A_87 : memref<1x100352xf32, #tpu.memory_space<hbm>> -> memref<100352xf32, #tpu.memory_space<hbm>>
      %dma_start3A_89 = tpu.memref_slice %dma_start3A_88[%mul3A_2] : memref<100352xf32, #tpu.memory_space<hbm>> -> memref<6272xf32, #tpu.memory_space<hbm>>
      %dma_start3A_90 = tpu.memref_slice %arg30[%mul3A_2] : memref<100352xf32, #tpu.memory_space<vmem_shared>> -> memref<6272xf32, #tpu.memory_space<vmem_shared>>
      tpu.enqueue_dma source(%dma_start3A_90 : memref<6272xf32, #tpu.memory_space<vmem_shared>>) target(%dma_start3A_89 : memref<6272xf32, #tpu.memory_space<hbm>>) target_semaphore(%run_scoped3A : memref<!tpu.dma_semaphore, #tpu.memory_space<semaphore_mem>>)
      %dma_wait3A_91 = arith.constant 0 : i32
      %dma_wait3A_92 = tpu.memref_slice %arg8[%arg0, %dma_wait3A_91] : memref<2x100352xf32, #tpu.memory_space<hbm>> -> memref<1x100352xf32, #tpu.memory_space<hbm>>
      %dma_wait3A_93 = tpu.memref_squeeze %dma_wait3A_92 : memref<1x100352xf32, #tpu.memory_space<hbm>> -> memref<100352xf32, #tpu.memory_space<hbm>>
      %dma_wait3A_94 = tpu.memref_slice %dma_wait3A_93[%mul3A_2] : memref<100352xf32, #tpu.memory_space<hbm>> -> memref<6272xf32, #tpu.memory_space<hbm>>
      %dma_wait3A_95 = tpu.memref_slice %arg30[%mul3A_2] : memref<100352xf32, #tpu.memory_space<vmem_shared>> -> memref<6272xf32, #tpu.memory_space<vmem_shared>>
      tpu.wait_dma2 semaphore(%run_scoped3A : memref<!tpu.dma_semaphore, #tpu.memory_space<semaphore_mem>>) src(%dma_wait3A_95 : memref<6272xf32, #tpu.memory_space<vmem_shared>>) dst(%dma_wait3A_94 : memref<6272xf32, #tpu.memory_space<hbm>>)
      tpu.yield
    }) : () -> ()
    "tpu.region"() ({
      %run_scoped3A = tpu.sem_alloc : memref<!tpu.dma_semaphore, #tpu.memory_space<semaphore_mem>>
      %dma_start3A_86 = arith.constant 0 : i32
      %dma_start3A_87 = tpu.memref_slice %arg9[%arg0, %dma_start3A_86] : memref<2x100352xf32, #tpu.memory_space<hbm>> -> memref<1x100352xf32, #tpu.memory_space<hbm>>
      %dma_start3A_88 = tpu.memref_squeeze %dma_start3A_87 : memref<1x100352xf32, #tpu.memory_space<hbm>> -> memref<100352xf32, #tpu.memory_space<hbm>>
      %dma_start3A_89 = tpu.memref_slice %dma_start3A_88[%mul3A_2] : memref<100352xf32, #tpu.memory_space<hbm>> -> memref<6272xf32, #tpu.memory_space<hbm>>
      %dma_start3A_90 = tpu.memref_slice %arg31[%mul3A_2] : memref<100352xf32, #tpu.memory_space<vmem_shared>> -> memref<6272xf32, #tpu.memory_space<vmem_shared>>
      tpu.enqueue_dma source(%dma_start3A_90 : memref<6272xf32, #tpu.memory_space<vmem_shared>>) target(%dma_start3A_89 : memref<6272xf32, #tpu.memory_space<hbm>>) target_semaphore(%run_scoped3A : memref<!tpu.dma_semaphore, #tpu.memory_space<semaphore_mem>>)
      %dma_wait3A_91 = arith.constant 0 : i32
      %dma_wait3A_92 = tpu.memref_slice %arg9[%arg0, %dma_wait3A_91] : memref<2x100352xf32, #tpu.memory_space<hbm>> -> memref<1x100352xf32, #tpu.memory_space<hbm>>
      %dma_wait3A_93 = tpu.memref_squeeze %dma_wait3A_92 : memref<1x100352xf32, #tpu.memory_space<hbm>> -> memref<100352xf32, #tpu.memory_space<hbm>>
      %dma_wait3A_94 = tpu.memref_slice %dma_wait3A_93[%mul3A_2] : memref<100352xf32, #tpu.memory_space<hbm>> -> memref<6272xf32, #tpu.memory_space<hbm>>
      %dma_wait3A_95 = tpu.memref_slice %arg31[%mul3A_2] : memref<100352xf32, #tpu.memory_space<vmem_shared>> -> memref<6272xf32, #tpu.memory_space<vmem_shared>>
      tpu.wait_dma2 semaphore(%run_scoped3A : memref<!tpu.dma_semaphore, #tpu.memory_space<semaphore_mem>>) src(%dma_wait3A_95 : memref<6272xf32, #tpu.memory_space<vmem_shared>>) dst(%dma_wait3A_94 : memref<6272xf32, #tpu.memory_space<hbm>>)
      tpu.yield
    }) : () -> ()
    return
  }
}

#map = affine_map<(d0, d1) -> (0)>
#map1 = affine_map<(d0, d1) -> (0, 0)>
module attributes {stable_mosaic.version = 14 : i64} {
  func.func @_deg_body(%arg0: i32, %arg1: i32, %arg2: memref<6400000xi32, #tpu.memory_space<hbm>>, %arg3: memref<2x100352xf32, #tpu.memory_space<hbm>>, %arg4: memref<5000xi32, #tpu.memory_space<vmem>>, %arg5: memref<5000xf32, #tpu.memory_space<vmem>>, %arg6: memref<6272xf32, #tpu.memory_space<vmem>>, %arg7: memref<100352xf32, #tpu.memory_space<vmem_shared>>) attributes {dimension_semantics = [#tpu.dimension_semantics<core_parallel>, #tpu.dimension_semantics<subcore_parallel>], iteration_bounds = array<i64: 2, 16>, scalar_prefetch = 0 : i64, scratch_operands = 4 : i64, tpu.core_type = #tpu.core_type<sc_vector_subcore>, window_params = [{transform_indices = #map}, {transform_indices = #map1}]} {
    %mul3A = arith.constant 16 : i32
    %mul3A_0 = arith.muli %arg0, %mul3A : i32
    %add3A = arith.addi %mul3A_0, %arg1 : i32
    %mul3A_1 = arith.constant 6272 : i32
    %mul3A_2 = arith.muli %arg1, %mul3A_1 : i32
    %scan3A = arith.constant 0 : i32
    %scan3A_3 = arith.constant 0 : i32
    %scan3A_4 = arith.constant 312 : i32
    %scan3A_5 = arith.addi %scan3A_3, %scan3A_4 : i32
    %scan3A_6 = arith.constant 1 : i32
    scf.for %scan3A_23 = %scan3A_3 to %scan3A_5 step %scan3A_6  : i32 {
      %broadcast_in_dim3A = arith.constant 1.000000e+00 : f32
      %broadcast_in_dim3A_24 = vector.broadcast %broadcast_in_dim3A : f32 to vector<16xf32>
      %mul3A_25 = arith.constant 16 : i32
      %mul3A_26 = arith.muli %scan3A_23, %mul3A_25 : i32
      %swap3A = arith.index_cast %mul3A_26 : i32 to index
      %swap3A_27 = tpu.vector_load %arg5[%swap3A] {strides = array<i32>} : memref<5000xf32, #tpu.memory_space<vmem>>, vector<16xf32>,
      %swap3A_28 = vector.shape_cast %swap3A_27 : vector<16xf32> to vector<16xf32>
      %swap3A_29 = vector.shape_cast %broadcast_in_dim3A_24 : vector<16xf32> to vector<16xf32>
      tpu.vector_store %arg5[%swap3A], %swap3A_29 {strides = array<i32>} : memref<5000xf32, #tpu.memory_space<vmem>>, vector<16xf32>,
    }
    %scan3A_7 = arith.constant 312 : i32
    %scan3A_8 = arith.constant 0 : i32
    %scan3A_9 = arith.constant 0 : i32
    %scan3A_10 = arith.constant 392 : i32
    %scan3A_11 = arith.addi %scan3A_9, %scan3A_10 : i32
    %scan3A_12 = arith.constant 1 : i32
    scf.for %scan3A_23 = %scan3A_9 to %scan3A_11 step %scan3A_12  : i32 {
      %broadcast_in_dim3A = arith.constant 5.000000e-01 : f32
      %broadcast_in_dim3A_24 = vector.broadcast %broadcast_in_dim3A : f32 to vector<16xf32>
      %mul3A_25 = arith.constant 16 : i32
      %mul3A_26 = arith.muli %scan3A_23, %mul3A_25 : i32
      %swap3A = arith.index_cast %mul3A_26 : i32 to index
      %swap3A_27 = tpu.vector_load %arg6[%swap3A] {strides = array<i32>} : memref<6272xf32, #tpu.memory_space<vmem>>, vector<16xf32>,
      %swap3A_28 = vector.shape_cast %swap3A_27 : vector<16xf32> to vector<16xf32>
      %swap3A_29 = vector.shape_cast %broadcast_in_dim3A_24 : vector<16xf32> to vector<16xf32>
      tpu.vector_store %arg6[%swap3A], %swap3A_29 {strides = array<i32>} : memref<6272xf32, #tpu.memory_space<vmem>>, vector<16xf32>,
    }
    %scan3A_13 = arith.constant 392 : i32
    "tpu.region"() ({
      %run_scoped3A = tpu.sem_alloc : memref<!tpu.dma_semaphore, #tpu.memory_space<semaphore_mem>>
      %dma_start3A = tpu.memref_slice %arg7[%mul3A_2] : memref<100352xf32, #tpu.memory_space<vmem_shared>> -> memref<6272xf32, #tpu.memory_space<vmem_shared>>
      %dma_start3A_23 = tpu.memref_slice %arg7[%mul3A_2] : memref<100352xf32, #tpu.memory_space<vmem_shared>> -> memref<6272xf32, #tpu.memory_space<vmem_shared>>
      tpu.enqueue_dma source(%arg6 : memref<6272xf32, #tpu.memory_space<vmem>>) target(%dma_start3A_23 : memref<6272xf32, #tpu.memory_space<vmem_shared>>) target_semaphore(%run_scoped3A : memref<!tpu.dma_semaphore, #tpu.memory_space<semaphore_mem>>)
      %dma_wait3A = tpu.memref_slice %arg7[%mul3A_2] : memref<100352xf32, #tpu.memory_space<vmem_shared>> -> memref<6272xf32, #tpu.memory_space<vmem_shared>>
      %dma_wait3A_24 = tpu.memref_slice %arg7[%mul3A_2] : memref<100352xf32, #tpu.memory_space<vmem_shared>> -> memref<6272xf32, #tpu.memory_space<vmem_shared>>
      tpu.wait_dma2 semaphore(%run_scoped3A : memref<!tpu.dma_semaphore, #tpu.memory_space<semaphore_mem>>) src(%arg6 : memref<6272xf32, #tpu.memory_space<vmem>>) dst(%dma_wait3A_24 : memref<6272xf32, #tpu.memory_space<vmem_shared>>)
      tpu.yield
    }) : () -> ()
    %barrier3A = arith.constant 0 : index
    tpu.barrier barrier_id(%barrier3A)
    %mul3A_14 = arith.constant 200000 : i32
    %mul3A_15 = arith.muli %add3A, %mul3A_14 : i32
    %scan3A_16 = arith.constant 0 : i32
    %scan3A_17 = arith.constant 0 : i32
    %scan3A_18 = arith.constant 40 : i32
    %scan3A_19 = arith.addi %scan3A_17, %scan3A_18 : i32
    %scan3A_20 = arith.constant 1 : i32
    scf.for %scan3A_23 = %scan3A_17 to %scan3A_19 step %scan3A_20  : i32 {
      %mul3A_24 = arith.constant 5000 : i32
      %mul3A_25 = arith.muli %scan3A_23, %mul3A_24 : i32
      %add3A_26 = arith.addi %mul3A_15, %mul3A_25 : i32
      %multiple_of3A = tpu.assume_multiple %add3A_26, 5000 : i32
      "tpu.region"() ({
        %run_scoped3A = tpu.sem_alloc : memref<!tpu.dma_semaphore, #tpu.memory_space<semaphore_mem>>
        %dma_start3A = tpu.memref_slice %arg2[%multiple_of3A] : memref<6400000xi32, #tpu.memory_space<hbm>> -> memref<5000xi32, #tpu.memory_space<hbm>>
        %dma_start3A_27 = tpu.memref_slice %arg2[%multiple_of3A] : memref<6400000xi32, #tpu.memory_space<hbm>> -> memref<5000xi32, #tpu.memory_space<hbm>>
        tpu.enqueue_dma source(%dma_start3A_27 : memref<5000xi32, #tpu.memory_space<hbm>>) target(%arg4 : memref<5000xi32, #tpu.memory_space<vmem>>) target_semaphore(%run_scoped3A : memref<!tpu.dma_semaphore, #tpu.memory_space<semaphore_mem>>)
        %dma_wait3A = tpu.memref_slice %arg2[%multiple_of3A] : memref<6400000xi32, #tpu.memory_space<hbm>> -> memref<5000xi32, #tpu.memory_space<hbm>>
        %dma_wait3A_28 = tpu.memref_slice %arg2[%multiple_of3A] : memref<6400000xi32, #tpu.memory_space<hbm>> -> memref<5000xi32, #tpu.memory_space<hbm>>
        tpu.wait_dma2 semaphore(%run_scoped3A : memref<!tpu.dma_semaphore, #tpu.memory_space<semaphore_mem>>) src(%dma_wait3A_28 : memref<5000xi32, #tpu.memory_space<hbm>>) dst(%arg4 : memref<5000xi32, #tpu.memory_space<vmem>>)
        tpu.yield
      }) : () -> ()
      "tpu.region"() ({
        %run_scoped3A = tpu.sem_alloc : memref<!tpu.dma_semaphore, #tpu.memory_space<semaphore_mem>>
        %dma_start3A = arith.constant 0 : i32
        %dma_start3A_27 = tpu.memref_slice %arg7[%dma_start3A] : memref<100352xf32, #tpu.memory_space<vmem_shared>> -> memref<100352xf32, #tpu.memory_space<vmem_shared>>
        tpu.enqueue_indirect_dma source(%arg5 : memref<5000xf32, #tpu.memory_space<vmem>>) target(%dma_start3A_27 : memref<100352xf32, #tpu.memory_space<vmem_shared>>) offsets(%arg4 : memref<5000xi32, #tpu.memory_space<vmem>>) semaphore(%run_scoped3A : memref<!tpu.dma_semaphore, #tpu.memory_space<semaphore_mem>>) {add = true}
        %dma_wait3A = arith.constant 0 : i32
        %dma_wait3A_28 = tpu.memref_slice %arg7[%dma_wait3A] : memref<100352xf32, #tpu.memory_space<vmem_shared>> -> memref<100352xf32, #tpu.memory_space<vmem_shared>>
        tpu.wait_indirect_dma semaphore(%run_scoped3A : memref<!tpu.dma_semaphore, #tpu.memory_space<semaphore_mem>>) src(%arg5 : memref<5000xf32, #tpu.memory_space<vmem>>) dst(%dma_wait3A_28 : memref<100352xf32, #tpu.memory_space<vmem_shared>>)
        tpu.yield
      }) : () -> ()
    }
    %scan3A_21 = arith.constant 40 : i32
    %barrier3A_22 = arith.constant 0 : index
    tpu.barrier barrier_id(%barrier3A_22)
    "tpu.region"() ({
      %run_scoped3A = tpu.sem_alloc : memref<!tpu.dma_semaphore, #tpu.memory_space<semaphore_mem>>
      %dma_start3A = arith.constant 0 : i32
      %dma_start3A_23 = tpu.memref_slice %arg3[%arg0, %dma_start3A] : memref<2x100352xf32, #tpu.memory_space<hbm>> -> memref<1x100352xf32, #tpu.memory_space<hbm>>
      %dma_start3A_24 = tpu.memref_squeeze %dma_start3A_23 : memref<1x100352xf32, #tpu.memory_space<hbm>> -> memref<100352xf32, #tpu.memory_space<hbm>>
      %dma_start3A_25 = tpu.memref_slice %dma_start3A_24[%mul3A_2] : memref<100352xf32, #tpu.memory_space<hbm>> -> memref<6272xf32, #tpu.memory_space<hbm>>
      %dma_start3A_26 = tpu.memref_slice %arg7[%mul3A_2] : memref<100352xf32, #tpu.memory_space<vmem_shared>> -> memref<6272xf32, #tpu.memory_space<vmem_shared>>
      tpu.enqueue_dma source(%dma_start3A_26 : memref<6272xf32, #tpu.memory_space<vmem_shared>>) target(%dma_start3A_25 : memref<6272xf32, #tpu.memory_space<hbm>>) target_semaphore(%run_scoped3A : memref<!tpu.dma_semaphore, #tpu.memory_space<semaphore_mem>>)
      %dma_wait3A = arith.constant 0 : i32
      %dma_wait3A_27 = tpu.memref_slice %arg3[%arg0, %dma_wait3A] : memref<2x100352xf32, #tpu.memory_space<hbm>> -> memref<1x100352xf32, #tpu.memory_space<hbm>>
      %dma_wait3A_28 = tpu.memref_squeeze %dma_wait3A_27 : memref<1x100352xf32, #tpu.memory_space<hbm>> -> memref<100352xf32, #tpu.memory_space<hbm>>
      %dma_wait3A_29 = tpu.memref_slice %dma_wait3A_28[%mul3A_2] : memref<100352xf32, #tpu.memory_space<hbm>> -> memref<6272xf32, #tpu.memory_space<hbm>>
      %dma_wait3A_30 = tpu.memref_slice %arg7[%mul3A_2] : memref<100352xf32, #tpu.memory_space<vmem_shared>> -> memref<6272xf32, #tpu.memory_space<vmem_shared>>
      tpu.wait_dma2 semaphore(%run_scoped3A : memref<!tpu.dma_semaphore, #tpu.memory_space<semaphore_mem>>) src(%dma_wait3A_30 : memref<6272xf32, #tpu.memory_space<vmem_shared>>) dst(%dma_wait3A_29 : memref<6272xf32, #tpu.memory_space<hbm>>)
      tpu.yield
    }) : () -> ()
    return
  }
}

#map = affine_map<(d0, d1) -> (0)>
#map1 = affine_map<(d0, d1) -> (0, 0)>
module attributes {stable_mosaic.version = 14 : i64} {
  func.func @_edge_body(%arg0: i32, %arg1: i32, %arg2: memref<6400000xi32, #tpu.memory_space<hbm>>, %arg3: memref<6400000xi32, #tpu.memory_space<hbm>>, %arg4: memref<100352xi32, #tpu.memory_space<hbm>>, %arg5: memref<100352xi32, #tpu.memory_space<hbm>>, %arg6: memref<2x100352xf32, #tpu.memory_space<hbm>>, %arg7: memref<2x100352xf32, #tpu.memory_space<hbm>>, %arg8: memref<2x100352xf32, #tpu.memory_space<hbm>>, %arg9: memref<2x100352xf32, #tpu.memory_space<hbm>>, %arg10: memref<5000xi32, #tpu.memory_space<vmem>>, %arg11: memref<5000xi32, #tpu.memory_space<vmem>>, %arg12: memref<5000xi32, #tpu.memory_space<vmem>>, %arg13: memref<5000xi32, #tpu.memory_space<vmem>>, %arg14: memref<5000xi32, #tpu.memory_space<vmem>>, %arg15: memref<5000xi32, #tpu.memory_space<vmem>>, %arg16: memref<5000xf32, #tpu.memory_space<vmem>>, %arg17: memref<5000xf32, #tpu.memory_space<vmem>>, %arg18: memref<5000xf32, #tpu.memory_space<vmem>>, %arg19: memref<5000xf32, #tpu.memory_space<vmem>>, %arg20: memref<5000xf32, #tpu.memory_space<vmem>>, %arg21: memref<5000xf32, #tpu.memory_space<vmem>>, %arg22: memref<5000xf32, #tpu.memory_space<vmem>>, %arg23: memref<5000xf32, #tpu.memory_space<vmem>>, %arg24: memref<6272xf32, #tpu.memory_space<vmem>>, %arg25: memref<6272xi32, #tpu.memory_space<vmem>>, %arg26: memref<100352xi32, #tpu.memory_space<vmem_shared>>, %arg27: memref<100352xi32, #tpu.memory_space<vmem_shared>>, %arg28: memref<100352xf32, #tpu.memory_space<vmem_shared>>, %arg29: memref<100352xf32, #tpu.memory_space<vmem_shared>>, %arg30: memref<100352xf32, #tpu.memory_space<vmem_shared>>, %arg31: memref<100352xf32, #tpu.memory_space<vmem_shared>>, %arg32: memref<!tpu.dma_semaphore, #tpu.memory_space<semaphore_mem>>, %arg33: memref<!tpu.dma_semaphore, #tpu.memory_space<semaphore_mem>>, %arg34: memref<!tpu.dma_semaphore, #tpu.memory_space<semaphore_mem>>, %arg35: memref<!tpu.dma_semaphore, #tpu.memory_space<semaphore_mem>>, %arg36: memref<!tpu.dma_semaphore, #tpu.memory_space<semaphore_mem>>, %arg37: memref<!tpu.dma_semaphore, #tpu.memory_space<semaphore_mem>>, %arg38: memref<!tpu.dma_semaphore, #tpu.memory_space<semaphore_mem>>, %arg39: memref<!tpu.dma_semaphore, #tpu.memory_space<semaphore_mem>>, %arg40: memref<!tpu.dma_semaphore, #tpu.memory_space<semaphore_mem>>, %arg41: memref<!tpu.dma_semaphore, #tpu.memory_space<semaphore_mem>>, %arg42: memref<!tpu.dma_semaphore, #tpu.memory_space<semaphore_mem>>, %arg43: memref<!tpu.dma_semaphore, #tpu.memory_space<semaphore_mem>>, %arg44: memref<!tpu.dma_semaphore, #tpu.memory_space<semaphore_mem>>, %arg45: memref<!tpu.dma_semaphore, #tpu.memory_space<semaphore_mem>>) attributes {dimension_semantics = [#tpu.dimension_semantics<core_parallel>, #tpu.dimension_semantics<subcore_parallel>], iteration_bounds = array<i64: 2, 16>, scalar_prefetch = 0 : i64, scratch_operands = 36 : i64, tpu.core_type = #tpu.core_type<sc_vector_subcore>, window_params = [{transform_indices = #map}, {transform_indices = #map}, {transform_indices = #map}, {transform_indices = #map}, {transform_indices = #map1}, {transform_indices = #map1}, {transform_indices = #map1}, {transform_indices = #map1}]} {
    %mul3A = arith.constant 16 : i32
    %mul3A_0 = arith.muli %arg0, %mul3A : i32
    %add3A = arith.addi %mul3A_0, %arg1 : i32
    %mul3A_1 = arith.constant 6272 : i32
    %mul3A_2 = arith.muli %arg1, %mul3A_1 : i32
    %mul3A_3 = arith.constant 200000 : i32
    %mul3A_4 = arith.muli %add3A, %mul3A_3 : i32
    "tpu.region"() ({
      %run_scoped3A = tpu.sem_alloc : memref<!tpu.dma_semaphore, #tpu.memory_space<semaphore_mem>>
      %dma_start3A_86 = tpu.memref_slice %arg4[%mul3A_2] : memref<100352xi32, #tpu.memory_space<hbm>> -> memref<6272xi32, #tpu.memory_space<hbm>>
      %dma_start3A_87 = tpu.memref_slice %arg4[%mul3A_2] : memref<100352xi32, #tpu.memory_space<hbm>> -> memref<6272xi32, #tpu.memory_space<hbm>>
      tpu.enqueue_dma source(%dma_start3A_87 : memref<6272xi32, #tpu.memory_space<hbm>>) target(%arg25 : memref<6272xi32, #tpu.memory_space<vmem>>) target_semaphore(%run_scoped3A : memref<!tpu.dma_semaphore, #tpu.memory_space<semaphore_mem>>)
      %dma_wait3A_88 = tpu.memref_slice %arg4[%mul3A_2] : memref<100352xi32, #tpu.memory_space<hbm>> -> memref<6272xi32, #tpu.memory_space<hbm>>
      %dma_wait3A_89 = tpu.memref_slice %arg4[%mul3A_2] : memref<100352xi32, #tpu.memory_space<hbm>> -> memref<6272xi32, #tpu.memory_space<hbm>>
      tpu.wait_dma2 semaphore(%run_scoped3A : memref<!tpu.dma_semaphore, #tpu.memory_space<semaphore_mem>>) src(%dma_wait3A_89 : memref<6272xi32, #tpu.memory_space<hbm>>) dst(%arg25 : memref<6272xi32, #tpu.memory_space<vmem>>)
      tpu.yield
    }) : () -> ()
    "tpu.region"() ({
      %run_scoped3A = tpu.sem_alloc : memref<!tpu.dma_semaphore, #tpu.memory_space<semaphore_mem>>
      %dma_start3A_86 = tpu.memref_slice %arg26[%mul3A_2] : memref<100352xi32, #tpu.memory_space<vmem_shared>> -> memref<6272xi32, #tpu.memory_space<vmem_shared>>
      %dma_start3A_87 = tpu.memref_slice %arg26[%mul3A_2] : memref<100352xi32, #tpu.memory_space<vmem_shared>> -> memref<6272xi32, #tpu.memory_space<vmem_shared>>
      tpu.enqueue_dma source(%arg25 : memref<6272xi32, #tpu.memory_space<vmem>>) target(%dma_start3A_87 : memref<6272xi32, #tpu.memory_space<vmem_shared>>) target_semaphore(%run_scoped3A : memref<!tpu.dma_semaphore, #tpu.memory_space<semaphore_mem>>)
      %dma_wait3A_88 = tpu.memref_slice %arg26[%mul3A_2] : memref<100352xi32, #tpu.memory_space<vmem_shared>> -> memref<6272xi32, #tpu.memory_space<vmem_shared>>
      %dma_wait3A_89 = tpu.memref_slice %arg26[%mul3A_2] : memref<100352xi32, #tpu.memory_space<vmem_shared>> -> memref<6272xi32, #tpu.memory_space<vmem_shared>>
      tpu.wait_dma2 semaphore(%run_scoped3A : memref<!tpu.dma_semaphore, #tpu.memory_space<semaphore_mem>>) src(%arg25 : memref<6272xi32, #tpu.memory_space<vmem>>) dst(%dma_wait3A_89 : memref<6272xi32, #tpu.memory_space<vmem_shared>>)
      tpu.yield
    }) : () -> ()
    "tpu.region"() ({
      %run_scoped3A = tpu.sem_alloc : memref<!tpu.dma_semaphore, #tpu.memory_space<semaphore_mem>>
      %dma_start3A_86 = tpu.memref_slice %arg5[%mul3A_2] : memref<100352xi32, #tpu.memory_space<hbm>> -> memref<6272xi32, #tpu.memory_space<hbm>>
      %dma_start3A_87 = tpu.memref_slice %arg5[%mul3A_2] : memref<100352xi32, #tpu.memory_space<hbm>> -> memref<6272xi32, #tpu.memory_space<hbm>>
      tpu.enqueue_dma source(%dma_start3A_87 : memref<6272xi32, #tpu.memory_space<hbm>>) target(%arg25 : memref<6272xi32, #tpu.memory_space<vmem>>) target_semaphore(%run_scoped3A : memref<!tpu.dma_semaphore, #tpu.memory_space<semaphore_mem>>)
      %dma_wait3A_88 = tpu.memref_slice %arg5[%mul3A_2] : memref<100352xi32, #tpu.memory_space<hbm>> -> memref<6272xi32, #tpu.memory_space<hbm>>
      %dma_wait3A_89 = tpu.memref_slice %arg5[%mul3A_2] : memref<100352xi32, #tpu.memory_space<hbm>> -> memref<6272xi32, #tpu.memory_space<hbm>>
      tpu.wait_dma2 semaphore(%run_scoped3A : memref<!tpu.dma_semaphore, #tpu.memory_space<semaphore_mem>>) src(%dma_wait3A_89 : memref<6272xi32, #tpu.memory_space<hbm>>) dst(%arg25 : memref<6272xi32, #tpu.memory_space<vmem>>)
      tpu.yield
    }) : () -> ()
    "tpu.region"() ({
      %run_scoped3A = tpu.sem_alloc : memref<!tpu.dma_semaphore, #tpu.memory_space<semaphore_mem>>
      %dma_start3A_86 = tpu.memref_slice %arg27[%mul3A_2] : memref<100352xi32, #tpu.memory_space<vmem_shared>> -> memref<6272xi32, #tpu.memory_space<vmem_shared>>
      %dma_start3A_87 = tpu.memref_slice %arg27[%mul3A_2] : memref<100352xi32, #tpu.memory_space<vmem_shared>> -> memref<6272xi32, #tpu.memory_space<vmem_shared>>
      tpu.enqueue_dma source(%arg25 : memref<6272xi32, #tpu.memory_space<vmem>>) target(%dma_start3A_87 : memref<6272xi32, #tpu.memory_space<vmem_shared>>) target_semaphore(%run_scoped3A : memref<!tpu.dma_semaphore, #tpu.memory_space<semaphore_mem>>)
      %dma_wait3A_88 = tpu.memref_slice %arg27[%mul3A_2] : memref<100352xi32, #tpu.memory_space<vmem_shared>> -> memref<6272xi32, #tpu.memory_space<vmem_shared>>
      %dma_wait3A_89 = tpu.memref_slice %arg27[%mul3A_2] : memref<100352xi32, #tpu.memory_space<vmem_shared>> -> memref<6272xi32, #tpu.memory_space<vmem_shared>>
      tpu.wait_dma2 semaphore(%run_scoped3A : memref<!tpu.dma_semaphore, #tpu.memory_space<semaphore_mem>>) src(%arg25 : memref<6272xi32, #tpu.memory_space<vmem>>) dst(%dma_wait3A_89 : memref<6272xi32, #tpu.memory_space<vmem_shared>>)
      tpu.yield
    }) : () -> ()
    %scan3A = arith.constant 0 : i32
    %scan3A_5 = arith.constant 0 : i32
    %scan3A_6 = arith.constant 392 : i32
    %scan3A_7 = arith.addi %scan3A_5, %scan3A_6 : i32
    %scan3A_8 = arith.constant 1 : i32
    scf.for %scan3A_86 = %scan3A_5 to %scan3A_7 step %scan3A_8  : i32 {
      %broadcast_in_dim3A = arith.constant 0.000000e+00 : f32
      %broadcast_in_dim3A_87 = vector.broadcast %broadcast_in_dim3A : f32 to vector<16xf32>
      %mul3A_88 = arith.constant 16 : i32
      %mul3A_89 = arith.muli %scan3A_86, %mul3A_88 : i32
      %swap3A_90 = arith.index_cast %mul3A_89 : i32 to index
      %swap3A_91 = tpu.vector_load %arg24[%swap3A_90] {strides = array<i32>} : memref<6272xf32, #tpu.memory_space<vmem>>, vector<16xf32>,
      %swap3A_92 = vector.shape_cast %swap3A_91 : vector<16xf32> to vector<16xf32>
      %swap3A_93 = vector.shape_cast %broadcast_in_dim3A_87 : vector<16xf32> to vector<16xf32>
      tpu.vector_store %arg24[%swap3A_90], %swap3A_93 {strides = array<i32>} : memref<6272xf32, #tpu.memory_space<vmem>>, vector<16xf32>,
    }
    %scan3A_9 = arith.constant 392 : i32
    "tpu.region"() ({
      %run_scoped3A = tpu.sem_alloc : memref<!tpu.dma_semaphore, #tpu.memory_space<semaphore_mem>>
      %dma_start3A_86 = tpu.memref_slice %arg28[%mul3A_2] : memref<100352xf32, #tpu.memory_space<vmem_shared>> -> memref<6272xf32, #tpu.memory_space<vmem_shared>>
      %dma_start3A_87 = tpu.memref_slice %arg28[%mul3A_2] : memref<100352xf32, #tpu.memory_space<vmem_shared>> -> memref<6272xf32, #tpu.memory_space<vmem_shared>>
      tpu.enqueue_dma source(%arg24 : memref<6272xf32, #tpu.memory_space<vmem>>) target(%dma_start3A_87 : memref<6272xf32, #tpu.memory_space<vmem_shared>>) target_semaphore(%run_scoped3A : memref<!tpu.dma_semaphore, #tpu.memory_space<semaphore_mem>>)
      %dma_wait3A_88 = tpu.memref_slice %arg28[%mul3A_2] : memref<100352xf32, #tpu.memory_space<vmem_shared>> -> memref<6272xf32, #tpu.memory_space<vmem_shared>>
      %dma_wait3A_89 = tpu.memref_slice %arg28[%mul3A_2] : memref<100352xf32, #tpu.memory_space<vmem_shared>> -> memref<6272xf32, #tpu.memory_space<vmem_shared>>
      tpu.wait_dma2 semaphore(%run_scoped3A : memref<!tpu.dma_semaphore, #tpu.memory_space<semaphore_mem>>) src(%arg24 : memref<6272xf32, #tpu.memory_space<vmem>>) dst(%dma_wait3A_89 : memref<6272xf32, #tpu.memory_space<vmem_shared>>)
      tpu.yield
    }) : () -> ()
    "tpu.region"() ({
      %run_scoped3A = tpu.sem_alloc : memref<!tpu.dma_semaphore, #tpu.memory_space<semaphore_mem>>
      %dma_start3A_86 = tpu.memref_slice %arg29[%mul3A_2] : memref<100352xf32, #tpu.memory_space<vmem_shared>> -> memref<6272xf32, #tpu.memory_space<vmem_shared>>
      %dma_start3A_87 = tpu.memref_slice %arg29[%mul3A_2] : memref<100352xf32, #tpu.memory_space<vmem_shared>> -> memref<6272xf32, #tpu.memory_space<vmem_shared>>
      tpu.enqueue_dma source(%arg24 : memref<6272xf32, #tpu.memory_space<vmem>>) target(%dma_start3A_87 : memref<6272xf32, #tpu.memory_space<vmem_shared>>) target_semaphore(%run_scoped3A : memref<!tpu.dma_semaphore, #tpu.memory_space<semaphore_mem>>)
      %dma_wait3A_88 = tpu.memref_slice %arg29[%mul3A_2] : memref<100352xf32, #tpu.memory_space<vmem_shared>> -> memref<6272xf32, #tpu.memory_space<vmem_shared>>
      %dma_wait3A_89 = tpu.memref_slice %arg29[%mul3A_2] : memref<100352xf32, #tpu.memory_space<vmem_shared>> -> memref<6272xf32, #tpu.memory_space<vmem_shared>>
      tpu.wait_dma2 semaphore(%run_scoped3A : memref<!tpu.dma_semaphore, #tpu.memory_space<semaphore_mem>>) src(%arg24 : memref<6272xf32, #tpu.memory_space<vmem>>) dst(%dma_wait3A_89 : memref<6272xf32, #tpu.memory_space<vmem_shared>>)
      tpu.yield
    }) : () -> ()
    "tpu.region"() ({
      %run_scoped3A = tpu.sem_alloc : memref<!tpu.dma_semaphore, #tpu.memory_space<semaphore_mem>>
      %dma_start3A_86 = tpu.memref_slice %arg30[%mul3A_2] : memref<100352xf32, #tpu.memory_space<vmem_shared>> -> memref<6272xf32, #tpu.memory_space<vmem_shared>>
      %dma_start3A_87 = tpu.memref_slice %arg30[%mul3A_2] : memref<100352xf32, #tpu.memory_space<vmem_shared>> -> memref<6272xf32, #tpu.memory_space<vmem_shared>>
      tpu.enqueue_dma source(%arg24 : memref<6272xf32, #tpu.memory_space<vmem>>) target(%dma_start3A_87 : memref<6272xf32, #tpu.memory_space<vmem_shared>>) target_semaphore(%run_scoped3A : memref<!tpu.dma_semaphore, #tpu.memory_space<semaphore_mem>>)
      %dma_wait3A_88 = tpu.memref_slice %arg30[%mul3A_2] : memref<100352xf32, #tpu.memory_space<vmem_shared>> -> memref<6272xf32, #tpu.memory_space<vmem_shared>>
      %dma_wait3A_89 = tpu.memref_slice %arg30[%mul3A_2] : memref<100352xf32, #tpu.memory_space<vmem_shared>> -> memref<6272xf32, #tpu.memory_space<vmem_shared>>
      tpu.wait_dma2 semaphore(%run_scoped3A : memref<!tpu.dma_semaphore, #tpu.memory_space<semaphore_mem>>) src(%arg24 : memref<6272xf32, #tpu.memory_space<vmem>>) dst(%dma_wait3A_89 : memref<6272xf32, #tpu.memory_space<vmem_shared>>)
      tpu.yield
    }) : () -> ()
    "tpu.region"() ({
      %run_scoped3A = tpu.sem_alloc : memref<!tpu.dma_semaphore, #tpu.memory_space<semaphore_mem>>
      %dma_start3A_86 = tpu.memref_slice %arg31[%mul3A_2] : memref<100352xf32, #tpu.memory_space<vmem_shared>> -> memref<6272xf32, #tpu.memory_space<vmem_shared>>
      %dma_start3A_87 = tpu.memref_slice %arg31[%mul3A_2] : memref<100352xf32, #tpu.memory_space<vmem_shared>> -> memref<6272xf32, #tpu.memory_space<vmem_shared>>
      tpu.enqueue_dma source(%arg24 : memref<6272xf32, #tpu.memory_space<vmem>>) target(%dma_start3A_87 : memref<6272xf32, #tpu.memory_space<vmem_shared>>) target_semaphore(%run_scoped3A : memref<!tpu.dma_semaphore, #tpu.memory_space<semaphore_mem>>)
      %dma_wait3A_88 = tpu.memref_slice %arg31[%mul3A_2] : memref<100352xf32, #tpu.memory_space<vmem_shared>> -> memref<6272xf32, #tpu.memory_space<vmem_shared>>
      %dma_wait3A_89 = tpu.memref_slice %arg31[%mul3A_2] : memref<100352xf32, #tpu.memory_space<vmem_shared>> -> memref<6272xf32, #tpu.memory_space<vmem_shared>>
      tpu.wait_dma2 semaphore(%run_scoped3A : memref<!tpu.dma_semaphore, #tpu.memory_space<semaphore_mem>>) src(%arg24 : memref<6272xf32, #tpu.memory_space<vmem>>) dst(%dma_wait3A_89 : memref<6272xf32, #tpu.memory_space<vmem_shared>>)
      tpu.yield
    }) : () -> ()
    %barrier3A = arith.constant 0 : index
    tpu.barrier barrier_id(%barrier3A)
    %add3A_10 = arith.constant 0 : i32
    %add3A_11 = arith.addi %mul3A_4, %add3A_10 : i32
    %multiple_of3A = tpu.assume_multiple %add3A_11, 8 : i32
    %dma_start3A = tpu.memref_slice %arg2[%multiple_of3A] : memref<6400000xi32, #tpu.memory_space<hbm>> -> memref<5000xi32, #tpu.memory_space<hbm>>
    %dma_start3A_12 = tpu.memref_slice %arg2[%multiple_of3A] : memref<6400000xi32, #tpu.memory_space<hbm>> -> memref<5000xi32, #tpu.memory_space<hbm>>
    tpu.enqueue_dma source(%dma_start3A_12 : memref<5000xi32, #tpu.memory_space<hbm>>) target(%arg10 : memref<5000xi32, #tpu.memory_space<vmem>>) target_semaphore(%arg32 : memref<!tpu.dma_semaphore, #tpu.memory_space<semaphore_mem>>)
    %dma_start3A_13 = tpu.memref_slice %arg3[%multiple_of3A] : memref<6400000xi32, #tpu.memory_space<hbm>> -> memref<5000xi32, #tpu.memory_space<hbm>>
    %dma_start3A_14 = tpu.memref_slice %arg3[%multiple_of3A] : memref<6400000xi32, #tpu.memory_space<hbm>> -> memref<5000xi32, #tpu.memory_space<hbm>>
    tpu.enqueue_dma source(%dma_start3A_14 : memref<5000xi32, #tpu.memory_space<hbm>>) target(%arg11 : memref<5000xi32, #tpu.memory_space<vmem>>) target_semaphore(%arg33 : memref<!tpu.dma_semaphore, #tpu.memory_space<semaphore_mem>>)
    %dma_wait3A = arith.constant 0 : i32
    %dma_wait3A_15 = tpu.memref_slice %arg2[%dma_wait3A] : memref<6400000xi32, #tpu.memory_space<hbm>> -> memref<5000xi32, #tpu.memory_space<hbm>>
    %dma_wait3A_16 = arith.constant 0 : i32
    %dma_wait3A_17 = tpu.memref_slice %arg2[%dma_wait3A_16] : memref<6400000xi32, #tpu.memory_space<hbm>> -> memref<5000xi32, #tpu.memory_space<hbm>>
    tpu.wait_dma2 semaphore(%arg32 : memref<!tpu.dma_semaphore, #tpu.memory_space<semaphore_mem>>) src(%dma_wait3A_17 : memref<5000xi32, #tpu.memory_space<hbm>>) dst(%arg10 : memref<5000xi32, #tpu.memory_space<vmem>>)
    %dma_wait3A_18 = arith.constant 0 : i32
    %dma_wait3A_19 = tpu.memref_slice %arg3[%dma_wait3A_18] : memref<6400000xi32, #tpu.memory_space<hbm>> -> memref<5000xi32, #tpu.memory_space<hbm>>
    %dma_wait3A_20 = arith.constant 0 : i32
    %dma_wait3A_21 = tpu.memref_slice %arg3[%dma_wait3A_20] : memref<6400000xi32, #tpu.memory_space<hbm>> -> memref<5000xi32, #tpu.memory_space<hbm>>
    tpu.wait_dma2 semaphore(%arg33 : memref<!tpu.dma_semaphore, #tpu.memory_space<semaphore_mem>>) src(%dma_wait3A_21 : memref<5000xi32, #tpu.memory_space<hbm>>) dst(%arg11 : memref<5000xi32, #tpu.memory_space<vmem>>)
    %dma_start3A_22 = arith.constant 0 : i32
    %dma_start3A_23 = tpu.memref_slice %arg26[%dma_start3A_22] : memref<100352xi32, #tpu.memory_space<vmem_shared>> -> memref<100352xi32, #tpu.memory_space<vmem_shared>>
    tpu.enqueue_indirect_dma source(%dma_start3A_23 : memref<100352xi32, #tpu.memory_space<vmem_shared>>) target(%arg14 : memref<5000xi32, #tpu.memory_space<vmem>>) offsets(%arg10 : memref<5000xi32, #tpu.memory_space<vmem>>) semaphore(%arg36 : memref<!tpu.dma_semaphore, #tpu.memory_space<semaphore_mem>>)
    %dma_start3A_24 = arith.constant 0 : i32
    %dma_start3A_25 = tpu.memref_slice %arg27[%dma_start3A_24] : memref<100352xi32, #tpu.memory_space<vmem_shared>> -> memref<100352xi32, #tpu.memory_space<vmem_shared>>
    tpu.enqueue_indirect_dma source(%dma_start3A_25 : memref<100352xi32, #tpu.memory_space<vmem_shared>>) target(%arg15 : memref<5000xi32, #tpu.memory_space<vmem>>) offsets(%arg10 : memref<5000xi32, #tpu.memory_space<vmem>>) semaphore(%arg37 : memref<!tpu.dma_semaphore, #tpu.memory_space<semaphore_mem>>)
    %add3A_26 = arith.constant 5000 : i32
    %add3A_27 = arith.addi %mul3A_4, %add3A_26 : i32
    %multiple_of3A_28 = tpu.assume_multiple %add3A_27, 8 : i32
    %dma_start3A_29 = tpu.memref_slice %arg2[%multiple_of3A_28] : memref<6400000xi32, #tpu.memory_space<hbm>> -> memref<5000xi32, #tpu.memory_space<hbm>>
    %dma_start3A_30 = tpu.memref_slice %arg2[%multiple_of3A_28] : memref<6400000xi32, #tpu.memory_space<hbm>> -> memref<5000xi32, #tpu.memory_space<hbm>>
    tpu.enqueue_dma source(%dma_start3A_30 : memref<5000xi32, #tpu.memory_space<hbm>>) target(%arg12 : memref<5000xi32, #tpu.memory_space<vmem>>) target_semaphore(%arg34 : memref<!tpu.dma_semaphore, #tpu.memory_space<semaphore_mem>>)
    %dma_start3A_31 = tpu.memref_slice %arg3[%multiple_of3A_28] : memref<6400000xi32, #tpu.memory_space<hbm>> -> memref<5000xi32, #tpu.memory_space<hbm>>
    %dma_start3A_32 = tpu.memref_slice %arg3[%multiple_of3A_28] : memref<6400000xi32, #tpu.memory_space<hbm>> -> memref<5000xi32, #tpu.memory_space<hbm>>
    tpu.enqueue_dma source(%dma_start3A_32 : memref<5000xi32, #tpu.memory_space<hbm>>) target(%arg13 : memref<5000xi32, #tpu.memory_space<vmem>>) target_semaphore(%arg35 : memref<!tpu.dma_semaphore, #tpu.memory_space<semaphore_mem>>)
    %dma_wait3A_33 = arith.constant 0 : i32
    %dma_wait3A_34 = tpu.memref_slice %arg26[%dma_wait3A_33] : memref<100352xi32, #tpu.memory_space<vmem_shared>> -> memref<100352xi32, #tpu.memory_space<vmem_shared>>
    tpu.wait_indirect_dma semaphore(%arg36 : memref<!tpu.dma_semaphore, #tpu.memory_space<semaphore_mem>>) src(%dma_wait3A_34 : memref<100352xi32, #tpu.memory_space<vmem_shared>>) dst(%arg14 : memref<5000xi32, #tpu.memory_space<vmem>>)
    %dma_wait3A_35 = arith.constant 0 : i32
    %dma_wait3A_36 = tpu.memref_slice %arg27[%dma_wait3A_35] : memref<100352xi32, #tpu.memory_space<vmem_shared>> -> memref<100352xi32, #tpu.memory_space<vmem_shared>>
    tpu.wait_indirect_dma semaphore(%arg37 : memref<!tpu.dma_semaphore, #tpu.memory_space<semaphore_mem>>) src(%dma_wait3A_36 : memref<100352xi32, #tpu.memory_space<vmem_shared>>) dst(%arg15 : memref<5000xi32, #tpu.memory_space<vmem>>)
    %scan3A_37 = arith.constant 0 : i32
    %scan3A_38 = arith.constant 0 : i32
    %scan3A_39 = arith.constant 312 : i32
    %scan3A_40 = arith.addi %scan3A_38, %scan3A_39 : i32
    %scan3A_41 = arith.constant 1 : i32
    scf.for %scan3A_86 = %scan3A_38 to %scan3A_40 step %scan3A_41  : i32 {
      %mul3A_87 = arith.constant 16 : i32
      %mul3A_88 = arith.muli %scan3A_86, %mul3A_87 : i32
      %get3A_89 = arith.index_cast %mul3A_88 : i32 to index
      %get3A_90 = tpu.vector_load %arg14[%get3A_89] {strides = array<i32>} : memref<5000xi32, #tpu.memory_space<vmem>>, vector<16xi32>,
      %bitcast3A_91 = vector.bitcast %get3A_90 : vector<16xi32> to vector<32xbf16>
      %unpack3A_92 = tpu.unpack_subelements %bitcast3A_91, 0 {pack_format = #tpu.pack_format<interleaved>} : vector<32xbf16> -> vector<16xf32>
      %unpack3A_93 = tpu.unpack_subelements %bitcast3A_91, 1 {pack_format = #tpu.pack_format<interleaved>} : vector<32xbf16> -> vector<16xf32>
      %swap3A_94 = arith.index_cast %mul3A_88 : i32 to index
      %swap3A_95 = tpu.vector_load %arg16[%swap3A_94] {strides = array<i32>} : memref<5000xf32, #tpu.memory_space<vmem>>, vector<16xf32>,
      %swap3A_96 = vector.shape_cast %swap3A_95 : vector<16xf32> to vector<16xf32>
      %swap3A_97 = vector.shape_cast %unpack3A_92 : vector<16xf32> to vector<16xf32>
      tpu.vector_store %arg16[%swap3A_94], %swap3A_97 {strides = array<i32>} : memref<5000xf32, #tpu.memory_space<vmem>>, vector<16xf32>,
      %swap3A_98 = arith.index_cast %mul3A_88 : i32 to index
      %swap3A_99 = tpu.vector_load %arg17[%swap3A_98] {strides = array<i32>} : memref<5000xf32, #tpu.memory_space<vmem>>, vector<16xf32>,
      %swap3A_100 = vector.shape_cast %swap3A_99 : vector<16xf32> to vector<16xf32>
      %swap3A_101 = vector.shape_cast %unpack3A_93 : vector<16xf32> to vector<16xf32>
      tpu.vector_store %arg17[%swap3A_98], %swap3A_101 {strides = array<i32>} : memref<5000xf32, #tpu.memory_space<vmem>>, vector<16xf32>,
    }
    %scan3A_42 = arith.constant 312 : i32
    %get3A = arith.constant 4984 : index
    %get3A_43 = tpu.vector_load %arg14[%get3A] {strides = array<i32>} : memref<5000xi32, #tpu.memory_space<vmem>>, vector<16xi32>,
    %bitcast3A = vector.bitcast %get3A_43 : vector<16xi32> to vector<32xbf16>
    %unpack3A = tpu.unpack_subelements %bitcast3A, 0 {pack_format = #tpu.pack_format<interleaved>} : vector<32xbf16> -> vector<16xf32>
    %unpack3A_44 = tpu.unpack_subelements %bitcast3A, 1 {pack_format = #tpu.pack_format<interleaved>} : vector<32xbf16> -> vector<16xf32>
    %swap3A = arith.constant 4984 : index
    %swap3A_45 = tpu.vector_load %arg16[%swap3A] {strides = array<i32>} : memref<5000xf32, #tpu.memory_space<vmem>>, vector<16xf32>,
    tpu.vector_store %arg16[%swap3A], %unpack3A {strides = array<i32>} : memref<5000xf32, #tpu.memory_space<vmem>>, vector<16xf32>,
    %swap3A_46 = arith.constant 4984 : index
    %swap3A_47 = tpu.vector_load %arg17[%swap3A_46] {strides = array<i32>} : memref<5000xf32, #tpu.memory_space<vmem>>, vector<16xf32>,
    tpu.vector_store %arg17[%swap3A_46], %unpack3A_44 {strides = array<i32>} : memref<5000xf32, #tpu.memory_space<vmem>>, vector<16xf32>,
    %scan3A_48 = arith.constant 0 : i32
    %scan3A_49 = arith.constant 0 : i32
    %scan3A_50 = arith.constant 312 : i32
    %scan3A_51 = arith.addi %scan3A_49, %scan3A_50 : i32
    %scan3A_52 = arith.constant 1 : i32
    scf.for %scan3A_86 = %scan3A_49 to %scan3A_51 step %scan3A_52  : i32 {
      %mul3A_87 = arith.constant 16 : i32
      %mul3A_88 = arith.muli %scan3A_86, %mul3A_87 : i32
      %get3A_89 = arith.index_cast %mul3A_88 : i32 to index
      %get3A_90 = tpu.vector_load %arg15[%get3A_89] {strides = array<i32>} : memref<5000xi32, #tpu.memory_space<vmem>>, vector<16xi32>,
      %bitcast3A_91 = vector.bitcast %get3A_90 : vector<16xi32> to vector<32xbf16>
      %unpack3A_92 = tpu.unpack_subelements %bitcast3A_91, 0 {pack_format = #tpu.pack_format<interleaved>} : vector<32xbf16> -> vector<16xf32>
      %unpack3A_93 = tpu.unpack_subelements %bitcast3A_91, 1 {pack_format = #tpu.pack_format<interleaved>} : vector<32xbf16> -> vector<16xf32>
      %swap3A_94 = arith.index_cast %mul3A_88 : i32 to index
      %swap3A_95 = tpu.vector_load %arg18[%swap3A_94] {strides = array<i32>} : memref<5000xf32, #tpu.memory_space<vmem>>, vector<16xf32>,
      %swap3A_96 = vector.shape_cast %swap3A_95 : vector<16xf32> to vector<16xf32>
      %swap3A_97 = vector.shape_cast %unpack3A_92 : vector<16xf32> to vector<16xf32>
      tpu.vector_store %arg18[%swap3A_94], %swap3A_97 {strides = array<i32>} : memref<5000xf32, #tpu.memory_space<vmem>>, vector<16xf32>,
      %swap3A_98 = arith.index_cast %mul3A_88 : i32 to index
      %swap3A_99 = tpu.vector_load %arg19[%swap3A_98] {strides = array<i32>} : memref<5000xf32, #tpu.memory_space<vmem>>, vector<16xf32>,
      %swap3A_100 = vector.shape_cast %swap3A_99 : vector<16xf32> to vector<16xf32>
      %swap3A_101 = vector.shape_cast %unpack3A_93 : vector<16xf32> to vector<16xf32>
      tpu.vector_store %arg19[%swap3A_98], %swap3A_101 {strides = array<i32>} : memref<5000xf32, #tpu.memory_space<vmem>>, vector<16xf32>,
    }
    %scan3A_53 = arith.constant 312 : i32
    %get3A_54 = arith.constant 4984 : index
    %get3A_55 = tpu.vector_load %arg15[%get3A_54] {strides = array<i32>} : memref<5000xi32, #tpu.memory_space<vmem>>, vector<16xi32>,
    %bitcast3A_56 = vector.bitcast %get3A_55 : vector<16xi32> to vector<32xbf16>
    %unpack3A_57 = tpu.unpack_subelements %bitcast3A_56, 0 {pack_format = #tpu.pack_format<interleaved>} : vector<32xbf16> -> vector<16xf32>
    %unpack3A_58 = tpu.unpack_subelements %bitcast3A_56, 1 {pack_format = #tpu.pack_format<interleaved>} : vector<32xbf16> -> vector<16xf32>
    %swap3A_59 = arith.constant 4984 : index
    %swap3A_60 = tpu.vector_load %arg18[%swap3A_59] {strides = array<i32>} : memref<5000xf32, #tpu.memory_space<vmem>>, vector<16xf32>,
    tpu.vector_store %arg18[%swap3A_59], %unpack3A_57 {strides = array<i32>} : memref<5000xf32, #tpu.memory_space<vmem>>, vector<16xf32>,
    %swap3A_61 = arith.constant 4984 : index
    %swap3A_62 = tpu.vector_load %arg19[%swap3A_61] {strides = array<i32>} : memref<5000xf32, #tpu.memory_space<vmem>>, vector<16xf32>,
    tpu.vector_store %arg19[%swap3A_61], %unpack3A_58 {strides = array<i32>} : memref<5000xf32, #tpu.memory_space<vmem>>, vector<16xf32>,
    %dma_start3A_63 = arith.constant 0 : i32
    %dma_start3A_64 = tpu.memref_slice %arg28[%dma_start3A_63] : memref<100352xf32, #tpu.memory_space<vmem_shared>> -> memref<100352xf32, #tpu.memory_space<vmem_shared>>
    tpu.enqueue_indirect_dma source(%arg16 : memref<5000xf32, #tpu.memory_space<vmem>>) target(%dma_start3A_64 : memref<100352xf32, #tpu.memory_space<vmem_shared>>) offsets(%arg11 : memref<5000xi32, #tpu.memory_space<vmem>>) semaphore(%arg38 : memref<!tpu.dma_semaphore, #tpu.memory_space<semaphore_mem>>) {add = true}
    %dma_start3A_65 = arith.constant 0 : i32
    %dma_start3A_66 = tpu.memref_slice %arg29[%dma_start3A_65] : memref<100352xf32, #tpu.memory_space<vmem_shared>> -> memref<100352xf32, #tpu.memory_space<vmem_shared>>
    tpu.enqueue_indirect_dma source(%arg17 : memref<5000xf32, #tpu.memory_space<vmem>>) target(%dma_start3A_66 : memref<100352xf32, #tpu.memory_space<vmem_shared>>) offsets(%arg11 : memref<5000xi32, #tpu.memory_space<vmem>>) semaphore(%arg39 : memref<!tpu.dma_semaphore, #tpu.memory_space<semaphore_mem>>) {add = true}
    %dma_start3A_67 = arith.constant 0 : i32
    %dma_start3A_68 = tpu.memref_slice %arg30[%dma_start3A_67] : memref<100352xf32, #tpu.memory_space<vmem_shared>> -> memref<100352xf32, #tpu.memory_space<vmem_shared>>
    tpu.enqueue_indirect_dma source(%arg18 : memref<5000xf32, #tpu.memory_space<vmem>>) target(%dma_start3A_68 : memref<100352xf32, #tpu.memory_space<vmem_shared>>) offsets(%arg11 : memref<5000xi32, #tpu.memory_space<vmem>>) semaphore(%arg40 : memref<!tpu.dma_semaphore, #tpu.memory_space<semaphore_mem>>) {add = true}
    %dma_start3A_69 = arith.constant 0 : i32
    %dma_start3A_70 = tpu.memref_slice %arg31[%dma_start3A_69] : memref<100352xf32, #tpu.memory_space<vmem_shared>> -> memref<100352xf32, #tpu.memory_space<vmem_shared>>
    tpu.enqueue_indirect_dma source(%arg19 : memref<5000xf32, #tpu.memory_space<vmem>>) target(%dma_start3A_70 : memref<100352xf32, #tpu.memory_space<vmem_shared>>) offsets(%arg11 : memref<5000xi32, #tpu.memory_space<vmem>>) semaphore(%arg41 : memref<!tpu.dma_semaphore, #tpu.memory_space<semaphore_mem>>) {add = true}
    %scan3A_71 = arith.constant 0 : i32
    %scan3A_72 = arith.constant 1 : i32
    %scan3A_73 = arith.constant 39 : i32
    %scan3A_74 = arith.addi %scan3A_72, %scan3A_73 : i32
    %scan3A_75 = arith.constant 1 : i32
    scf.for %scan3A_86 = %scan3A_72 to %scan3A_74 step %scan3A_75  : i32 {
      %rem3A = arith.constant 2 : i32
      %rem3A_87 = arith.remsi %scan3A_86, %rem3A : i32
      %eq3A = arith.constant 0 : i32
      %eq3A_88 = arith.cmpi eq, %rem3A_87, %eq3A : i32
      %convert_element_type3A = arith.extui %eq3A_88 : i1 to i32
      %cond3A = arith.constant 0 : i32
      %cond3A_89 = arith.cmpi ne, %convert_element_type3A, %cond3A : i32
      scf.if %cond3A_89 {
        %dma_wait3A_94 = arith.constant 0 : i32
        %dma_wait3A_95 = tpu.memref_slice %arg2[%dma_wait3A_94] : memref<6400000xi32, #tpu.memory_space<hbm>> -> memref<5000xi32, #tpu.memory_space<hbm>>
        %dma_wait3A_96 = arith.constant 0 : i32
        %dma_wait3A_97 = tpu.memref_slice %arg2[%dma_wait3A_96] : memref<6400000xi32, #tpu.memory_space<hbm>> -> memref<5000xi32, #tpu.memory_space<hbm>>
        tpu.wait_dma2 semaphore(%arg32 : memref<!tpu.dma_semaphore, #tpu.memory_space<semaphore_mem>>) src(%dma_wait3A_97 : memref<5000xi32, #tpu.memory_space<hbm>>) dst(%arg10 : memref<5000xi32, #tpu.memory_space<vmem>>)
        %dma_wait3A_98 = arith.constant 0 : i32
        %dma_wait3A_99 = tpu.memref_slice %arg3[%dma_wait3A_98] : memref<6400000xi32, #tpu.memory_space<hbm>> -> memref<5000xi32, #tpu.memory_space<hbm>>
        %dma_wait3A_100 = arith.constant 0 : i32
        %dma_wait3A_101 = tpu.memref_slice %arg3[%dma_wait3A_100] : memref<6400000xi32, #tpu.memory_space<hbm>> -> memref<5000xi32, #tpu.memory_space<hbm>>
        tpu.wait_dma2 semaphore(%arg33 : memref<!tpu.dma_semaphore, #tpu.memory_space<semaphore_mem>>) src(%dma_wait3A_101 : memref<5000xi32, #tpu.memory_space<hbm>>) dst(%arg11 : memref<5000xi32, #tpu.memory_space<vmem>>)
        %dma_start3A_102 = arith.constant 0 : i32
        %dma_start3A_103 = tpu.memref_slice %arg26[%dma_start3A_102] : memref<100352xi32, #tpu.memory_space<vmem_shared>> -> memref<100352xi32, #tpu.memory_space<vmem_shared>>
        tpu.enqueue_indirect_dma source(%dma_start3A_103 : memref<100352xi32, #tpu.memory_space<vmem_shared>>) target(%arg14 : memref<5000xi32, #tpu.memory_space<vmem>>) offsets(%arg10 : memref<5000xi32, #tpu.memory_space<vmem>>) semaphore(%arg36 : memref<!tpu.dma_semaphore, #tpu.memory_space<semaphore_mem>>)
        %dma_start3A_104 = arith.constant 0 : i32
        %dma_start3A_105 = tpu.memref_slice %arg27[%dma_start3A_104] : memref<100352xi32, #tpu.memory_space<vmem_shared>> -> memref<100352xi32, #tpu.memory_space<vmem_shared>>
        tpu.enqueue_indirect_dma source(%dma_start3A_105 : memref<100352xi32, #tpu.memory_space<vmem_shared>>) target(%arg15 : memref<5000xi32, #tpu.memory_space<vmem>>) offsets(%arg10 : memref<5000xi32, #tpu.memory_space<vmem>>) semaphore(%arg37 : memref<!tpu.dma_semaphore, #tpu.memory_space<semaphore_mem>>)
        %dma_wait3A_106 = arith.constant 0 : i32
        %dma_wait3A_107 = tpu.memref_slice %arg28[%dma_wait3A_106] : memref<100352xf32, #tpu.memory_space<vmem_shared>> -> memref<100352xf32, #tpu.memory_space<vmem_shared>>
        tpu.wait_indirect_dma semaphore(%arg42 : memref<!tpu.dma_semaphore, #tpu.memory_space<semaphore_mem>>) src(%arg20 : memref<5000xf32, #tpu.memory_space<vmem>>) dst(%dma_wait3A_107 : memref<100352xf32, #tpu.memory_space<vmem_shared>>)
        %dma_wait3A_108 = arith.constant 0 : i32
        %dma_wait3A_109 = tpu.memref_slice %arg29[%dma_wait3A_108] : memref<100352xf32, #tpu.memory_space<vmem_shared>> -> memref<100352xf32, #tpu.memory_space<vmem_shared>>
        tpu.wait_indirect_dma semaphore(%arg43 : memref<!tpu.dma_semaphore, #tpu.memory_space<semaphore_mem>>) src(%arg21 : memref<5000xf32, #tpu.memory_space<vmem>>) dst(%dma_wait3A_109 : memref<100352xf32, #tpu.memory_space<vmem_shared>>)
        %dma_wait3A_110 = arith.constant 0 : i32
        %dma_wait3A_111 = tpu.memref_slice %arg30[%dma_wait3A_110] : memref<100352xf32, #tpu.memory_space<vmem_shared>> -> memref<100352xf32, #tpu.memory_space<vmem_shared>>
        tpu.wait_indirect_dma semaphore(%arg44 : memref<!tpu.dma_semaphore, #tpu.memory_space<semaphore_mem>>) src(%arg22 : memref<5000xf32, #tpu.memory_space<vmem>>) dst(%dma_wait3A_111 : memref<100352xf32, #tpu.memory_space<vmem_shared>>)
        %dma_wait3A_112 = arith.constant 0 : i32
        %dma_wait3A_113 = tpu.memref_slice %arg31[%dma_wait3A_112] : memref<100352xf32, #tpu.memory_space<vmem_shared>> -> memref<100352xf32, #tpu.memory_space<vmem_shared>>
        tpu.wait_indirect_dma semaphore(%arg45 : memref<!tpu.dma_semaphore, #tpu.memory_space<semaphore_mem>>) src(%arg23 : memref<5000xf32, #tpu.memory_space<vmem>>) dst(%dma_wait3A_113 : memref<100352xf32, #tpu.memory_space<vmem_shared>>)
        %add3A_114 = arith.constant 1 : i32
        %add3A_115 = arith.addi %scan3A_86, %add3A_114 : i32
        %lt3A = arith.constant 40 : i32
        %lt3A_116 = arith.cmpi slt, %add3A_115, %lt3A : i32
        %convert_element_type3A_117 = arith.extui %lt3A_116 : i1 to i32
        %cond3A_118 = arith.constant 0 : i32
        %cond3A_119 = arith.cmpi ne, %convert_element_type3A_117, %cond3A_118 : i32
        scf.if %cond3A_119 {
          %add3A_162 = arith.constant 1 : i32
          %add3A_163 = arith.addi %scan3A_86, %add3A_162 : i32
          %mul3A_164 = arith.constant 5000 : i32
          %mul3A_165 = arith.muli %add3A_163, %mul3A_164 : i32
          %add3A_166 = arith.addi %mul3A_4, %mul3A_165 : i32
          %multiple_of3A_167 = tpu.assume_multiple %add3A_166, 8 : i32
          %dma_start3A_168 = tpu.memref_slice %arg2[%multiple_of3A_167] : memref<6400000xi32, #tpu.memory_space<hbm>> -> memref<5000xi32, #tpu.memory_space<hbm>>
          %dma_start3A_169 = tpu.memref_slice %arg2[%multiple_of3A_167] : memref<6400000xi32, #tpu.memory_space<hbm>> -> memref<5000xi32, #tpu.memory_space<hbm>>
          tpu.enqueue_dma source(%dma_start3A_169 : memref<5000xi32, #tpu.memory_space<hbm>>) target(%arg12 : memref<5000xi32, #tpu.memory_space<vmem>>) target_semaphore(%arg34 : memref<!tpu.dma_semaphore, #tpu.memory_space<semaphore_mem>>)
          %dma_start3A_170 = tpu.memref_slice %arg3[%multiple_of3A_167] : memref<6400000xi32, #tpu.memory_space<hbm>> -> memref<5000xi32, #tpu.memory_space<hbm>>
          %dma_start3A_171 = tpu.memref_slice %arg3[%multiple_of3A_167] : memref<6400000xi32, #tpu.memory_space<hbm>> -> memref<5000xi32, #tpu.memory_space<hbm>>
          tpu.enqueue_dma source(%dma_start3A_171 : memref<5000xi32, #tpu.memory_space<hbm>>) target(%arg13 : memref<5000xi32, #tpu.memory_space<vmem>>) target_semaphore(%arg35 : memref<!tpu.dma_semaphore, #tpu.memory_space<semaphore_mem>>)
        } else {
        }
        %dma_wait3A_120 = arith.constant 0 : i32
        %dma_wait3A_121 = tpu.memref_slice %arg26[%dma_wait3A_120] : memref<100352xi32, #tpu.memory_space<vmem_shared>> -> memref<100352xi32, #tpu.memory_space<vmem_shared>>
        tpu.wait_indirect_dma semaphore(%arg36 : memref<!tpu.dma_semaphore, #tpu.memory_space<semaphore_mem>>) src(%dma_wait3A_121 : memref<100352xi32, #tpu.memory_space<vmem_shared>>) dst(%arg14 : memref<5000xi32, #tpu.memory_space<vmem>>)
        %dma_wait3A_122 = arith.constant 0 : i32
        %dma_wait3A_123 = tpu.memref_slice %arg27[%dma_wait3A_122] : memref<100352xi32, #tpu.memory_space<vmem_shared>> -> memref<100352xi32, #tpu.memory_space<vmem_shared>>
        tpu.wait_indirect_dma semaphore(%arg37 : memref<!tpu.dma_semaphore, #tpu.memory_space<semaphore_mem>>) src(%dma_wait3A_123 : memref<100352xi32, #tpu.memory_space<vmem_shared>>) dst(%arg15 : memref<5000xi32, #tpu.memory_space<vmem>>)
        %scan3A_124 = arith.constant 0 : i32
        %scan3A_125 = arith.constant 0 : i32
        %scan3A_126 = arith.constant 312 : i32
        %scan3A_127 = arith.addi %scan3A_125, %scan3A_126 : i32
        %scan3A_128 = arith.constant 1 : i32
        scf.for %scan3A_162 = %scan3A_125 to %scan3A_127 step %scan3A_128  : i32 {
          %mul3A_163 = arith.constant 16 : i32
          %mul3A_164 = arith.muli %scan3A_162, %mul3A_163 : i32
          %get3A_165 = arith.index_cast %mul3A_164 : i32 to index
          %get3A_166 = tpu.vector_load %arg14[%get3A_165] {strides = array<i32>} : memref<5000xi32, #tpu.memory_space<vmem>>, vector<16xi32>,
          %bitcast3A_167 = vector.bitcast %get3A_166 : vector<16xi32> to vector<32xbf16>
          %unpack3A_168 = tpu.unpack_subelements %bitcast3A_167, 0 {pack_format = #tpu.pack_format<interleaved>} : vector<32xbf16> -> vector<16xf32>
          %unpack3A_169 = tpu.unpack_subelements %bitcast3A_167, 1 {pack_format = #tpu.pack_format<interleaved>} : vector<32xbf16> -> vector<16xf32>
          %swap3A_170 = arith.index_cast %mul3A_164 : i32 to index
          %swap3A_171 = tpu.vector_load %arg16[%swap3A_170] {strides = array<i32>} : memref<5000xf32, #tpu.memory_space<vmem>>, vector<16xf32>,
          %swap3A_172 = vector.shape_cast %swap3A_171 : vector<16xf32> to vector<16xf32>
          %swap3A_173 = vector.shape_cast %unpack3A_168 : vector<16xf32> to vector<16xf32>
          tpu.vector_store %arg16[%swap3A_170], %swap3A_173 {strides = array<i32>} : memref<5000xf32, #tpu.memory_space<vmem>>, vector<16xf32>,
          %swap3A_174 = arith.index_cast %mul3A_164 : i32 to index
          %swap3A_175 = tpu.vector_load %arg17[%swap3A_174] {strides = array<i32>} : memref<5000xf32, #tpu.memory_space<vmem>>, vector<16xf32>,
          %swap3A_176 = vector.shape_cast %swap3A_175 : vector<16xf32> to vector<16xf32>
          %swap3A_177 = vector.shape_cast %unpack3A_169 : vector<16xf32> to vector<16xf32>
          tpu.vector_store %arg17[%swap3A_174], %swap3A_177 {strides = array<i32>} : memref<5000xf32, #tpu.memory_space<vmem>>, vector<16xf32>,
        }
        %scan3A_129 = arith.constant 312 : i32
        %get3A_130 = arith.constant 4984 : index
        %get3A_131 = tpu.vector_load %arg14[%get3A_130] {strides = array<i32>} : memref<5000xi32, #tpu.memory_space<vmem>>, vector<16xi32>,
        %bitcast3A_132 = vector.bitcast %get3A_131 : vector<16xi32> to vector<32xbf16>
        %unpack3A_133 = tpu.unpack_subelements %bitcast3A_132, 0 {pack_format = #tpu.pack_format<interleaved>} : vector<32xbf16> -> vector<16xf32>
        %unpack3A_134 = tpu.unpack_subelements %bitcast3A_132, 1 {pack_format = #tpu.pack_format<interleaved>} : vector<32xbf16> -> vector<16xf32>
        %swap3A_135 = arith.constant 4984 : index
        %swap3A_136 = tpu.vector_load %arg16[%swap3A_135] {strides = array<i32>} : memref<5000xf32, #tpu.memory_space<vmem>>, vector<16xf32>,
        tpu.vector_store %arg16[%swap3A_135], %unpack3A_133 {strides = array<i32>} : memref<5000xf32, #tpu.memory_space<vmem>>, vector<16xf32>,
        %swap3A_137 = arith.constant 4984 : index
        %swap3A_138 = tpu.vector_load %arg17[%swap3A_137] {strides = array<i32>} : memref<5000xf32, #tpu.memory_space<vmem>>, vector<16xf32>,
        tpu.vector_store %arg17[%swap3A_137], %unpack3A_134 {strides = array<i32>} : memref<5000xf32, #tpu.memory_space<vmem>>, vector<16xf32>,
        %scan3A_139 = arith.constant 0 : i32
        %scan3A_140 = arith.constant 0 : i32
        %scan3A_141 = arith.constant 312 : i32
        %scan3A_142 = arith.addi %scan3A_140, %scan3A_141 : i32
        %scan3A_143 = arith.constant 1 : i32
        scf.for %scan3A_162 = %scan3A_140 to %scan3A_142 step %scan3A_143  : i32 {
          %mul3A_163 = arith.constant 16 : i32
          %mul3A_164 = arith.muli %scan3A_162, %mul3A_163 : i32
          %get3A_165 = arith.index_cast %mul3A_164 : i32 to index
          %get3A_166 = tpu.vector_load %arg15[%get3A_165] {strides = array<i32>} : memref<5000xi32, #tpu.memory_space<vmem>>, vector<16xi32>,
          %bitcast3A_167 = vector.bitcast %get3A_166 : vector<16xi32> to vector<32xbf16>
          %unpack3A_168 = tpu.unpack_subelements %bitcast3A_167, 0 {pack_format = #tpu.pack_format<interleaved>} : vector<32xbf16> -> vector<16xf32>
          %unpack3A_169 = tpu.unpack_subelements %bitcast3A_167, 1 {pack_format = #tpu.pack_format<interleaved>} : vector<32xbf16> -> vector<16xf32>
          %swap3A_170 = arith.index_cast %mul3A_164 : i32 to index
          %swap3A_171 = tpu.vector_load %arg18[%swap3A_170] {strides = array<i32>} : memref<5000xf32, #tpu.memory_space<vmem>>, vector<16xf32>,
          %swap3A_172 = vector.shape_cast %swap3A_171 : vector<16xf32> to vector<16xf32>
          %swap3A_173 = vector.shape_cast %unpack3A_168 : vector<16xf32> to vector<16xf32>
          tpu.vector_store %arg18[%swap3A_170], %swap3A_173 {strides = array<i32>} : memref<5000xf32, #tpu.memory_space<vmem>>, vector<16xf32>,
          %swap3A_174 = arith.index_cast %mul3A_164 : i32 to index
          %swap3A_175 = tpu.vector_load %arg19[%swap3A_174] {strides = array<i32>} : memref<5000xf32, #tpu.memory_space<vmem>>, vector<16xf32>,
          %swap3A_176 = vector.shape_cast %swap3A_175 : vector<16xf32> to vector<16xf32>
          %swap3A_177 = vector.shape_cast %unpack3A_169 : vector<16xf32> to vector<16xf32>
          tpu.vector_store %arg19[%swap3A_174], %swap3A_177 {strides = array<i32>} : memref<5000xf32, #tpu.memory_space<vmem>>, vector<16xf32>,
        }
        %scan3A_144 = arith.constant 312 : i32
        %get3A_145 = arith.constant 4984 : index
        %get3A_146 = tpu.vector_load %arg15[%get3A_145] {strides = array<i32>} : memref<5000xi32, #tpu.memory_space<vmem>>, vector<16xi32>,
        %bitcast3A_147 = vector.bitcast %get3A_146 : vector<16xi32> to vector<32xbf16>
        %unpack3A_148 = tpu.unpack_subelements %bitcast3A_147, 0 {pack_format = #tpu.pack_format<interleaved>} : vector<32xbf16> -> vector<16xf32>
        %unpack3A_149 = tpu.unpack_subelements %bitcast3A_147, 1 {pack_format = #tpu.pack_format<interleaved>} : vector<32xbf16> -> vector<16xf32>
        %swap3A_150 = arith.constant 4984 : index
        %swap3A_151 = tpu.vector_load %arg18[%swap3A_150] {strides = array<i32>} : memref<5000xf32, #tpu.memory_space<vmem>>, vector<16xf32>,
        tpu.vector_store %arg18[%swap3A_150], %unpack3A_148 {strides = array<i32>} : memref<5000xf32, #tpu.memory_space<vmem>>, vector<16xf32>,
        %swap3A_152 = arith.constant 4984 : index
        %swap3A_153 = tpu.vector_load %arg19[%swap3A_152] {strides = array<i32>} : memref<5000xf32, #tpu.memory_space<vmem>>, vector<16xf32>,
        tpu.vector_store %arg19[%swap3A_152], %unpack3A_149 {strides = array<i32>} : memref<5000xf32, #tpu.memory_space<vmem>>, vector<16xf32>,
        %dma_start3A_154 = arith.constant 0 : i32
        %dma_start3A_155 = tpu.memref_slice %arg28[%dma_start3A_154] : memref<100352xf32, #tpu.memory_space<vmem_shared>> -> memref<100352xf32, #tpu.memory_space<vmem_shared>>
        tpu.enqueue_indirect_dma source(%arg16 : memref<5000xf32, #tpu.memory_space<vmem>>) target(%dma_start3A_155 : memref<100352xf32, #tpu.memory_space<vmem_shared>>) offsets(%arg11 : memref<5000xi32, #tpu.memory_space<vmem>>) semaphore(%arg38 : memref<!tpu.dma_semaphore, #tpu.memory_space<semaphore_mem>>) {add = true}
        %dma_start3A_156 = arith.constant 0 : i32
        %dma_start3A_157 = tpu.memref_slice %arg29[%dma_start3A_156] : memref<100352xf32, #tpu.memory_space<vmem_shared>> -> memref<100352xf32, #tpu.memory_space<vmem_shared>>
        tpu.enqueue_indirect_dma source(%arg17 : memref<5000xf32, #tpu.memory_space<vmem>>) target(%dma_start3A_157 : memref<100352xf32, #tpu.memory_space<vmem_shared>>) offsets(%arg11 : memref<5000xi32, #tpu.memory_space<vmem>>) semaphore(%arg39 : memref<!tpu.dma_semaphore, #tpu.memory_space<semaphore_mem>>) {add = true}
        %dma_start3A_158 = arith.constant 0 : i32
        %dma_start3A_159 = tpu.memref_slice %arg30[%dma_start3A_158] : memref<100352xf32, #tpu.memory_space<vmem_shared>> -> memref<100352xf32, #tpu.memory_space<vmem_shared>>
        tpu.enqueue_indirect_dma source(%arg18 : memref<5000xf32, #tpu.memory_space<vmem>>) target(%dma_start3A_159 : memref<100352xf32, #tpu.memory_space<vmem_shared>>) offsets(%arg11 : memref<5000xi32, #tpu.memory_space<vmem>>) semaphore(%arg40 : memref<!tpu.dma_semaphore, #tpu.memory_space<semaphore_mem>>) {add = true}
        %dma_start3A_160 = arith.constant 0 : i32
        %dma_start3A_161 = tpu.memref_slice %arg31[%dma_start3A_160] : memref<100352xf32, #tpu.memory_space<vmem_shared>> -> memref<100352xf32, #tpu.memory_space<vmem_shared>>
        tpu.enqueue_indirect_dma source(%arg19 : memref<5000xf32, #tpu.memory_space<vmem>>) target(%dma_start3A_161 : memref<100352xf32, #tpu.memory_space<vmem_shared>>) offsets(%arg11 : memref<5000xi32, #tpu.memory_space<vmem>>) semaphore(%arg41 : memref<!tpu.dma_semaphore, #tpu.memory_space<semaphore_mem>>) {add = true}
      } else {
      }
      %not3A = arith.constant true
      %not3A_90 = arith.xori %eq3A_88, %not3A : i1
      %convert_element_type3A_91 = arith.extui %not3A_90 : i1 to i32
      %cond3A_92 = arith.constant 0 : i32
      %cond3A_93 = arith.cmpi ne, %convert_element_type3A_91, %cond3A_92 : i32
      scf.if %cond3A_93 {
        %dma_wait3A_94 = arith.constant 0 : i32
        %dma_wait3A_95 = tpu.memref_slice %arg2[%dma_wait3A_94] : memref<6400000xi32, #tpu.memory_space<hbm>> -> memref<5000xi32, #tpu.memory_space<hbm>>
        %dma_wait3A_96 = arith.constant 0 : i32
        %dma_wait3A_97 = tpu.memref_slice %arg2[%dma_wait3A_96] : memref<6400000xi32, #tpu.memory_space<hbm>> -> memref<5000xi32, #tpu.memory_space<hbm>>
        tpu.wait_dma2 semaphore(%arg34 : memref<!tpu.dma_semaphore, #tpu.memory_space<semaphore_mem>>) src(%dma_wait3A_97 : memref<5000xi32, #tpu.memory_space<hbm>>) dst(%arg12 : memref<5000xi32, #tpu.memory_space<vmem>>)
        %dma_wait3A_98 = arith.constant 0 : i32
        %dma_wait3A_99 = tpu.memref_slice %arg3[%dma_wait3A_98] : memref<6400000xi32, #tpu.memory_space<hbm>> -> memref<5000xi32, #tpu.memory_space<hbm>>
        %dma_wait3A_100 = arith.constant 0 : i32
        %dma_wait3A_101 = tpu.memref_slice %arg3[%dma_wait3A_100] : memref<6400000xi32, #tpu.memory_space<hbm>> -> memref<5000xi32, #tpu.memory_space<hbm>>
        tpu.wait_dma2 semaphore(%arg35 : memref<!tpu.dma_semaphore, #tpu.memory_space<semaphore_mem>>) src(%dma_wait3A_101 : memref<5000xi32, #tpu.memory_space<hbm>>) dst(%arg13 : memref<5000xi32, #tpu.memory_space<vmem>>)
        %dma_start3A_102 = arith.constant 0 : i32
        %dma_start3A_103 = tpu.memref_slice %arg26[%dma_start3A_102] : memref<100352xi32, #tpu.memory_space<vmem_shared>> -> memref<100352xi32, #tpu.memory_space<vmem_shared>>
        tpu.enqueue_indirect_dma source(%dma_start3A_103 : memref<100352xi32, #tpu.memory_space<vmem_shared>>) target(%arg14 : memref<5000xi32, #tpu.memory_space<vmem>>) offsets(%arg12 : memref<5000xi32, #tpu.memory_space<vmem>>) semaphore(%arg36 : memref<!tpu.dma_semaphore, #tpu.memory_space<semaphore_mem>>)
        %dma_start3A_104 = arith.constant 0 : i32
        %dma_start3A_105 = tpu.memref_slice %arg27[%dma_start3A_104] : memref<100352xi32, #tpu.memory_space<vmem_shared>> -> memref<100352xi32, #tpu.memory_space<vmem_shared>>
        tpu.enqueue_indirect_dma source(%dma_start3A_105 : memref<100352xi32, #tpu.memory_space<vmem_shared>>) target(%arg15 : memref<5000xi32, #tpu.memory_space<vmem>>) offsets(%arg12 : memref<5000xi32, #tpu.memory_space<vmem>>) semaphore(%arg37 : memref<!tpu.dma_semaphore, #tpu.memory_space<semaphore_mem>>)
        %dma_wait3A_106 = arith.constant 0 : i32
        %dma_wait3A_107 = tpu.memref_slice %arg28[%dma_wait3A_106] : memref<100352xf32, #tpu.memory_space<vmem_shared>> -> memref<100352xf32, #tpu.memory_space<vmem_shared>>
        tpu.wait_indirect_dma semaphore(%arg38 : memref<!tpu.dma_semaphore, #tpu.memory_space<semaphore_mem>>) src(%arg16 : memref<5000xf32, #tpu.memory_space<vmem>>) dst(%dma_wait3A_107 : memref<100352xf32, #tpu.memory_space<vmem_shared>>)
        %dma_wait3A_108 = arith.constant 0 : i32
        %dma_wait3A_109 = tpu.memref_slice %arg29[%dma_wait3A_108] : memref<100352xf32, #tpu.memory_space<vmem_shared>> -> memref<100352xf32, #tpu.memory_space<vmem_shared>>
        tpu.wait_indirect_dma semaphore(%arg39 : memref<!tpu.dma_semaphore, #tpu.memory_space<semaphore_mem>>) src(%arg17 : memref<5000xf32, #tpu.memory_space<vmem>>) dst(%dma_wait3A_109 : memref<100352xf32, #tpu.memory_space<vmem_shared>>)
        %dma_wait3A_110 = arith.constant 0 : i32
        %dma_wait3A_111 = tpu.memref_slice %arg30[%dma_wait3A_110] : memref<100352xf32, #tpu.memory_space<vmem_shared>> -> memref<100352xf32, #tpu.memory_space<vmem_shared>>
        tpu.wait_indirect_dma semaphore(%arg40 : memref<!tpu.dma_semaphore, #tpu.memory_space<semaphore_mem>>) src(%arg18 : memref<5000xf32, #tpu.memory_space<vmem>>) dst(%dma_wait3A_111 : memref<100352xf32, #tpu.memory_space<vmem_shared>>)
        %dma_wait3A_112 = arith.constant 0 : i32
        %dma_wait3A_113 = tpu.memref_slice %arg31[%dma_wait3A_112] : memref<100352xf32, #tpu.memory_space<vmem_shared>> -> memref<100352xf32, #tpu.memory_space<vmem_shared>>
        tpu.wait_indirect_dma semaphore(%arg41 : memref<!tpu.dma_semaphore, #tpu.memory_space<semaphore_mem>>) src(%arg19 : memref<5000xf32, #tpu.memory_space<vmem>>) dst(%dma_wait3A_113 : memref<100352xf32, #tpu.memory_space<vmem_shared>>)
        %add3A_114 = arith.constant 1 : i32
        %add3A_115 = arith.addi %scan3A_86, %add3A_114 : i32
        %lt3A = arith.constant 40 : i32
        %lt3A_116 = arith.cmpi slt, %add3A_115, %lt3A : i32
        %convert_element_type3A_117 = arith.extui %lt3A_116 : i1 to i32
        %cond3A_118 = arith.constant 0 : i32
        %cond3A_119 = arith.cmpi ne, %convert_element_type3A_117, %cond3A_118 : i32
        scf.if %cond3A_119 {
          %add3A_162 = arith.constant 1 : i32
          %add3A_163 = arith.addi %scan3A_86, %add3A_162 : i32
          %mul3A_164 = arith.constant 5000 : i32
          %mul3A_165 = arith.muli %add3A_163, %mul3A_164 : i32
          %add3A_166 = arith.addi %mul3A_4, %mul3A_165 : i32
          %multiple_of3A_167 = tpu.assume_multiple %add3A_166, 8 : i32
          %dma_start3A_168 = tpu.memref_slice %arg2[%multiple_of3A_167] : memref<6400000xi32, #tpu.memory_space<hbm>> -> memref<5000xi32, #tpu.memory_space<hbm>>
          %dma_start3A_169 = tpu.memref_slice %arg2[%multiple_of3A_167] : memref<6400000xi32, #tpu.memory_space<hbm>> -> memref<5000xi32, #tpu.memory_space<hbm>>
          tpu.enqueue_dma source(%dma_start3A_169 : memref<5000xi32, #tpu.memory_space<hbm>>) target(%arg10 : memref<5000xi32, #tpu.memory_space<vmem>>) target_semaphore(%arg32 : memref<!tpu.dma_semaphore, #tpu.memory_space<semaphore_mem>>)
          %dma_start3A_170 = tpu.memref_slice %arg3[%multiple_of3A_167] : memref<6400000xi32, #tpu.memory_space<hbm>> -> memref<5000xi32, #tpu.memory_space<hbm>>
          %dma_start3A_171 = tpu.memref_slice %arg3[%multiple_of3A_167] : memref<6400000xi32, #tpu.memory_space<hbm>> -> memref<5000xi32, #tpu.memory_space<hbm>>
          tpu.enqueue_dma source(%dma_start3A_171 : memref<5000xi32, #tpu.memory_space<hbm>>) target(%arg11 : memref<5000xi32, #tpu.memory_space<vmem>>) target_semaphore(%arg33 : memref<!tpu.dma_semaphore, #tpu.memory_space<semaphore_mem>>)
        } else {
        }
        %dma_wait3A_120 = arith.constant 0 : i32
        %dma_wait3A_121 = tpu.memref_slice %arg26[%dma_wait3A_120] : memref<100352xi32, #tpu.memory_space<vmem_shared>> -> memref<100352xi32, #tpu.memory_space<vmem_shared>>
        tpu.wait_indirect_dma semaphore(%arg36 : memref<!tpu.dma_semaphore, #tpu.memory_space<semaphore_mem>>) src(%dma_wait3A_121 : memref<100352xi32, #tpu.memory_space<vmem_shared>>) dst(%arg14 : memref<5000xi32, #tpu.memory_space<vmem>>)
        %dma_wait3A_122 = arith.constant 0 : i32
        %dma_wait3A_123 = tpu.memref_slice %arg27[%dma_wait3A_122] : memref<100352xi32, #tpu.memory_space<vmem_shared>> -> memref<100352xi32, #tpu.memory_space<vmem_shared>>
        tpu.wait_indirect_dma semaphore(%arg37 : memref<!tpu.dma_semaphore, #tpu.memory_space<semaphore_mem>>) src(%dma_wait3A_123 : memref<100352xi32, #tpu.memory_space<vmem_shared>>) dst(%arg15 : memref<5000xi32, #tpu.memory_space<vmem>>)
        %scan3A_124 = arith.constant 0 : i32
        %scan3A_125 = arith.constant 0 : i32
        %scan3A_126 = arith.constant 312 : i32
        %scan3A_127 = arith.addi %scan3A_125, %scan3A_126 : i32
        %scan3A_128 = arith.constant 1 : i32
        scf.for %scan3A_162 = %scan3A_125 to %scan3A_127 step %scan3A_128  : i32 {
          %mul3A_163 = arith.constant 16 : i32
          %mul3A_164 = arith.muli %scan3A_162, %mul3A_163 : i32
          %get3A_165 = arith.index_cast %mul3A_164 : i32 to index
          %get3A_166 = tpu.vector_load %arg14[%get3A_165] {strides = array<i32>} : memref<5000xi32, #tpu.memory_space<vmem>>, vector<16xi32>,
          %bitcast3A_167 = vector.bitcast %get3A_166 : vector<16xi32> to vector<32xbf16>
          %unpack3A_168 = tpu.unpack_subelements %bitcast3A_167, 0 {pack_format = #tpu.pack_format<interleaved>} : vector<32xbf16> -> vector<16xf32>
          %unpack3A_169 = tpu.unpack_subelements %bitcast3A_167, 1 {pack_format = #tpu.pack_format<interleaved>} : vector<32xbf16> -> vector<16xf32>
          %swap3A_170 = arith.index_cast %mul3A_164 : i32 to index
          %swap3A_171 = tpu.vector_load %arg20[%swap3A_170] {strides = array<i32>} : memref<5000xf32, #tpu.memory_space<vmem>>, vector<16xf32>,
          %swap3A_172 = vector.shape_cast %swap3A_171 : vector<16xf32> to vector<16xf32>
          %swap3A_173 = vector.shape_cast %unpack3A_168 : vector<16xf32> to vector<16xf32>
          tpu.vector_store %arg20[%swap3A_170], %swap3A_173 {strides = array<i32>} : memref<5000xf32, #tpu.memory_space<vmem>>, vector<16xf32>,
          %swap3A_174 = arith.index_cast %mul3A_164 : i32 to index
          %swap3A_175 = tpu.vector_load %arg21[%swap3A_174] {strides = array<i32>} : memref<5000xf32, #tpu.memory_space<vmem>>, vector<16xf32>,
          %swap3A_176 = vector.shape_cast %swap3A_175 : vector<16xf32> to vector<16xf32>
          %swap3A_177 = vector.shape_cast %unpack3A_169 : vector<16xf32> to vector<16xf32>
          tpu.vector_store %arg21[%swap3A_174], %swap3A_177 {strides = array<i32>} : memref<5000xf32, #tpu.memory_space<vmem>>, vector<16xf32>,
        }
        %scan3A_129 = arith.constant 312 : i32
        %get3A_130 = arith.constant 4984 : index
        %get3A_131 = tpu.vector_load %arg14[%get3A_130] {strides = array<i32>} : memref<5000xi32, #tpu.memory_space<vmem>>, vector<16xi32>,
        %bitcast3A_132 = vector.bitcast %get3A_131 : vector<16xi32> to vector<32xbf16>
        %unpack3A_133 = tpu.unpack_subelements %bitcast3A_132, 0 {pack_format = #tpu.pack_format<interleaved>} : vector<32xbf16> -> vector<16xf32>
        %unpack3A_134 = tpu.unpack_subelements %bitcast3A_132, 1 {pack_format = #tpu.pack_format<interleaved>} : vector<32xbf16> -> vector<16xf32>
        %swap3A_135 = arith.constant 4984 : index
        %swap3A_136 = tpu.vector_load %arg20[%swap3A_135] {strides = array<i32>} : memref<5000xf32, #tpu.memory_space<vmem>>, vector<16xf32>,
        tpu.vector_store %arg20[%swap3A_135], %unpack3A_133 {strides = array<i32>} : memref<5000xf32, #tpu.memory_space<vmem>>, vector<16xf32>,
        %swap3A_137 = arith.constant 4984 : index
        %swap3A_138 = tpu.vector_load %arg21[%swap3A_137] {strides = array<i32>} : memref<5000xf32, #tpu.memory_space<vmem>>, vector<16xf32>,
        tpu.vector_store %arg21[%swap3A_137], %unpack3A_134 {strides = array<i32>} : memref<5000xf32, #tpu.memory_space<vmem>>, vector<16xf32>,
        %scan3A_139 = arith.constant 0 : i32
        %scan3A_140 = arith.constant 0 : i32
        %scan3A_141 = arith.constant 312 : i32
        %scan3A_142 = arith.addi %scan3A_140, %scan3A_141 : i32
        %scan3A_143 = arith.constant 1 : i32
        scf.for %scan3A_162 = %scan3A_140 to %scan3A_142 step %scan3A_143  : i32 {
          %mul3A_163 = arith.constant 16 : i32
          %mul3A_164 = arith.muli %scan3A_162, %mul3A_163 : i32
          %get3A_165 = arith.index_cast %mul3A_164 : i32 to index
          %get3A_166 = tpu.vector_load %arg15[%get3A_165] {strides = array<i32>} : memref<5000xi32, #tpu.memory_space<vmem>>, vector<16xi32>,
          %bitcast3A_167 = vector.bitcast %get3A_166 : vector<16xi32> to vector<32xbf16>
          %unpack3A_168 = tpu.unpack_subelements %bitcast3A_167, 0 {pack_format = #tpu.pack_format<interleaved>} : vector<32xbf16> -> vector<16xf32>
          %unpack3A_169 = tpu.unpack_subelements %bitcast3A_167, 1 {pack_format = #tpu.pack_format<interleaved>} : vector<32xbf16> -> vector<16xf32>
          %swap3A_170 = arith.index_cast %mul3A_164 : i32 to index
          %swap3A_171 = tpu.vector_load %arg22[%swap3A_170] {strides = array<i32>} : memref<5000xf32, #tpu.memory_space<vmem>>, vector<16xf32>,
          %swap3A_172 = vector.shape_cast %swap3A_171 : vector<16xf32> to vector<16xf32>
          %swap3A_173 = vector.shape_cast %unpack3A_168 : vector<16xf32> to vector<16xf32>
          tpu.vector_store %arg22[%swap3A_170], %swap3A_173 {strides = array<i32>} : memref<5000xf32, #tpu.memory_space<vmem>>, vector<16xf32>,
          %swap3A_174 = arith.index_cast %mul3A_164 : i32 to index
          %swap3A_175 = tpu.vector_load %arg23[%swap3A_174] {strides = array<i32>} : memref<5000xf32, #tpu.memory_space<vmem>>, vector<16xf32>,
          %swap3A_176 = vector.shape_cast %swap3A_175 : vector<16xf32> to vector<16xf32>
          %swap3A_177 = vector.shape_cast %unpack3A_169 : vector<16xf32> to vector<16xf32>
          tpu.vector_store %arg23[%swap3A_174], %swap3A_177 {strides = array<i32>} : memref<5000xf32, #tpu.memory_space<vmem>>, vector<16xf32>,
        }
        %scan3A_144 = arith.constant 312 : i32
        %get3A_145 = arith.constant 4984 : index
        %get3A_146 = tpu.vector_load %arg15[%get3A_145] {strides = array<i32>} : memref<5000xi32, #tpu.memory_space<vmem>>, vector<16xi32>,
        %bitcast3A_147 = vector.bitcast %get3A_146 : vector<16xi32> to vector<32xbf16>
        %unpack3A_148 = tpu.unpack_subelements %bitcast3A_147, 0 {pack_format = #tpu.pack_format<interleaved>} : vector<32xbf16> -> vector<16xf32>
        %unpack3A_149 = tpu.unpack_subelements %bitcast3A_147, 1 {pack_format = #tpu.pack_format<interleaved>} : vector<32xbf16> -> vector<16xf32>
        %swap3A_150 = arith.constant 4984 : index
        %swap3A_151 = tpu.vector_load %arg22[%swap3A_150] {strides = array<i32>} : memref<5000xf32, #tpu.memory_space<vmem>>, vector<16xf32>,
        tpu.vector_store %arg22[%swap3A_150], %unpack3A_148 {strides = array<i32>} : memref<5000xf32, #tpu.memory_space<vmem>>, vector<16xf32>,
        %swap3A_152 = arith.constant 4984 : index
        %swap3A_153 = tpu.vector_load %arg23[%swap3A_152] {strides = array<i32>} : memref<5000xf32, #tpu.memory_space<vmem>>, vector<16xf32>,
        tpu.vector_store %arg23[%swap3A_152], %unpack3A_149 {strides = array<i32>} : memref<5000xf32, #tpu.memory_space<vmem>>, vector<16xf32>,
        %dma_start3A_154 = arith.constant 0 : i32
        %dma_start3A_155 = tpu.memref_slice %arg28[%dma_start3A_154] : memref<100352xf32, #tpu.memory_space<vmem_shared>> -> memref<100352xf32, #tpu.memory_space<vmem_shared>>
        tpu.enqueue_indirect_dma source(%arg20 : memref<5000xf32, #tpu.memory_space<vmem>>) target(%dma_start3A_155 : memref<100352xf32, #tpu.memory_space<vmem_shared>>) offsets(%arg13 : memref<5000xi32, #tpu.memory_space<vmem>>) semaphore(%arg42 : memref<!tpu.dma_semaphore, #tpu.memory_space<semaphore_mem>>) {add = true}
        %dma_start3A_156 = arith.constant 0 : i32
        %dma_start3A_157 = tpu.memref_slice %arg29[%dma_start3A_156] : memref<100352xf32, #tpu.memory_space<vmem_shared>> -> memref<100352xf32, #tpu.memory_space<vmem_shared>>
        tpu.enqueue_indirect_dma source(%arg21 : memref<5000xf32, #tpu.memory_space<vmem>>) target(%dma_start3A_157 : memref<100352xf32, #tpu.memory_space<vmem_shared>>) offsets(%arg13 : memref<5000xi32, #tpu.memory_space<vmem>>) semaphore(%arg43 : memref<!tpu.dma_semaphore, #tpu.memory_space<semaphore_mem>>) {add = true}
        %dma_start3A_158 = arith.constant 0 : i32
        %dma_start3A_159 = tpu.memref_slice %arg30[%dma_start3A_158] : memref<100352xf32, #tpu.memory_space<vmem_shared>> -> memref<100352xf32, #tpu.memory_space<vmem_shared>>
        tpu.enqueue_indirect_dma source(%arg22 : memref<5000xf32, #tpu.memory_space<vmem>>) target(%dma_start3A_159 : memref<100352xf32, #tpu.memory_space<vmem_shared>>) offsets(%arg13 : memref<5000xi32, #tpu.memory_space<vmem>>) semaphore(%arg44 : memref<!tpu.dma_semaphore, #tpu.memory_space<semaphore_mem>>) {add = true}
        %dma_start3A_160 = arith.constant 0 : i32
        %dma_start3A_161 = tpu.memref_slice %arg31[%dma_start3A_160] : memref<100352xf32, #tpu.memory_space<vmem_shared>> -> memref<100352xf32, #tpu.memory_space<vmem_shared>>
        tpu.enqueue_indirect_dma source(%arg23 : memref<5000xf32, #tpu.memory_space<vmem>>) target(%dma_start3A_161 : memref<100352xf32, #tpu.memory_space<vmem_shared>>) offsets(%arg13 : memref<5000xi32, #tpu.memory_space<vmem>>) semaphore(%arg45 : memref<!tpu.dma_semaphore, #tpu.memory_space<semaphore_mem>>) {add = true}
      } else {
      }
    }
    %scan3A_76 = arith.constant 39 : i32
    %dma_wait3A_77 = arith.constant 0 : i32
    %dma_wait3A_78 = tpu.memref_slice %arg28[%dma_wait3A_77] : memref<100352xf32, #tpu.memory_space<vmem_shared>> -> memref<100352xf32, #tpu.memory_space<vmem_shared>>
    tpu.wait_indirect_dma semaphore(%arg42 : memref<!tpu.dma_semaphore, #tpu.memory_space<semaphore_mem>>) src(%arg20 : memref<5000xf32, #tpu.memory_space<vmem>>) dst(%dma_wait3A_78 : memref<100352xf32, #tpu.memory_space<vmem_shared>>)
    %dma_wait3A_79 = arith.constant 0 : i32
    %dma_wait3A_80 = tpu.memref_slice %arg29[%dma_wait3A_79] : memref<100352xf32, #tpu.memory_space<vmem_shared>> -> memref<100352xf32, #tpu.memory_space<vmem_shared>>
    tpu.wait_indirect_dma semaphore(%arg43 : memref<!tpu.dma_semaphore, #tpu.memory_space<semaphore_mem>>) src(%arg21 : memref<5000xf32, #tpu.memory_space<vmem>>) dst(%dma_wait3A_80 : memref<100352xf32, #tpu.memory_space<vmem_shared>>)
    %dma_wait3A_81 = arith.constant 0 : i32
    %dma_wait3A_82 = tpu.memref_slice %arg30[%dma_wait3A_81] : memref<100352xf32, #tpu.memory_space<vmem_shared>> -> memref<100352xf32, #tpu.memory_space<vmem_shared>>
    tpu.wait_indirect_dma semaphore(%arg44 : memref<!tpu.dma_semaphore, #tpu.memory_space<semaphore_mem>>) src(%arg22 : memref<5000xf32, #tpu.memory_space<vmem>>) dst(%dma_wait3A_82 : memref<100352xf32, #tpu.memory_space<vmem_shared>>)
    %dma_wait3A_83 = arith.constant 0 : i32
    %dma_wait3A_84 = tpu.memref_slice %arg31[%dma_wait3A_83] : memref<100352xf32, #tpu.memory_space<vmem_shared>> -> memref<100352xf32, #tpu.memory_space<vmem_shared>>
    tpu.wait_indirect_dma semaphore(%arg45 : memref<!tpu.dma_semaphore, #tpu.memory_space<semaphore_mem>>) src(%arg23 : memref<5000xf32, #tpu.memory_space<vmem>>) dst(%dma_wait3A_84 : memref<100352xf32, #tpu.memory_space<vmem_shared>>)
    %barrier3A_85 = arith.constant 0 : index
    tpu.barrier barrier_id(%barrier3A_85)
    "tpu.region"() ({
      %run_scoped3A = tpu.sem_alloc : memref<!tpu.dma_semaphore, #tpu.memory_space<semaphore_mem>>
      %dma_start3A_86 = arith.constant 0 : i32
      %dma_start3A_87 = tpu.memref_slice %arg6[%arg0, %dma_start3A_86] : memref<2x100352xf32, #tpu.memory_space<hbm>> -> memref<1x100352xf32, #tpu.memory_space<hbm>>
      %dma_start3A_88 = tpu.memref_squeeze %dma_start3A_87 : memref<1x100352xf32, #tpu.memory_space<hbm>> -> memref<100352xf32, #tpu.memory_space<hbm>>
      %dma_start3A_89 = tpu.memref_slice %dma_start3A_88[%mul3A_2] : memref<100352xf32, #tpu.memory_space<hbm>> -> memref<6272xf32, #tpu.memory_space<hbm>>
      %dma_start3A_90 = tpu.memref_slice %arg28[%mul3A_2] : memref<100352xf32, #tpu.memory_space<vmem_shared>> -> memref<6272xf32, #tpu.memory_space<vmem_shared>>
      tpu.enqueue_dma source(%dma_start3A_90 : memref<6272xf32, #tpu.memory_space<vmem_shared>>) target(%dma_start3A_89 : memref<6272xf32, #tpu.memory_space<hbm>>) target_semaphore(%run_scoped3A : memref<!tpu.dma_semaphore, #tpu.memory_space<semaphore_mem>>)
      %dma_wait3A_91 = arith.constant 0 : i32
      %dma_wait3A_92 = tpu.memref_slice %arg6[%arg0, %dma_wait3A_91] : memref<2x100352xf32, #tpu.memory_space<hbm>> -> memref<1x100352xf32, #tpu.memory_space<hbm>>
      %dma_wait3A_93 = tpu.memref_squeeze %dma_wait3A_92 : memref<1x100352xf32, #tpu.memory_space<hbm>> -> memref<100352xf32, #tpu.memory_space<hbm>>
      %dma_wait3A_94 = tpu.memref_slice %dma_wait3A_93[%mul3A_2] : memref<100352xf32, #tpu.memory_space<hbm>> -> memref<6272xf32, #tpu.memory_space<hbm>>
      %dma_wait3A_95 = tpu.memref_slice %arg28[%mul3A_2] : memref<100352xf32, #tpu.memory_space<vmem_shared>> -> memref<6272xf32, #tpu.memory_space<vmem_shared>>
      tpu.wait_dma2 semaphore(%run_scoped3A : memref<!tpu.dma_semaphore, #tpu.memory_space<semaphore_mem>>) src(%dma_wait3A_95 : memref<6272xf32, #tpu.memory_space<vmem_shared>>) dst(%dma_wait3A_94 : memref<6272xf32, #tpu.memory_space<hbm>>)
      tpu.yield
    }) : () -> ()
    "tpu.region"() ({
      %run_scoped3A = tpu.sem_alloc : memref<!tpu.dma_semaphore, #tpu.memory_space<semaphore_mem>>
      %dma_start3A_86 = arith.constant 0 : i32
      %dma_start3A_87 = tpu.memref_slice %arg7[%arg0, %dma_start3A_86] : memref<2x100352xf32, #tpu.memory_space<hbm>> -> memref<1x100352xf32, #tpu.memory_space<hbm>>
      %dma_start3A_88 = tpu.memref_squeeze %dma_start3A_87 : memref<1x100352xf32, #tpu.memory_space<hbm>> -> memref<100352xf32, #tpu.memory_space<hbm>>
      %dma_start3A_89 = tpu.memref_slice %dma_start3A_88[%mul3A_2] : memref<100352xf32, #tpu.memory_space<hbm>> -> memref<6272xf32, #tpu.memory_space<hbm>>
      %dma_start3A_90 = tpu.memref_slice %arg29[%mul3A_2] : memref<100352xf32, #tpu.memory_space<vmem_shared>> -> memref<6272xf32, #tpu.memory_space<vmem_shared>>
      tpu.enqueue_dma source(%dma_start3A_90 : memref<6272xf32, #tpu.memory_space<vmem_shared>>) target(%dma_start3A_89 : memref<6272xf32, #tpu.memory_space<hbm>>) target_semaphore(%run_scoped3A : memref<!tpu.dma_semaphore, #tpu.memory_space<semaphore_mem>>)
      %dma_wait3A_91 = arith.constant 0 : i32
      %dma_wait3A_92 = tpu.memref_slice %arg7[%arg0, %dma_wait3A_91] : memref<2x100352xf32, #tpu.memory_space<hbm>> -> memref<1x100352xf32, #tpu.memory_space<hbm>>
      %dma_wait3A_93 = tpu.memref_squeeze %dma_wait3A_92 : memref<1x100352xf32, #tpu.memory_space<hbm>> -> memref<100352xf32, #tpu.memory_space<hbm>>
      %dma_wait3A_94 = tpu.memref_slice %dma_wait3A_93[%mul3A_2] : memref<100352xf32, #tpu.memory_space<hbm>> -> memref<6272xf32, #tpu.memory_space<hbm>>
      %dma_wait3A_95 = tpu.memref_slice %arg29[%mul3A_2] : memref<100352xf32, #tpu.memory_space<vmem_shared>> -> memref<6272xf32, #tpu.memory_space<vmem_shared>>
      tpu.wait_dma2 semaphore(%run_scoped3A : memref<!tpu.dma_semaphore, #tpu.memory_space<semaphore_mem>>) src(%dma_wait3A_95 : memref<6272xf32, #tpu.memory_space<vmem_shared>>) dst(%dma_wait3A_94 : memref<6272xf32, #tpu.memory_space<hbm>>)
      tpu.yield
    }) : () -> ()
    "tpu.region"() ({
      %run_scoped3A = tpu.sem_alloc : memref<!tpu.dma_semaphore, #tpu.memory_space<semaphore_mem>>
      %dma_start3A_86 = arith.constant 0 : i32
      %dma_start3A_87 = tpu.memref_slice %arg8[%arg0, %dma_start3A_86] : memref<2x100352xf32, #tpu.memory_space<hbm>> -> memref<1x100352xf32, #tpu.memory_space<hbm>>
      %dma_start3A_88 = tpu.memref_squeeze %dma_start3A_87 : memref<1x100352xf32, #tpu.memory_space<hbm>> -> memref<100352xf32, #tpu.memory_space<hbm>>
      %dma_start3A_89 = tpu.memref_slice %dma_start3A_88[%mul3A_2] : memref<100352xf32, #tpu.memory_space<hbm>> -> memref<6272xf32, #tpu.memory_space<hbm>>
      %dma_start3A_90 = tpu.memref_slice %arg30[%mul3A_2] : memref<100352xf32, #tpu.memory_space<vmem_shared>> -> memref<6272xf32, #tpu.memory_space<vmem_shared>>
      tpu.enqueue_dma source(%dma_start3A_90 : memref<6272xf32, #tpu.memory_space<vmem_shared>>) target(%dma_start3A_89 : memref<6272xf32, #tpu.memory_space<hbm>>) target_semaphore(%run_scoped3A : memref<!tpu.dma_semaphore, #tpu.memory_space<semaphore_mem>>)
      %dma_wait3A_91 = arith.constant 0 : i32
      %dma_wait3A_92 = tpu.memref_slice %arg8[%arg0, %dma_wait3A_91] : memref<2x100352xf32, #tpu.memory_space<hbm>> -> memref<1x100352xf32, #tpu.memory_space<hbm>>
      %dma_wait3A_93 = tpu.memref_squeeze %dma_wait3A_92 : memref<1x100352xf32, #tpu.memory_space<hbm>> -> memref<100352xf32, #tpu.memory_space<hbm>>
      %dma_wait3A_94 = tpu.memref_slice %dma_wait3A_93[%mul3A_2] : memref<100352xf32, #tpu.memory_space<hbm>> -> memref<6272xf32, #tpu.memory_space<hbm>>
      %dma_wait3A_95 = tpu.memref_slice %arg30[%mul3A_2] : memref<100352xf32, #tpu.memory_space<vmem_shared>> -> memref<6272xf32, #tpu.memory_space<vmem_shared>>
      tpu.wait_dma2 semaphore(%run_scoped3A : memref<!tpu.dma_semaphore, #tpu.memory_space<semaphore_mem>>) src(%dma_wait3A_95 : memref<6272xf32, #tpu.memory_space<vmem_shared>>) dst(%dma_wait3A_94 : memref<6272xf32, #tpu.memory_space<hbm>>)
      tpu.yield
    }) : () -> ()
    "tpu.region"() ({
      %run_scoped3A = tpu.sem_alloc : memref<!tpu.dma_semaphore, #tpu.memory_space<semaphore_mem>>
      %dma_start3A_86 = arith.constant 0 : i32
      %dma_start3A_87 = tpu.memref_slice %arg9[%arg0, %dma_start3A_86] : memref<2x100352xf32, #tpu.memory_space<hbm>> -> memref<1x100352xf32, #tpu.memory_space<hbm>>
      %dma_start3A_88 = tpu.memref_squeeze %dma_start3A_87 : memref<1x100352xf32, #tpu.memory_space<hbm>> -> memref<100352xf32, #tpu.memory_space<hbm>>
      %dma_start3A_89 = tpu.memref_slice %dma_start3A_88[%mul3A_2] : memref<100352xf32, #tpu.memory_space<hbm>> -> memref<6272xf32, #tpu.memory_space<hbm>>
      %dma_start3A_90 = tpu.memref_slice %arg31[%mul3A_2] : memref<100352xf32, #tpu.memory_space<vmem_shared>> -> memref<6272xf32, #tpu.memory_space<vmem_shared>>
      tpu.enqueue_dma source(%dma_start3A_90 : memref<6272xf32, #tpu.memory_space<vmem_shared>>) target(%dma_start3A_89 : memref<6272xf32, #tpu.memory_space<hbm>>) target_semaphore(%run_scoped3A : memref<!tpu.dma_semaphore, #tpu.memory_space<semaphore_mem>>)
      %dma_wait3A_91 = arith.constant 0 : i32
      %dma_wait3A_92 = tpu.memref_slice %arg9[%arg0, %dma_wait3A_91] : memref<2x100352xf32, #tpu.memory_space<hbm>> -> memref<1x100352xf32, #tpu.memory_space<hbm>>
      %dma_wait3A_93 = tpu.memref_squeeze %dma_wait3A_92 : memref<1x100352xf32, #tpu.memory_space<hbm>> -> memref<100352xf32, #tpu.memory_space<hbm>>
      %dma_wait3A_94 = tpu.memref_slice %dma_wait3A_93[%mul3A_2] : memref<100352xf32, #tpu.memory_space<hbm>> -> memref<6272xf32, #tpu.memory_space<hbm>>
      %dma_wait3A_95 = tpu.memref_slice %arg31[%mul3A_2] : memref<100352xf32, #tpu.memory_space<vmem_shared>> -> memref<6272xf32, #tpu.memory_space<vmem_shared>>
      tpu.wait_dma2 semaphore(%run_scoped3A : memref<!tpu.dma_semaphore, #tpu.memory_space<semaphore_mem>>) src(%dma_wait3A_95 : memref<6272xf32, #tpu.memory_space<vmem_shared>>) dst(%dma_wait3A_94 : memref<6272xf32, #tpu.memory_space<hbm>>)
      tpu.yield
    }) : () -> ()
    return
  }
}

module attributes {stable_mosaic.version = 14 : i64} {
  func.func @_prep1_body(%arg0: memref<1x1xf32, #tpu.memory_space<vmem>>, %arg1: memref<2x100352xf32, #tpu.memory_space<vmem>>, %arg2: memref<4x100352xf32, #tpu.memory_space<vmem>>, %arg3: memref<4x100352xf32, #tpu.memory_space<vmem>>, %arg4: memref<1x100352xf32, #tpu.memory_space<vmem>>, %arg5: memref<2x100352xi32, #tpu.memory_space<vmem>>) attributes {dimension_semantics = [], scalar_prefetch = 0 : i64, scratch_operands = 0 : i64, tpu.core_type = #tpu.core_type<tc>} {
    %get3A = arith.constant 0 : index
    %get3A_0 = arith.constant 0 : index
    %get3A_1 = vector.load %arg1[%get3A, %get3A_0] : memref<2x100352xf32, #tpu.memory_space<vmem>>, vector<1x100352xf32>
    %get3A_2 = arith.constant 1 : index
    %get3A_3 = arith.constant 0 : index
    %get3A_4 = vector.load %arg1[%get3A_2, %get3A_3] : memref<2x100352xf32, #tpu.memory_space<vmem>>, vector<1x100352xf32>
    %add3A = arith.addf %get3A_1, %get3A_4 : vector<1x100352xf32>
    %rsqrt3A = math.rsqrt %add3A : vector<1x100352xf32>
    %swap3A = arith.constant 0 : index
    %swap3A_5 = arith.constant 0 : index
    %swap3A_6 = vector.load %arg4[%swap3A, %swap3A_5] : memref<1x100352xf32, #tpu.memory_space<vmem>>, vector<1x100352xf32>
    tpu.vector_store %arg4[%swap3A, %swap3A_5], %rsqrt3A {strides = array<i32>} : memref<1x100352xf32, #tpu.memory_space<vmem>>, vector<1x100352xf32>,
    %get3A_7 = arith.constant 0 : index
    %get3A_8 = arith.constant 0 : index
    %get3A_9 = vector.load %arg2[%get3A_7, %get3A_8] : memref<4x100352xf32, #tpu.memory_space<vmem>>, vector<4x100352xf32>
    %get3A_10 = arith.constant 0 : index
    %get3A_11 = arith.constant 0 : index
    %get3A_12 = vector.load %arg0[%get3A_10, %get3A_11] : memref<1x1xf32, #tpu.memory_space<vmem>>, vector<1x1xf32>
    %mul3A = vector.broadcast %get3A_12 : vector<1x1xf32> to vector<1x100352xf32>
    %mul3A_13 = arith.mulf %rsqrt3A, %mul3A : vector<1x100352xf32>
    %mul3A_14 = vector.broadcast %mul3A_13 : vector<1x100352xf32> to vector<4x100352xf32>
    %mul3A_15 = arith.mulf %get3A_9, %mul3A_14 : vector<4x100352xf32>
    %swap3A_16 = arith.constant 0 : index
    %swap3A_17 = arith.constant 0 : index
    %swap3A_18 = vector.load %arg3[%swap3A_16, %swap3A_17] : memref<4x100352xf32, #tpu.memory_space<vmem>>, vector<4x100352xf32>
    tpu.vector_store %arg3[%swap3A_16, %swap3A_17], %mul3A_15 {strides = array<i32>} : memref<4x100352xf32, #tpu.memory_space<vmem>>, vector<4x100352xf32>,
    %slice3A = vector.extract_strided_slice %mul3A_15 {offsets = [0, 0], sizes = [1, 100352], strides = [1, 1]} : vector<4x100352xf32> to vector<1x100352xf32>
    %slice3A_19 = vector.extract_strided_slice %mul3A_15 {offsets = [2, 0], sizes = [1, 100352], strides = [1, 1]} : vector<4x100352xf32> to vector<1x100352xf32>
    %concatenate3A = tpu.concatenate %slice3A, %slice3A_19 in 0 : vector<1x100352xf32>, vector<1x100352xf32> -> vector<2x100352xf32>
    %slice3A_20 = vector.extract_strided_slice %mul3A_15 {offsets = [1, 0], sizes = [1, 100352], strides = [1, 1]} : vector<4x100352xf32> to vector<1x100352xf32>
    %slice3A_21 = vector.extract_strided_slice %mul3A_15 {offsets = [3, 0], sizes = [1, 100352], strides = [1, 1]} : vector<4x100352xf32> to vector<1x100352xf32>
    %concatenate3A_22 = tpu.concatenate %slice3A_20, %slice3A_21 in 0 : vector<1x100352xf32>, vector<1x100352xf32> -> vector<2x100352xf32>
    %convert_element_type3A = arith.truncf %concatenate3A : vector<2x100352xf32> to vector<2x100352xbf16>
    %bitcast_convert_type3A = tpu.bitcast %convert_element_type3A : vector<2x100352xbf16> -> vector<2x100352xi16>
    %convert_element_type3A_23 = arith.extui %bitcast_convert_type3A : vector<2x100352xi16> to vector<2x100352xi32>
    %convert_element_type3A_24 = arith.truncf %concatenate3A_22 : vector<2x100352xf32> to vector<2x100352xbf16>
    %bitcast_convert_type3A_25 = tpu.bitcast %convert_element_type3A_24 : vector<2x100352xbf16> -> vector<2x100352xi16>
    %convert_element_type3A_26 = arith.extui %bitcast_convert_type3A_25 : vector<2x100352xi16> to vector<2x100352xi32>
    %shift_left3A = arith.constant 16 : i32
    %shift_left3A_27 = vector.broadcast %shift_left3A : i32 to vector<2x100352xi32>
    %shift_left3A_28 = arith.shli %convert_element_type3A_26, %shift_left3A_27 : vector<2x100352xi32>
    %or3A = arith.ori %convert_element_type3A_23, %shift_left3A_28 : vector<2x100352xi32>
    %swap3A_29 = arith.constant 0 : index
    %swap3A_30 = arith.constant 0 : index
    %swap3A_31 = vector.load %arg5[%swap3A_29, %swap3A_30] : memref<2x100352xi32, #tpu.memory_space<vmem>>, vector<2x100352xi32>
    tpu.vector_store %arg5[%swap3A_29, %swap3A_30], %or3A {strides = array<i32>} : memref<2x100352xi32, #tpu.memory_space<vmem>>, vector<2x100352xi32>,
    return
  }
}

module attributes {stable_mosaic.version = 14 : i64} {
  func.func @_prep2_body(%arg0: memref<1x1xf32, #tpu.memory_space<vmem>>, %arg1: memref<1x1xf32, #tpu.memory_space<vmem>>, %arg2: memref<2x100352xf32, #tpu.memory_space<vmem>>, %arg3: memref<2x100352xf32, #tpu.memory_space<vmem>>, %arg4: memref<2x100352xf32, #tpu.memory_space<vmem>>, %arg5: memref<2x100352xf32, #tpu.memory_space<vmem>>, %arg6: memref<4x100352xf32, #tpu.memory_space<vmem>>, %arg7: memref<1x100352xf32, #tpu.memory_space<vmem>>, %arg8: memref<4x100352xf32, #tpu.memory_space<vmem>>, %arg9: memref<2x100352xi32, #tpu.memory_space<vmem>>) attributes {dimension_semantics = [], scalar_prefetch = 0 : i64, scratch_operands = 0 : i64, tpu.core_type = #tpu.core_type<tc>} {
    %get3A = arith.constant 0 : index
    %get3A_0 = arith.constant 0 : index
    %get3A_1 = vector.load %arg2[%get3A, %get3A_0] : memref<2x100352xf32, #tpu.memory_space<vmem>>, vector<1x100352xf32>
    %get3A_2 = arith.constant 1 : index
    %get3A_3 = arith.constant 0 : index
    %get3A_4 = vector.load %arg2[%get3A_2, %get3A_3] : memref<2x100352xf32, #tpu.memory_space<vmem>>, vector<1x100352xf32>
    %add3A = arith.addf %get3A_1, %get3A_4 : vector<1x100352xf32>
    %get3A_5 = arith.constant 0 : index
    %get3A_6 = arith.constant 0 : index
    %get3A_7 = vector.load %arg3[%get3A_5, %get3A_6] : memref<2x100352xf32, #tpu.memory_space<vmem>>, vector<1x100352xf32>
    %get3A_8 = arith.constant 1 : index
    %get3A_9 = arith.constant 0 : index
    %get3A_10 = vector.load %arg3[%get3A_8, %get3A_9] : memref<2x100352xf32, #tpu.memory_space<vmem>>, vector<1x100352xf32>
    %add3A_11 = arith.addf %get3A_7, %get3A_10 : vector<1x100352xf32>
    %get3A_12 = arith.constant 0 : index
    %get3A_13 = arith.constant 0 : index
    %get3A_14 = vector.load %arg4[%get3A_12, %get3A_13] : memref<2x100352xf32, #tpu.memory_space<vmem>>, vector<1x100352xf32>
    %get3A_15 = arith.constant 1 : index
    %get3A_16 = arith.constant 0 : index
    %get3A_17 = vector.load %arg4[%get3A_15, %get3A_16] : memref<2x100352xf32, #tpu.memory_space<vmem>>, vector<1x100352xf32>
    %add3A_18 = arith.addf %get3A_14, %get3A_17 : vector<1x100352xf32>
    %get3A_19 = arith.constant 0 : index
    %get3A_20 = arith.constant 0 : index
    %get3A_21 = vector.load %arg5[%get3A_19, %get3A_20] : memref<2x100352xf32, #tpu.memory_space<vmem>>, vector<1x100352xf32>
    %get3A_22 = arith.constant 1 : index
    %get3A_23 = arith.constant 0 : index
    %get3A_24 = vector.load %arg5[%get3A_22, %get3A_23] : memref<2x100352xf32, #tpu.memory_space<vmem>>, vector<1x100352xf32>
    %add3A_25 = arith.addf %get3A_21, %get3A_24 : vector<1x100352xf32>
    %concatenate3A = tpu.concatenate %add3A, %add3A_11, %add3A_18, %add3A_25 in 0 : vector<1x100352xf32>, vector<1x100352xf32>, vector<1x100352xf32>, vector<1x100352xf32> -> vector<4x100352xf32>
    %get3A_26 = arith.constant 0 : index
    %get3A_27 = arith.constant 0 : index
    %get3A_28 = vector.load %arg7[%get3A_26, %get3A_27] : memref<1x100352xf32, #tpu.memory_space<vmem>>, vector<1x100352xf32>
    %get3A_29 = arith.constant 0 : index
    %get3A_30 = arith.constant 0 : index
    %get3A_31 = vector.load %arg6[%get3A_29, %get3A_30] : memref<4x100352xf32, #tpu.memory_space<vmem>>, vector<4x100352xf32>
    %add3A_32 = arith.addf %concatenate3A, %get3A_31 : vector<4x100352xf32>
    %mul3A = vector.broadcast %get3A_28 : vector<1x100352xf32> to vector<4x100352xf32>
    %mul3A_33 = arith.mulf %mul3A, %add3A_32 : vector<4x100352xf32>
    %get3A_34 = arith.constant 0 : index
    %get3A_35 = arith.constant 0 : index
    %get3A_36 = vector.load %arg1[%get3A_34, %get3A_35] : memref<1x1xf32, #tpu.memory_space<vmem>>, vector<1x1xf32>
    %add3A_37 = vector.broadcast %get3A_36 : vector<1x1xf32> to vector<4x100352xf32>
    %add3A_38 = arith.addf %mul3A_33, %add3A_37 : vector<4x100352xf32>
    %max3A = arith.constant 0.000000e+00 : f32
    %max3A_39 = vector.broadcast %max3A : f32 to vector<4x100352xf32>
    %max3A_40 = arith.maximumf %add3A_38, %max3A_39 : vector<4x100352xf32>
    %get3A_41 = arith.constant 0 : index
    %get3A_42 = arith.constant 0 : index
    %get3A_43 = vector.load %arg7[%get3A_41, %get3A_42] : memref<1x100352xf32, #tpu.memory_space<vmem>>, vector<1x100352xf32>
    %get3A_44 = arith.constant 0 : index
    %get3A_45 = arith.constant 0 : index
    %get3A_46 = vector.load %arg0[%get3A_44, %get3A_45] : memref<1x1xf32, #tpu.memory_space<vmem>>, vector<1x1xf32>
    %mul3A_47 = vector.broadcast %get3A_46 : vector<1x1xf32> to vector<1x100352xf32>
    %mul3A_48 = arith.mulf %get3A_43, %mul3A_47 : vector<1x100352xf32>
    %mul3A_49 = vector.broadcast %mul3A_48 : vector<1x100352xf32> to vector<4x100352xf32>
    %mul3A_50 = arith.mulf %max3A_40, %mul3A_49 : vector<4x100352xf32>
    %swap3A = arith.constant 0 : index
    %swap3A_51 = arith.constant 0 : index
    %swap3A_52 = vector.load %arg8[%swap3A, %swap3A_51] : memref<4x100352xf32, #tpu.memory_space<vmem>>, vector<4x100352xf32>
    tpu.vector_store %arg8[%swap3A, %swap3A_51], %mul3A_50 {strides = array<i32>} : memref<4x100352xf32, #tpu.memory_space<vmem>>, vector<4x100352xf32>,
    %slice3A = vector.extract_strided_slice %mul3A_50 {offsets = [0, 0], sizes = [1, 100352], strides = [1, 1]} : vector<4x100352xf32> to vector<1x100352xf32>
    %slice3A_53 = vector.extract_strided_slice %mul3A_50 {offsets = [2, 0], sizes = [1, 100352], strides = [1, 1]} : vector<4x100352xf32> to vector<1x100352xf32>
    %concatenate3A_54 = tpu.concatenate %slice3A, %slice3A_53 in 0 : vector<1x100352xf32>, vector<1x100352xf32> -> vector<2x100352xf32>
    %slice3A_55 = vector.extract_strided_slice %mul3A_50 {offsets = [1, 0], sizes = [1, 100352], strides = [1, 1]} : vector<4x100352xf32> to vector<1x100352xf32>
    %slice3A_56 = vector.extract_strided_slice %mul3A_50 {offsets = [3, 0], sizes = [1, 100352], strides = [1, 1]} : vector<4x100352xf32> to vector<1x100352xf32>
    %concatenate3A_57 = tpu.concatenate %slice3A_55, %slice3A_56 in 0 : vector<1x100352xf32>, vector<1x100352xf32> -> vector<2x100352xf32>
    %convert_element_type3A = arith.truncf %concatenate3A_54 : vector<2x100352xf32> to vector<2x100352xbf16>
    %bitcast_convert_type3A = tpu.bitcast %convert_element_type3A : vector<2x100352xbf16> -> vector<2x100352xi16>
    %convert_element_type3A_58 = arith.extui %bitcast_convert_type3A : vector<2x100352xi16> to vector<2x100352xi32>
    %convert_element_type3A_59 = arith.truncf %concatenate3A_57 : vector<2x100352xf32> to vector<2x100352xbf16>
    %bitcast_convert_type3A_60 = tpu.bitcast %convert_element_type3A_59 : vector<2x100352xbf16> -> vector<2x100352xi16>
    %convert_element_type3A_61 = arith.extui %bitcast_convert_type3A_60 : vector<2x100352xi16> to vector<2x100352xi32>
    %shift_left3A = arith.constant 16 : i32
    %shift_left3A_62 = vector.broadcast %shift_left3A : i32 to vector<2x100352xi32>
    %shift_left3A_63 = arith.shli %convert_element_type3A_61, %shift_left3A_62 : vector<2x100352xi32>
    %or3A = arith.ori %convert_element_type3A_58, %shift_left3A_63 : vector<2x100352xi32>
    %swap3A_64 = arith.constant 0 : index
    %swap3A_65 = arith.constant 0 : index
    %swap3A_66 = vector.load %arg9[%swap3A_64, %swap3A_65] : memref<2x100352xi32, #tpu.memory_space<vmem>>, vector<2x100352xi32>
    tpu.vector_store %arg9[%swap3A_64, %swap3A_65], %or3A {strides = array<i32>} : memref<2x100352xi32, #tpu.memory_space<vmem>>, vector<2x100352xi32>,
    return
  }
}

module attributes {stable_mosaic.version = 14 : i64} {
  func.func @_out_body(%arg0: memref<1x1xf32, #tpu.memory_space<vmem>>, %arg1: memref<2x100352xf32, #tpu.memory_space<vmem>>, %arg2: memref<2x100352xf32, #tpu.memory_space<vmem>>, %arg3: memref<2x100352xf32, #tpu.memory_space<vmem>>, %arg4: memref<2x100352xf32, #tpu.memory_space<vmem>>, %arg5: memref<4x100352xf32, #tpu.memory_space<vmem>>, %arg6: memref<1x100352xf32, #tpu.memory_space<vmem>>, %arg7: memref<4x100352xf32, #tpu.memory_space<vmem>>) attributes {dimension_semantics = [], scalar_prefetch = 0 : i64, scratch_operands = 0 : i64, tpu.core_type = #tpu.core_type<tc>} {
    %get3A = arith.constant 0 : index
    %get3A_0 = arith.constant 0 : index
    %get3A_1 = vector.load %arg1[%get3A, %get3A_0] : memref<2x100352xf32, #tpu.memory_space<vmem>>, vector<1x100352xf32>
    %get3A_2 = arith.constant 1 : index
    %get3A_3 = arith.constant 0 : index
    %get3A_4 = vector.load %arg1[%get3A_2, %get3A_3] : memref<2x100352xf32, #tpu.memory_space<vmem>>, vector<1x100352xf32>
    %add3A = arith.addf %get3A_1, %get3A_4 : vector<1x100352xf32>
    %get3A_5 = arith.constant 0 : index
    %get3A_6 = arith.constant 0 : index
    %get3A_7 = vector.load %arg2[%get3A_5, %get3A_6] : memref<2x100352xf32, #tpu.memory_space<vmem>>, vector<1x100352xf32>
    %get3A_8 = arith.constant 1 : index
    %get3A_9 = arith.constant 0 : index
    %get3A_10 = vector.load %arg2[%get3A_8, %get3A_9] : memref<2x100352xf32, #tpu.memory_space<vmem>>, vector<1x100352xf32>
    %add3A_11 = arith.addf %get3A_7, %get3A_10 : vector<1x100352xf32>
    %get3A_12 = arith.constant 0 : index
    %get3A_13 = arith.constant 0 : index
    %get3A_14 = vector.load %arg3[%get3A_12, %get3A_13] : memref<2x100352xf32, #tpu.memory_space<vmem>>, vector<1x100352xf32>
    %get3A_15 = arith.constant 1 : index
    %get3A_16 = arith.constant 0 : index
    %get3A_17 = vector.load %arg3[%get3A_15, %get3A_16] : memref<2x100352xf32, #tpu.memory_space<vmem>>, vector<1x100352xf32>
    %add3A_18 = arith.addf %get3A_14, %get3A_17 : vector<1x100352xf32>
    %get3A_19 = arith.constant 0 : index
    %get3A_20 = arith.constant 0 : index
    %get3A_21 = vector.load %arg4[%get3A_19, %get3A_20] : memref<2x100352xf32, #tpu.memory_space<vmem>>, vector<1x100352xf32>
    %get3A_22 = arith.constant 1 : index
    %get3A_23 = arith.constant 0 : index
    %get3A_24 = vector.load %arg4[%get3A_22, %get3A_23] : memref<2x100352xf32, #tpu.memory_space<vmem>>, vector<1x100352xf32>
    %add3A_25 = arith.addf %get3A_21, %get3A_24 : vector<1x100352xf32>
    %concatenate3A = tpu.concatenate %add3A, %add3A_11, %add3A_18, %add3A_25 in 0 : vector<1x100352xf32>, vector<1x100352xf32>, vector<1x100352xf32>, vector<1x100352xf32> -> vector<4x100352xf32>
    %get3A_26 = arith.constant 0 : index
    %get3A_27 = arith.constant 0 : index
    %get3A_28 = vector.load %arg6[%get3A_26, %get3A_27] : memref<1x100352xf32, #tpu.memory_space<vmem>>, vector<1x100352xf32>
    %get3A_29 = arith.constant 0 : index
    %get3A_30 = arith.constant 0 : index
    %get3A_31 = vector.load %arg5[%get3A_29, %get3A_30] : memref<4x100352xf32, #tpu.memory_space<vmem>>, vector<4x100352xf32>
    %add3A_32 = arith.addf %concatenate3A, %get3A_31 : vector<4x100352xf32>
    %mul3A = vector.broadcast %get3A_28 : vector<1x100352xf32> to vector<4x100352xf32>
    %mul3A_33 = arith.mulf %mul3A, %add3A_32 : vector<4x100352xf32>
    %get3A_34 = arith.constant 0 : index
    %get3A_35 = arith.constant 0 : index
    %get3A_36 = vector.load %arg0[%get3A_34, %get3A_35] : memref<1x1xf32, #tpu.memory_space<vmem>>, vector<1x1xf32>
    %add3A_37 = vector.broadcast %get3A_36 : vector<1x1xf32> to vector<4x100352xf32>
    %add3A_38 = arith.addf %mul3A_33, %add3A_37 : vector<4x100352xf32>
    %swap3A = arith.constant 0 : index
    %swap3A_39 = arith.constant 0 : index
    %swap3A_40 = vector.load %arg7[%swap3A, %swap3A_39] : memref<4x100352xf32, #tpu.memory_space<vmem>>, vector<4x100352xf32>
    tpu.vector_store %arg7[%swap3A, %swap3A_39], %add3A_38 {strides = array<i32>} : memref<4x100352xf32, #tpu.memory_space<vmem>>, vector<4x100352xf32>,
    return
  }
}

</mosaic_0001>

<sc_bundles>
// kernel: kernel.11.cloned.1.call-start
scs
__scs_entry_jumppad:
0x0: {  	(pc) =	sbr.rel $0x88, $3  }
0x1: {  	(tag) =	ssettag $0x0;
	lr =	simm.s32 $0x1  }
0x2: {  	[smem:$0x3F9B] =	sst lr;
	_ =	strace $0xD0000000  }
0x3: {  	_ = 	snop  }
0x4: {  	_ = 	snop  }
0x5: {  	_ = 	snop  }
0x6: {  	_ = 	snop  }
0x7: {  	_ = 	snop  }
__scs_overlays_trampoline_lowered:
0x8: {  	[smem:$0x3FAA] =	sst s0  }
0x9: {  	[smem:$0x3FAB] =	sst s1  }
0xa: {  	[smem:$0x3FAC] =	sst s2  }
0xb: {  	[smem:$0x3FAD] =	sst s3  }
0xc: {  	[smem:$0x3FAE] =	sst s4  }
0xd: {  	[smem:$0x3FAF] =	sst s5  }
0xe: {  	[smem:$0x3FB0] =	sst s6  }
0xf: {  	[smem:$0x3FB1] =	sst s7  }
0x10: {  	[smem:$0x3FB2] =	sst s8  }
0x11: {  	[smem:$0x3FB3] =	sst s9;
	s0 =	simm.s32 @!p0 $0x0  }
0x12: {  	s1 =	sld [smem:$0x3F99];
	s0 =	simm.s32 @p0 $0x1  }
0x13: {  	[smem:$0x3FB4] =	sst s0;
	s0 =	simm.s32 @!p1 $0x0  }
0x14: {  	s2 =	sld [smem:$0x3F98];
	s0 =	simm.s32 @p1 $0x1  }
0x15: {  	[smem:$0x3FB5] =	sst s0;
	s0 =	simm.s32 @!p2 $0x0  }
0x16: {  	s3 =	sld [smem:$0x3FDB];
	s0 =	simm.s32 @p2 $0x1  }
0x17: {  	s4 =	simm.s32 $0x1BF5;
	[smem:$0x3FB7] =	sst s0  }
0x18: {  	s0 =	sld [smem:$0x3F9A];
	_ =	swait.ge [sflag:s4], $0x0  }
0x19: {  	s7 =	sld [smem:$0x3F9B]  }
0x1a: {  	s8 =	sadd.s32 $0xFFFFE003, lr  }
0x1b: {  	s9 =	sadd.s32 $0xFFFFFEF7, lr;
	s5 =	simm.s32 $0xFFFFFFFF;
	p2 =	slt.u32 s8, $0xFFFFF086  }
0x1c: {  	p1 =	slt.u32 s9, $0xF7A;
	s5 =	simm.s32 @!p2 $0x0  }
0x1d: {  	s5 =	simm.s32 @p1 $0x1;
	p0 =	seq.s32 s7, s2  }
0x1e: {  	s7 =	smul.u32 @!p0 $0xF7A, s2;
	p2 =	seq.s32 @!p0 s5, $0x0  }
0x1f: {  	s9 =	smul.u32 $0xF7A, s1;
	s8 =	simm.s32 @!p0 $0x1BF5;
	p2 =	por !p2, p0  }
0x20: {  	[sflag:s8] =	ssyncset.s32 @!p0 $0xFFFFF086;
	s6 =	sadd.s32 @!p0 s3, s7;
	s7 =	simm.s32 @!p0 $0x108  }
0x21: {  	s3 =	sadd.s32 s3, s9;
	s6 =	sadd.s32 @!p0 $0x88, s6;
	s7 =	simm.s32 @p2 $0x1082  }
0x22: {  	[simem:s7], [sflag:s8] =	dma.local @!p0 [hbm:s6], $0xF7A  }
0x23: {  	s9 =	sor.u32 $0xD0000000, s2;
	s6 =	simm.s32 $0x108;
	_ =	swait.ge @!p0 [sflag:s8], $0x0  }
0x24: {  	s3 =	sadd.s32 $0x88, s3;
	s6 =	simm.s32 @!p1 $0x1082;
	[sflag:s4] =	ssyncset.s32 $0xFFFFF086  }
0x25: {  	[simem:s6], [sflag:s4] =	dma.local [hbm:s3], $0xF7A  }
0x26: {  	[smem:$0x3F9B] =	sst s1;
	(tag) =	ssettag s2;
	_ =	strace s9  }
0x27: {  	s1 =	sld [smem:$0x3FAB]  }
0x28: {  	s2 =	sld [smem:$0x3FAC]  }
0x29: {  	s4 =	sld [smem:$0x3FAE]  }
0x2a: {  	p0 =	seq.s32 s5, $0x0;
	s5 =	sld [smem:$0x3FAF]  }
0x2b: {  	s6 =	sld [smem:$0x3FB0]  }
0x2c: {  	s7 =	sld [smem:$0x3FB1]  }
0x2d: {  	s3 =	simm.s32 $0x108;
	s8 =	sld [smem:$0x3FB2]  }
0x2e: {  	s3 =	simm.s32 @!p0 $0x1082;
	s9 =	sld [smem:$0x3FB3]  }
0x2f: {  	lr =	sadd.s32 s0, s3;
	s0 =	sld [smem:$0x3FAA]  }
0x30: {  	s3 =	sld [smem:$0x3FAD]  }
0x31: {  	[smem:$0x3FB6] =	sst s10  }
0x32: {  	s10 =	sld [smem:$0x3FB4];
	_ =	sdelay $0x3  }
0x33: {  	p0 =	seq.s32 s10, $0x1;
	s10 =	sld [smem:$0x3FB6];
	_ =	sdelay $0x3  }
0x34: {  	[smem:$0x3FB6] =	sst s10  }
0x35: {  	s10 =	sld [smem:$0x3FB5];
	_ =	sdelay $0x3  }
0x36: {  	p1 =	seq.s32 s10, $0x1;
	s10 =	sld [smem:$0x3FB6];
	_ =	sdelay $0x3  }
0x37: {  	[smem:$0x3FB6] =	sst s10  }
0x38: {  	s10 =	sld [smem:$0x3FB7]  }
0x39: {  	_ = 	snop;
	(pc) =	sbr.ind lr, $3  }
0x3a: {  	_ = 	snop  }
0x3b: {  	_ = 	snop  }
0x3c: {  	p2 =	seq.s32 s10, $0x1;
	s10 =	sld [smem:$0x3FB6]  }
0x3d: {  	_ =	shalt  }
0x3e: {  	_ =	shalt  }
0x3f: {  	_ =	shalt  }
0x40: {  	_ =	shalt  }
0x41: {  	_ =	shalt  }
0x42: {  	_ =	shalt  }
0x43: {  	_ =	shalt  }
0x44: {  	_ =	shalt  }
0x45: {  	_ =	shalt  }
0x46: {  	_ =	shalt  }
0x47: {  	_ =	shalt  }
0x48: {  	_ =	shalt  }
0x49: {  	_ =	shalt  }
0x4a: {  	_ =	shalt  }
0x4b: {  	_ =	shalt  }
0x4c: {  	_ =	shalt  }
0x4d: {  	_ =	shalt  }
0x4e: {  	_ =	shalt  }
0x4f: {  	_ =	shalt  }
0x50: {  	_ =	shalt  }
0x51: {  	_ =	shalt  }
0x52: {  	_ =	shalt  }
0x53: {  	_ =	shalt  }
0x54: {  	_ =	shalt  }
0x55: {  	_ =	shalt  }
0x56: {  	_ =	shalt  }
0x57: {  	_ =	shalt  }
0x58: {  	_ =	shalt  }
0x59: {  	_ =	shalt  }
0x5a: {  	_ =	shalt  }
0x5b: {  	_ =	shalt  }
0x5c: {  	_ =	shalt  }
0x5d: {  	_ =	shalt  }
0x5e: {  	_ =	shalt  }
0x5f: {  	_ =	shalt  }
0x60: {  	_ =	shalt  }
0x61: {  	_ =	shalt  }
0x62: {  	_ =	shalt  }
0x63: {  	_ =	shalt  }
0x64: {  	_ =	shalt  }
0x65: {  	_ =	shalt  }
0x66: {  	_ =	shalt  }
0x67: {  	_ =	shalt  }
0x68: {  	_ =	shalt  }
0x69: {  	_ =	shalt  }
0x6a: {  	_ =	shalt  }
0x6b: {  	_ =	shalt  }
0x6c: {  	_ =	shalt  }
0x6d: {  	_ =	shalt  }
0x6e: {  	_ =	shalt  }
0x6f: {  	_ =	shalt  }
0x70: {  	_ =	shalt  }
0x71: {  	_ =	shalt  }
0x72: {  	_ =	shalt  }
0x73: {  	_ =	shalt  }
0x74: {  	_ =	shalt  }
0x75: {  	_ =	shalt  }
0x76: {  	_ =	shalt  }
0x77: {  	_ =	shalt  }
0x78: {  	_ =	shalt  }
0x79: {  	_ =	shalt  }
0x7a: {  	_ =	shalt  }
0x7b: {  	_ =	shalt  }
0x7c: {  	_ =	shalt  }
0x7d: {  	_ =	shalt  }
0x7e: {  	_ =	shalt  }
0x7f: {  	_ =	shalt  }
0x80: {  	_ =	shalt  }
0x81: {  	_ =	shalt  }
0x82: {  	_ =	shalt  }
0x83: {  	_ =	shalt  }
0x84: {  	_ =	shalt  }
0x85: {  	_ =	shalt  }
0x86: {  	_ =	shalt  }
0x87: {  	_ =	shalt  }
.Lfunc_end0:
.L_simem_size_0:
called_computation.1_lowered:
.L_overlay_start_0:
0x88: {  	s2 =	sld [smem:$0x3FD9]  }
0x89: {  	s3 =	sld [smem:$0x3FFE];
	_ =	sdelay $0x1  }
0x8a: {  	s1 =	srdreg.scid  }
0x8b: {  	s0 =	sand.u32 $0x1, s1  }
0x8c: {  	s17 =	sshll.u32 s0, $0xA;
	s2 =	sadd.s32 s3, s2  }
0x8d: {  	s2 =	sadd.s32 s2, s17  }
0x8e: {  	[smem:$0x3FC2] =	sst s2  }
0x8f: {  	_ = 	snop  }
0x90: {  	s2 =	sld [smem:$0x3FD0];
	(tm) =	ssettm $0x1  }
0x91: {  	s18 =	sld [smem:$0x3FFB];
	_ =	sdelay $0x3  }
0x92: {  	_ =	strace s18  }
0x93: {  	s3 =	sld [smem:$0x3FFC];
	_ =	sdelay $0x3  }
0x94: {  	_ =	strace s3  }
0x95: {  	s3 =	sld [smem:$0x3FFD];
	_ =	sdelay $0x3  }
0x96: {  	_ =	strace s3  }
0x97: {  	_ =	strace $0x8FFFFFFF  }
0x98: {  	s19 =	sld [smem:$0x3FDB];
	_ =	sdelay $0x1  }
0x99: {  	s4 =	simm.s32 $_scs_section_size  }
0x9a: {  	s5 =	simm.s32 $_size__tile_overlayer_lowered;
	s6 =	simm.s32 $_tile_overlayer_lowered  }
0x9b: {  	s22 =	simm.s32 $0x1BFF;
	s21 =	sshll.u32 s6, $0x1;
	s3 =	sadd.s32 s4, s19  }
0x9c: {  	s7 =	simm.s32 $0x0;
	s20 =	sshll.u32 s5, $0x1;
	s5 =	sadd.s32 s21, s3  }
0x9d: {  	[timem:s7], [sflag:s22] =	dma.local [hbm:s5], s20  }
0x9e: {  	_ =	swait.ge [sflag:s22], s20  }
0x9f: {  	s4 =	ssub.s32 $0x0, s20;
	[sflag:s22] =	ssyncset.done $0x0  }
0xa0: {  	[sflag:s22] =	ssyncadd.s32 s4;
	_ =	sdelay $0x1  }
0xa1: {  	s23 =	simm.s32 $0x1B8B  }
0xa2: {  	_ =	swait.ge [sflag:s23], $0x1  }
0xa3: {  	[sflag:s23] =	ssyncset.done $0x0  }
0xa4: {  	s25 =	simm.s32 $0x1B8E;
	s24 =	sld [smem:$0x3FFE];
	[sflag:s23] =	ssyncadd.s32 $0xFFFFFFFF  }
0xa5: {  	s26 =	simm.s32 $execute0_lowered;
	[smem:$0x3FD2] =	sst s25  }
0xa6: {  	s5 =	sshll.u32 s26, $0x1;
	_ =	strace $0x80000049;
	[dreg:$0x1] =	wrdreg $0xFFFFFFFF  }
0xa7: {  	s28 =	simm.s32 $_size_execute0_lowered;
	s3 =	sadd.s32 s3, s5;
	[dreg:$0x0] =	wrdreg $0x0  }
0xa8: {  	s5 =	sshll.u32 s28, $0x1;
	[dreg:$0x2] =	wrdreg s3  }
0xa9: {  	[dreg:$0x3] =	wrdreg s5  }
0xaa: {  	[dreg:$0x4] =	wrdreg $0xC0  }
0xab: {  	_ =	task [dreg:s7], $0x5FFFF  }
0xac: {  	[dreg:$0x1] =	wrdreg $0xFFFFFFFF  }
0xad: {  	[dreg:$0x0] =	wrdreg $0x60  }
0xae: {  	[dreg:$0x2] =	wrdreg s24  }
0xaf: {  	[dreg:$0x3] =	wrdreg s2  }
0xb0: {  	[dreg:$0x4] =	wrdreg $0x142700  }
0xb1: {  	[dreg:$0x5] =	wrdreg $0x15AF00  }
0xb2: {  	[dreg:$0x6] =	wrdreg $0x173700  }
0xb3: {  	[dreg:$0x7] =	wrdreg $0x18BF00  }
0xb4: {  	[dreg:$0x8] =	wrdreg $0x1A4700  }
0xb5: {  	[dreg:$0x9] =	wrdreg $0x1BCF00  }
0xb6: {  	[dreg:$0xa] =	wrdreg $0x9  }
0xb7: {  	_ =	task.clear_ibuf [dreg:s7], $0xBFFFF;
	_ =	strace $0x90000049  }
0xb8: {  	s29 =	simm.s32 $0x9;
	_ =	strace $0x8000004B  }
0xb9: {  	_ =	swait.ge [sflag:s29], $0x1  }
0xba: {  	[sflag:s29] =	ssyncadd.s32 $0xFFFFFFFF  }
0xbb: {  	_ =	strace $0x9000004B  }
0xbc: {  	_ =	sfence  }
0xbd: {  	s30 =	sld [smem:$0x0];
	_ =	sdelay $0x2  }
0xbe: {  	s31 =	sshll.u32 s1, $0xD;
	s1 =	sshrl.u32 s1, $0x2  }
0xbf: {  	s3 =	sand.u32 $0x4000, s31;
	s1 =	sadd.s32 s1, s30  }
0xc0: {  	s0 =	sor.u32 s3, s0;
	s1 =	sshll.u32 s1, $0x11  }
0xc1: {  	s0 =	sor.u32 s1, s0  }
0xc2: {  	s0 =	sadd.s32 $0x8F2B, s0  }
0xc3: {  	[sflag:s0] =	ssyncadd.remote.s32 $0x1  }
0xc4: {  	_ =	sfence.sel $0xFFFF  }
0xc5: {  	[dreg:$0x0] =	wrdreg $0xFFFFFFFF;
	(pc) =	sbr.abs _section_cstart, $3  }
0xc6: {  	[dreg:$0x1] =	wrdreg $0xFFFFFFFF  }
0xc7: {  	_ =	task.clear_ibuf [dreg:s7], $0x2FFFF;
	_ =	strace $0x9FFFFFFF  }
0xc8: {  	(tm) =	ssettm $0x7FFFFFFF  }
0xc9: {  	_ =	shalt  }
tec
execute0_lowered:
.L_overlay_start_1:
0x0: {  	(tag) =	ssettag $0x1  }
0x1: {  	s0 =	rddreg [dreg:$0x0]  }
0x2: {  	s1 =	rddreg [dreg:$0x1]  }
0x3: {  	s2 =	rddreg [dreg:$0x2]  }
0x4: {  	s4 =	rddreg [dreg:$0x3]  }
0x5: {  	s17 =	rddreg [dreg:$0x4]  }
0x6: {  	s18 =	rddreg [dreg:$0x5]  }
0x7: {  	s19 =	rddreg [dreg:$0x6]  }
0x8: {  	s16 =	rddreg [dreg:$0x7];
	s3 =	simm.s32 $0x0;
	s20 =	stileid.u32  }
0x9: {  	s8 =	srdreg.scid;
	s31 =	simm.s32 $0xF;
	s28 =	simm.s32 $0xB  }
0xa: {  	s29 =	simm.s32 $0xC;
	s30 =	simm.s32 $0x7;
	[smem:$0x7FF] =	sst s3  }
0xb: {  	s6 =	smul.u32 $0x1880, s20;
	s9 =	sadd.s32 $0xC6200, s0;
	s8 =	sand.u32 $0x1, s8  }
0xc: {  	s10 =	sadd.s32 $0x2C00, s0;
	s5 =	smov.u32 s17;
	s7 =	smov.u32 s18  }
0xd: {  	s3 =	smov.u32 s19;
	_ =	strace $0x8000004A;
	s12 =	smul.u32 $0x3100, s8  }
0xe: {  	s14 =	ssub.s32 $0x2, s8;
	s8 =	sshll.u32 s8, $0x4;
	s11 =	sshrl.u32 s6, $0x3  }
0xf: {  	s15 =	sshrl.u32 s14, $0x1;
	s8 =	sor.u32 s20, s8;
	s2 =	sadd.s32 s6, s2  }
0x10: {  	s23 =	sadd.s32 s6, s4;
	s26 =	sadd.s32 s6, s17;
	s24 =	sadd.s32 s6, s18  }
0x11: {  	s25 =	sadd.s32 s6, s19;
	s18 =	sadd.s32 s6, s16;
	[dreg:$0xa] =	wrdreg s2  }
0x12: {  	s6 =	simm.s32 $0x1388;
	s13 =	sadd.s32 s11, s0;
	[dreg:$0xc] =	wrdreg s23  }
0x13: {  	s0 =	sadd.s32 s12, s0;
	s14 =	ssub.s32 s14, s15;
	[dreg:$0xe] =	wrdreg s24  }
0x14: {  	s8 =	smul.u32 $0x30D40, s8;
	[dreg:$0xf] =	wrdreg s25;
	s1 =	sadd.s32 s1, s12  }
0x15: {  	[dreg:$0x14] =	wrdreg s18;
	s12 =	simm.s32 $0x4E20;
	s21 =	sadd.s32 $0x18CA00, s13  }
0x16: {  	s18 =	simm.s32 $0x3A98;
	s22 =	sadd.s32 $0x189800, s13;
	s2 =	sadd.s32 $0x19C000, s0  }
0x17: {  	[dreg:$0xd] =	wrdreg s26;
	s4 =	sadd.s32 $0x195E00, s0;
	s0 =	sadd.s32 $0x18FC00, s0  }
0x18: {  	s1 =	sadd.s32 s11, s1;
	s25 =	smax.u32 s14, $0x1;
	[dreg:$0x9] =	wrdreg s21  }
0x19: {  	s13 =	simm.s32 $0x61A8;
	s14 =	simm.s32 $0x2710;
	[dreg:$0xb] =	wrdreg s22  }
0x1a: {  	[dreg:$0x10] =	wrdreg s1;
	s15 =	sadd.s32 s11, s2;
	s17 =	sadd.s32 s11, s4  }
0x1b: {  	s0 =	sadd.s32 s11, s0;
	s22 =	sadd.s32 $0x1388, s8;
	[dreg:$0x19] =	wrdreg s25  }
0x1c: {  	s4 =	smov.u32 s16;
	s19 =	sshrl.u32 s8, $0x3;
	[dreg:$0x11] =	wrdreg s15  }
0x1d: {  	s8 =	simm.s32 $0x1;
	s11 =	simm.s32 $0x2;
	[dreg:$0x12] =	wrdreg s17  }
0x1e: {  	s16 =	simm.s32 $0xE;
	s2 =	simm.s32 $0x0;
	[dreg:$0x13] =	wrdreg s0  }
0x1f: {  	s20 =	sshrl.u32 s22, $0x3;
	s21 =	sadd.s32 s9, s19;
	s0 =	sadd.s32 s10, s19  }
.Ltmp0:
0x20: {  	s19 =	simm.s32 $0x5;
	[dreg:$0x15] =	wrdreg s21;
	(pc) =	sbr.rel .LBB2_1-.Ltmp0, $4  }
0x21: {  	s15 =	simm.s32 $0xD;
	s17 =	simm.s32 $0x3;
	[dreg:$0x16] =	wrdreg s0  }
0x22: {  	s23 =	sadd.s32 s9, s20;
	s24 =	sadd.s32 s10, s20;
	s20 =	simm.s32 $0x6  }
0x23: {  	s0 =	simm.s32 $0x8;
	s21 =	simm.s32 $0x9;
	[dreg:$0x17] =	wrdreg s23  }
0x24: {  	v0 =	vimm.f32 $0.0e+00;
	[dreg:$0x18] =	wrdreg s24;
	s23 =	simm.s32 $0x4;
	s24 =	simm.s32 $0xA  }
.LBB2_20:
0x25: {  	_ =	swait.ge [sflag:s28], $0x1388  }
0x26: {  	[sflag:s28] =	ssyncset.done $0x0  }
0x27: {  	[sflag:s28] =	ssyncadd.s32 $0xFFFFEC78  }
0x28: {  	_ =	swait.ge [sflag:s29], $0x1388  }
0x29: {  	[sflag:s29] =	ssyncset.done $0x0  }
0x2a: {  	[sflag:s29] =	ssyncadd.s32 $0xFFFFEC78  }
0x2b: {  	_ =	swait.ge [sflag:s15], $0x1388  }
0x2c: {  	[sflag:s15] =	ssyncset.done $0x0  }
0x2d: {  	[sflag:s15] =	ssyncadd.s32 $0xFFFFEC78  }
0x2e: {  	_ =	swait.ge [sflag:s16], $0x1388  }
0x2f: {  	[sflag:s16] =	ssyncset.done $0x0  }
0x30: {  	[sflag:s16] =	ssyncadd.s32 $0xFFFFEC78  }
0x31: {  	s1 =	stileid.u32;
	[bflag:$0x0] =	sbarrier.arrive $0xFFFF  }
0x32: {  	s1 =	sshll.u32 s1, $0x6;
	s26 =	rddreg [dreg:$0xd]  }
0x33: {  	s1 =	sor.u32 $0x1C0F, s1;
	s25 =	rddreg [dreg:$0x10];
	s2 =	sshrl.u32 s26, $0x3  }
0x34: {  	[hbm:s25], [sflag:s1] =	dma.local [spmem:s2], $0x310  }
0x35: {  	_ =	swait.ge [sflag:s31], $0x310  }
0x36: {  	[sflag:s31] =	ssyncset.done $0x0;
	s25 =	rddreg [dreg:$0xe]  }
0x37: {  	[sflag:s31] =	ssyncadd.s32 $0xFFFFFCF0;
	s2 =	sshrl.u32 s25, $0x3;
	s25 =	rddreg [dreg:$0x11]  }
0x38: {  	[hbm:s25], [sflag:s1] =	dma.local [spmem:s2], $0x310  }
0x39: {  	_ =	swait.ge [sflag:s31], $0x310  }
0x3a: {  	[sflag:s31] =	ssyncset.done $0x0;
	s25 =	rddreg [dreg:$0xf]  }
0x3b: {  	[sflag:s31] =	ssyncadd.s32 $0xFFFFFCF0;
	s2 =	sshrl.u32 s25, $0x3;
	s25 =	rddreg [dreg:$0x12]  }
0x3c: {  	[hbm:s25], [sflag:s1] =	dma.local [spmem:s2], $0x310  }
0x3d: {  	_ =	swait.ge [sflag:s31], $0x310  }
0x3e: {  	[sflag:s31] =	ssyncset.done $0x0;
	s25 =	rddreg [dreg:$0x14]  }
0x3f: {  	[sflag:s31] =	ssyncadd.s32 $0xFFFFFCF0;
	s2 =	sshrl.u32 s25, $0x3;
	s25 =	rddreg [dreg:$0x13]  }
0x40: {  	[hbm:s25], [sflag:s1] =	dma.local [spmem:s2], $0x310  }
0x41: {  	_ =	swait.ge [sflag:s31], $0x310  }
0x42: {  	s1 =	rddreg [dreg:$0x1a]  }
0x43: {  	s25 =	rddreg [dreg:$0x19];
	s2 =	sadd.s32 $0x1, s1  }
0x44: {  	p0 =	sne.s32 s2, s25  }
.Ltmp1:
0x45: {  	_ = 	snop;
	(pc) =	sbr.rel @!p0 .LBB2_21-.Ltmp1, $3  }
0x46: {  	_ =	sdelay $0x1  }
0x47: {  	[sflag:s31] =	ssyncset.done $0x0  }
0x48: {  	[sflag:s31] =	ssyncadd.s32 $0xFFFFFCF0  }
.LBB2_1:
0x49: {  	[dreg:$0x1a] =	wrdreg s2  }
0x4a: {  	s1 =	simm.s32 $0x0;
	s2 =	rddreg [dreg:$0x9];
	s25 =	simm.s32 $0x129F0  }
0x4b: {  	[tilespmem:s25], [sflag:$0xF] =	stream.linear.gather [hbm4b:s2+s1], $0x1880, $0x38;
	[tilespmem:$0x1D570] =	vst v63  }
0x4c: {  	_ =	swait.ge [sflag:s31], $0x1880  }
0x4d: {  	[sflag:s31] =	ssyncset.done $0x0  }
0x4e: {  	s2 =	rddreg [dreg:$0xa];
	[sflag:s31] =	ssyncadd.s32 $0xFFFFE780  }
0x4f: {  	[spmem:s2] =	stream.linear.scatter [tilespmem:s25], [sflag:$0xF], $0x1880, $0x38;
	[tilespmem:$0x1D570] =	vst v63  }
0x50: {  	_ =	swait.ge [sflag:s31], $0x1880  }
0x51: {  	[sflag:s31] =	ssyncset.done $0x0  }
0x52: {  	s2 =	rddreg [dreg:$0xb];
	[sflag:s31] =	ssyncadd.s32 $0xFFFFE780  }
0x53: {  	[tilespmem:s25], [sflag:$0xF] =	stream.linear.gather [hbm4b:s2+s1], $0x1880, $0x38;
	[tilespmem:$0x1D570] =	vst v63  }
0x54: {  	_ =	swait.ge [sflag:s31], $0x1880  }
0x55: {  	[sflag:s31] =	ssyncset.done $0x0  }
0x56: {  	s2 =	rddreg [dreg:$0xc];
	[sflag:s31] =	ssyncadd.s32 $0xFFFFE780  }
0x57: {  	[spmem:s2] =	stream.linear.scatter [tilespmem:s25], [sflag:$0xF], $0x1880, $0x38;
	[tilespmem:$0x1D570] =	vst v63  }
0x58: {  	_ =	swait.ge [sflag:s31], $0x1880  }
0x59: {  	[sflag:s31] =	ssyncset.done $0x0  }
0x5a: {  	s1 =	simm.s32 $0x40;
	s25 =	simm.s32 $0x0;
	[sflag:s31] =	ssyncadd.s32 $0xFFFFE780  }
.LBB2_2:
0x5b: {  	p0 =	sne.s32 s1, $0x61C0;
	[tilespmem:s25+$0x11170] =	vst v0;
	s25 =	smov.u32 s1;
	s1 =	sadd.s32 $0x40, s1  }
.Ltmp2:
0x5c: {  	(pc) =	sbr.rel @p0 .LBB2_2-.Ltmp2, $2  }
0x5d: {  	_ =	sdelay $0x2  }
0x5e: {  	s25 =	sshra.s32 s25, $0x2  }
0x5f: {  	[tilespmem:s25+$0x11170] =	vst v0;
	s2 =	simm.s32 $0x11170  }
0x60: {  	[spmem:s26] =	stream.linear.scatter [tilespmem:s2], [sflag:$0xF], $0x1880, $0x38;
	[tilespmem:$0x1D570] =	vst v63  }
0x61: {  	_ =	swait.ge [sflag:s31], $0x1880  }
0x62: {  	[sflag:s31] =	ssyncset.done $0x0  }
0x63: {  	s1 =	rddreg [dreg:$0xe];
	[sflag:s31] =	ssyncadd.s32 $0xFFFFE780  }
0x64: {  	[spmem:s1] =	stream.linear.scatter [tilespmem:s2], [sflag:$0xF], $0x1880, $0x38;
	[tilespmem:$0x1D570] =	vst v63  }
0x65: {  	_ =	swait.ge [sflag:s31], $0x1880  }
0x66: {  	[sflag:s31] =	ssyncset.done $0x0  }
0x67: {  	s25 =	rddreg [dreg:$0xf];
	[sflag:s31] =	ssyncadd.s32 $0xFFFFE780  }
0x68: {  	[spmem:s25] =	stream.linear.scatter [tilespmem:s2], [sflag:$0xF], $0x1880, $0x38;
	[tilespmem:$0x1D570] =	vst v63  }
0x69: {  	_ =	swait.ge [sflag:s31], $0x1880  }
0x6a: {  	[sflag:s31] =	ssyncset.done $0x0  }
0x6b: {  	s26 =	rddreg [dreg:$0x14];
	[sflag:s31] =	ssyncadd.s32 $0xFFFFE780  }
0x6c: {  	[spmem:s26] =	stream.linear.scatter [tilespmem:s2], [sflag:$0xF], $0x1880, $0x38;
	[tilespmem:$0x1D570] =	vst v63  }
0x6d: {  	_ =	swait.ge [sflag:s31], $0x1880  }
0x6e: {  	[sflag:s31] =	ssyncset.done $0x0  }
0x6f: {  	[sflag:s31] =	ssyncadd.s32 $0xFFFFE780  }
0x70: {  	[bflag:$0x0] =	sbarrier.arrive $0xFFFF  }
0x71: {  	s1 =	simm.s32 $0x0;
	s25 =	rddreg [dreg:$0x15]  }
0x72: {  	[tilespmem:s1], [sflag:$0x1] =	stream.linear.gather [hbm4b:s25+s1], $0x1388, $0x38;
	[tilespmem:$0x1D570] =	vst v63  }
0x73: {  	s26 =	rddreg [dreg:$0x16]  }
0x74: {  	[tilespmem:s6], [sflag:$0x2] =	stream.linear.gather [hbm4b:s26+s1], $0x1388, $0x38;
	[tilespmem:$0x1D570] =	vst v63  }
0x75: {  	_ =	swait.ge [sflag:s8], $0x1388  }
0x76: {  	[sflag:s8] =	ssyncset.done $0x0  }
0x77: {  	[sflag:s8] =	ssyncadd.s32 $0xFFFFEC78  }
0x78: {  	_ =	swait.ge [sflag:s11], $0x1388  }
0x79: {  	[sflag:s11] =	ssyncset.done $0x0  }
0x7a: {  	[sflag:s11] =	ssyncadd.s32 $0xFFFFEC78  }
0x7b: {  	s25 =	rddreg [dreg:$0x2]  }
0x7c: {  	[tilespmem:s12], [sflag:$0x5] =	stream.indirect.gather [spmem:s25], $0x1, s1, s6, $0xb8;
	[tilespmem:$0x1D570] =	vst v63  }
0x7d: {  	s26 =	rddreg [dreg:$0x3]  }
0x7e: {  	[tilespmem:s13], [sflag:$0x6] =	stream.indirect.gather [spmem:s26], $0x1, s1, s6, $0xb8;
	[tilespmem:$0x1D570] =	vst v63  }
0x7f: {  	s25 =	rddreg [dreg:$0x17]  }
0x80: {  	[tilespmem:s14], [sflag:$0x3] =	stream.linear.gather [hbm4b:s25+s1], $0x1388, $0x38;
	[tilespmem:$0x1D570] =	vst v63  }
0x81: {  	s26 =	rddreg [dreg:$0x18]  }
0x82: {  	[tilespmem:s18], [sflag:$0x4] =	stream.linear.gather [hbm4b:s26+s1], $0x1388, $0x38;
	[tilespmem:$0x1D570] =	vst v63  }
0x83: {  	_ =	swait.ge [sflag:s19], $0x1388  }
0x84: {  	[sflag:s19] =	ssyncset.done $0x0  }
0x85: {  	[sflag:s19] =	ssyncadd.s32 $0xFFFFEC78  }
0x86: {  	_ =	swait.ge [sflag:s20], $0x1388  }
0x87: {  	[sflag:s20] =	ssyncset.done $0x0  }
0x88: {  	s25 =	simm.s32 $0x0;
	[sflag:s20] =	ssyncadd.s32 $0xFFFFEC78  }
0x89: {  	v1 =	vld [tilespmem:s25+$0x4E20]  }
0x8a: {  	s26 =	simm.s32 $0x40  }
.LBB2_4:
0x8b: {  	p0 =	sne.s32 s26, $0x4DC0  }
.Ltmp3:
0x8c: {  	_ = 	snop;
	(pc) =	sbr.rel @p0 .LBB2_4-.Ltmp3, $4  }
0x8d: {  	_ = 	snop  }
0x8e: {  	s1 =	sshra.s32 s26, $0x2;
	s26 =	sadd.s32 $0x40, s26;
	v2 =	vunpack.i.u.bf16.f32 v1;
	v3 =	vunpack.i.l.bf16.f32 v1  }
0x8f: {  	v1 =	vld [tilespmem:s1+$0x4E20];
	[tilespmem:s25+$0x88B8] =	vst v2  }
0x90: {  	[tilespmem:s25+$0x7530] =	vst v3;
	s25 =	smov.u32 s1  }
0x91: {  	_ =	sdelay $0x2  }
0x92: {  	v2 =	vunpack.i.u.bf16.f32 v1  }
0x93: {  	v1 =	vunpack.i.l.bf16.f32 v1;
	[tilespmem:s25+$0x88B8] =	vst v2  }
0x94: {  	[tilespmem:s25+$0x7530] =	vst v1  }
0x95: {  	v1 =	vld [tilespmem:$0x6198];
	_ =	sdelay $0x4  }
0x96: {  	v2 =	vunpack.i.l.bf16.f32 v1  }
0x97: {  	v1 =	vunpack.i.u.bf16.f32 v1;
	[tilespmem:$0x88A8] =	vst v2  }
0x98: {  	s25 =	simm.s32 $0x0;
	[tilespmem:$0x9C30] =	vst v1  }
0x99: {  	v1 =	vld [tilespmem:s25+$0x61A8]  }
0x9a: {  	s26 =	simm.s32 $0x40  }
.LBB2_6:
0x9b: {  	p0 =	sne.s32 s26, $0x4DC0  }
.Ltmp4:
0x9c: {  	_ = 	snop;
	(pc) =	sbr.rel @p0 .LBB2_6-.Ltmp4, $4  }
0x9d: {  	_ = 	snop  }
0x9e: {  	s1 =	sshra.s32 s26, $0x2;
	s26 =	sadd.s32 $0x40, s26;
	v2 =	vunpack.i.u.bf16.f32 v1;
	v3 =	vunpack.i.l.bf16.f32 v1  }
0x9f: {  	v1 =	vld [tilespmem:s1+$0x61A8];
	[tilespmem:s25+$0xAFC8] =	vst v2  }
0xa0: {  	[tilespmem:s25+$0x9C40] =	vst v3;
	s25 =	smov.u32 s1  }
0xa1: {  	_ =	sdelay $0x2  }
0xa2: {  	v2 =	vunpack.i.u.bf16.f32 v1  }
0xa3: {  	v1 =	vunpack.i.l.bf16.f32 v1;
	[tilespmem:s25+$0xAFC8] =	vst v2  }
0xa4: {  	[tilespmem:s25+$0x9C40] =	vst v1  }
0xa5: {  	v1 =	vld [tilespmem:$0x7520];
	_ =	sdelay $0x4  }
0xa6: {  	v2 =	vunpack.i.l.bf16.f32 v1  }
0xa7: {  	v1 =	vunpack.i.u.bf16.f32 v1;
	[tilespmem:$0xAFB8] =	vst v2  }
0xa8: {  	s1 =	simm.s32 $0x7530;
	[tilespmem:$0xC340] =	vst v1  }
0xa9: {  	[spmem:s5] =	stream.indirect.scatter.add.f32 [tilespmem:s1], [sflag:$0x7], $0x1, s6, s6, $0xb8;
	[tilespmem:$0x1D570] =	vst v63  }
0xaa: {  	s2 =	simm.s32 $0x88B8  }
0xab: {  	[spmem:s7] =	stream.indirect.scatter.add.f32 [tilespmem:s2], [sflag:$0x8], $0x1, s6, s6, $0xb8;
	[tilespmem:$0x1D570] =	vst v63  }
.Ltmp5:
0xac: {  	_ = 	snop;
	(pc) =	sbr.rel .LBB2_8-.Ltmp5, $4  }
0xad: {  	s25 =	simm.s32 $0x9C40  }
0xae: {  	[spmem:s3] =	stream.indirect.scatter.add.f32 [tilespmem:s25], [sflag:$0x9], $0x1, s6, s6, $0xb8;
	[tilespmem:$0x1D570] =	vst v63  }
0xaf: {  	s26 =	simm.s32 $0xAFC8;
	s25 =	simm.s32 $0x1  }
0xb0: {  	[spmem:s4] =	stream.indirect.scatter.add.f32 [tilespmem:s26], [sflag:$0xA], $0x1, s6, s6, $0xb8;
	[tilespmem:$0x1D570] =	vst v63  }
.LBB2_18:
0xb1: {  	v2 =	vunpack.i.u.bf16.f32 v1  }
0xb2: {  	v1 =	vunpack.i.l.bf16.f32 v1;
	[tilespmem:s26+$0xFDE8] =	vst v2  }
0xb3: {  	[tilespmem:s26+$0xEA60] =	vst v1  }
0xb4: {  	v1 =	vld [tilespmem:$0x7520];
	_ =	sdelay $0x4  }
0xb5: {  	v2 =	vunpack.i.l.bf16.f32 v1  }
0xb6: {  	v1 =	vunpack.i.u.bf16.f32 v1;
	[tilespmem:$0xFDD8] =	vst v2  }
0xb7: {  	s1 =	simm.s32 $0xC350;
	[tilespmem:$0x11160] =	vst v1  }
0xb8: {  	[spmem:s5] =	stream.indirect.scatter.add.f32 [tilespmem:s1], [sflag:$0xB], $0x1, s18, s6, $0xb8;
	[tilespmem:$0x1D570] =	vst v63  }
0xb9: {  	s26 =	simm.s32 $0xD6D8  }
0xba: {  	[spmem:s7] =	stream.indirect.scatter.add.f32 [tilespmem:s26], [sflag:$0xC], $0x1, s18, s6, $0xb8;
	[tilespmem:$0x1D570] =	vst v63  }
0xbb: {  	s2 =	simm.s32 $0xEA60  }
0xbc: {  	[spmem:s3] =	stream.indirect.scatter.add.f32 [tilespmem:s2], [sflag:$0xD], $0x1, s18, s6, $0xb8;
	[tilespmem:$0x1D570] =	vst v63  }
0xbd: {  	s26 =	simm.s32 $0xFDE8  }
0xbe: {  	[spmem:s4] =	stream.indirect.scatter.add.f32 [tilespmem:s26], [sflag:$0xE], $0x1, s18, s6, $0xb8;
	[tilespmem:$0x1D570] =	vst v63  }
.LBB2_19:
0xbf: {  	s25 =	sadd.s32 $0x1, s25  }
0xc0: {  	p0 =	sne.s32 s25, $0x28  }
.Ltmp6:
0xc1: {  	_ = 	snop;
	(pc) =	sbr.rel @!p0 .LBB2_20-.Ltmp6, $1  }
0xc2: {  	_ =	sdelay $0x3  }
.LBB2_8:
0xc3: {  	s1 =	sand.u32 $0x1, s25  }
0xc4: {  	p0 =	seq.s32 s1, $0x1  }
.Ltmp7:
0xc5: {  	_ = 	snop;
	(pc) =	sbr.rel @p0 .LBB2_14-.Ltmp7, $1  }
0xc6: {  	_ =	sdelay $0x3  }
0xc7: {  	_ =	swait.ge [sflag:s8], $0x1388  }
0xc8: {  	[sflag:s8] =	ssyncset.done $0x0  }
0xc9: {  	[sflag:s8] =	ssyncadd.s32 $0xFFFFEC78  }
0xca: {  	_ =	swait.ge [sflag:s11], $0x1388  }
0xcb: {  	[sflag:s11] =	ssyncset.done $0x0  }
0xcc: {  	[sflag:s11] =	ssyncadd.s32 $0xFFFFEC78  }
0xcd: {  	s1 =	simm.s32 $0x0;
	s2 =	rddreg [dreg:$0x2]  }
0xce: {  	[tilespmem:s12], [sflag:$0x5] =	stream.indirect.gather [spmem:s2], $0x1, s1, s6, $0xb8;
	[tilespmem:$0x1D570] =	vst v63  }
0xcf: {  	s26 =	rddreg [dreg:$0x3]  }
0xd0: {  	[tilespmem:s13], [sflag:$0x6] =	stream.indirect.gather [spmem:s26], $0x1, s1, s6, $0xb8;
	[tilespmem:$0x1D570] =	vst v63  }
0xd1: {  	_ =	swait.ge [sflag:s28], $0x1388  }
0xd2: {  	[sflag:s28] =	ssyncset.done $0x0  }
0xd3: {  	[sflag:s28] =	ssyncadd.s32 $0xFFFFEC78  }
0xd4: {  	_ =	swait.ge [sflag:s29], $0x1388  }
0xd5: {  	[sflag:s29] =	ssyncset.done $0x0  }
0xd6: {  	[sflag:s29] =	ssyncadd.s32 $0xFFFFEC78  }
0xd7: {  	_ =	swait.ge [sflag:s15], $0x1388  }
0xd8: {  	s26 =	smul.u32 $0x1388, s25;
	[sflag:s15] =	ssyncset.done $0x0  }
0xd9: {  	[sflag:s15] =	ssyncadd.s32 $0xFFFFEC78  }
0xda: {  	s26 =	sadd.s32 s26, s22;
	_ =	swait.ge [sflag:s16], $0x1388  }
0xdb: {  	s26 =	sshrl.u32 s26, $0x3;
	[sflag:s16] =	ssyncset.done $0x0  }
0xdc: {  	s2 =	sadd.s32 s9, s26;
	[sflag:s16] =	ssyncadd.s32 $0xFFFFEC78  }
0xdd: {  	[tilespmem:s14], [sflag:$0x3] =	stream.linear.gather [hbm4b:s2+s1], $0x1388, $0x38;
	[tilespmem:$0x1D570] =	vst v63  }
0xde: {  	s26 =	sadd.s32 s10, s26  }
0xdf: {  	[tilespmem:s18], [sflag:$0x4] =	stream.linear.gather [hbm4b:s26+s1], $0x1388, $0x38;
	[tilespmem:$0x1D570] =	vst v63  }
0xe0: {  	_ =	swait.ge [sflag:s19], $0x1388  }
0xe1: {  	[sflag:s19] =	ssyncset.done $0x0  }
0xe2: {  	[sflag:s19] =	ssyncadd.s32 $0xFFFFEC78  }
0xe3: {  	_ =	swait.ge [sflag:s20], $0x1388  }
0xe4: {  	[sflag:s20] =	ssyncset.done $0x0  }
0xe5: {  	s26 =	simm.s32 $0x0;
	[sflag:s20] =	ssyncadd.s32 $0xFFFFEC78  }
0xe6: {  	v1 =	vld [tilespmem:s26+$0x4E20]  }
0xe7: {  	s1 =	simm.s32 $0x40  }
.LBB2_10:
0xe8: {  	p0 =	sne.s32 s1, $0x4DC0  }
.Ltmp8:
0xe9: {  	_ = 	snop;
	(pc) =	sbr.rel @p0 .LBB2_10-.Ltmp8, $4  }
0xea: {  	_ = 	snop  }
0xeb: {  	s2 =	sshra.s32 s1, $0x2;
	s1 =	sadd.s32 $0x40, s1;
	v2 =	vunpack.i.u.bf16.f32 v1;
	v3 =	vunpack.i.l.bf16.f32 v1  }
0xec: {  	v1 =	vld [tilespmem:s2+$0x4E20];
	[tilespmem:s26+$0x88B8] =	vst v2  }
0xed: {  	[tilespmem:s26+$0x7530] =	vst v3;
	s26 =	smov.u32 s2  }
0xee: {  	_ =	sdelay $0x2  }
0xef: {  	v2 =	vunpack.i.u.bf16.f32 v1  }
0xf0: {  	v1 =	vunpack.i.l.bf16.f32 v1;
	[tilespmem:s26+$0x88B8] =	vst v2  }
0xf1: {  	[tilespmem:s26+$0x7530] =	vst v1  }
0xf2: {  	v1 =	vld [tilespmem:$0x6198];
	_ =	sdelay $0x4  }
0xf3: {  	v2 =	vunpack.i.l.bf16.f32 v1  }
0xf4: {  	v1 =	vunpack.i.u.bf16.f32 v1;
	[tilespmem:$0x88A8] =	vst v2  }
0xf5: {  	s26 =	simm.s32 $0x0;
	[tilespmem:$0x9C30] =	vst v1  }
0xf6: {  	v1 =	vld [tilespmem:s26+$0x61A8]  }
0xf7: {  	s1 =	simm.s32 $0x40  }
.LBB2_12:
0xf8: {  	p0 =	sne.s32 s1, $0x4DC0  }
.Ltmp9:
0xf9: {  	_ = 	snop;
	(pc) =	sbr.rel @p0 .LBB2_12-.Ltmp9, $4  }
0xfa: {  	_ = 	snop  }
0xfb: {  	s2 =	sshra.s32 s1, $0x2;
	s1 =	sadd.s32 $0x40, s1;
	v2 =	vunpack.i.u.bf16.f32 v1;
	v3 =	vunpack.i.l.bf16.f32 v1  }
0xfc: {  	v1 =	vld [tilespmem:s2+$0x61A8];
	[tilespmem:s26+$0xAFC8] =	vst v2  }
0xfd: {  	[tilespmem:s26+$0x9C40] =	vst v3;
	s26 =	smov.u32 s2  }
0xfe: {  	_ =	sdelay $0x2  }
0xff: {  	v2 =	vunpack.i.u.bf16.f32 v1  }
0x100: {  	v1 =	vunpack.i.l.bf16.f32 v1;
	[tilespmem:s26+$0xAFC8] =	vst v2  }
0x101: {  	[tilespmem:s26+$0x9C40] =	vst v1  }
0x102: {  	v1 =	vld [tilespmem:$0x7520];
	_ =	sdelay $0x4  }
0x103: {  	v2 =	vunpack.i.l.bf16.f32 v1  }
0x104: {  	v1 =	vunpack.i.u.bf16.f32 v1;
	[tilespmem:$0xAFB8] =	vst v2  }
0x105: {  	s1 =	simm.s32 $0x7530;
	[tilespmem:$0xC340] =	vst v1  }
0x106: {  	[spmem:s5] =	stream.indirect.scatter.add.f32 [tilespmem:s1], [sflag:$0x7], $0x1, s6, s6, $0xb8;
	[tilespmem:$0x1D570] =	vst v63  }
0x107: {  	s26 =	simm.s32 $0x88B8  }
0x108: {  	[spmem:s7] =	stream.indirect.scatter.add.f32 [tilespmem:s26], [sflag:$0x8], $0x1, s6, s6, $0xb8;
	[tilespmem:$0x1D570] =	vst v63  }
.Ltmp10:
0x109: {  	_ = 	snop;
	(pc) =	sbr.rel .LBB2_19-.Ltmp10, $4  }
0x10a: {  	s2 =	simm.s32 $0x9C40  }
0x10b: {  	[spmem:s3] =	stream.indirect.scatter.add.f32 [tilespmem:s2], [sflag:$0x9], $0x1, s6, s6, $0xb8;
	[tilespmem:$0x1D570] =	vst v63  }
0x10c: {  	s26 =	simm.s32 $0xAFC8  }
0x10d: {  	[spmem:s4] =	stream.indirect.scatter.add.f32 [tilespmem:s26], [sflag:$0xA], $0x1, s6, s6, $0xb8;
	[tilespmem:$0x1D570] =	vst v63  }
.LBB2_14:
0x10e: {  	_ =	swait.ge [sflag:s17], $0x1388  }
0x10f: {  	[sflag:s17] =	ssyncset.done $0x0  }
0x110: {  	[sflag:s17] =	ssyncadd.s32 $0xFFFFEC78  }
0x111: {  	_ =	swait.ge [sflag:s23], $0x1388  }
0x112: {  	[sflag:s23] =	ssyncset.done $0x0  }
0x113: {  	[sflag:s23] =	ssyncadd.s32 $0xFFFFEC78  }
0x114: {  	s1 =	rddreg [dreg:$0x2]  }
0x115: {  	[tilespmem:s12], [sflag:$0x5] =	stream.indirect.gather [spmem:s1], $0x1, s14, s6, $0xb8;
	[tilespmem:$0x1D570] =	vst v63  }
0x116: {  	s26 =	rddreg [dreg:$0x3]  }
0x117: {  	[tilespmem:s13], [sflag:$0x6] =	stream.indirect.gather [spmem:s26], $0x1, s14, s6, $0xb8;
	[tilespmem:$0x1D570] =	vst v63  }
0x118: {  	_ =	swait.ge [sflag:s30], $0x1388  }
0x119: {  	[sflag:s30] =	ssyncset.done $0x0  }
0x11a: {  	[sflag:s30] =	ssyncadd.s32 $0xFFFFEC78  }
0x11b: {  	_ =	swait.ge [sflag:s0], $0x1388  }
0x11c: {  	[sflag:s0] =	ssyncset.done $0x0  }
0x11d: {  	[sflag:s0] =	ssyncadd.s32 $0xFFFFEC78  }
0x11e: {  	p0 =	seq.s32 s25, $0x27;
	_ =	swait.ge [sflag:s21], $0x1388  }
0x11f: {  	s1 =	smul.u32 @!p0 $0x1388, s25;
	[sflag:s21] =	ssyncset.done $0x0  }
0x120: {  	[sflag:s21] =	ssyncadd.s32 $0xFFFFEC78  }
0x121: {  	s1 =	sadd.s32 @!p0 s1, s22;
	_ =	swait.ge [sflag:s24], $0x1388  }
0x122: {  	s1 =	sshrl.u32 @!p0 s1, $0x3;
	[sflag:s24] =	ssyncset.done $0x0  }
0x123: {  	s26 =	simm.s32 @!p0 $0x0;
	s2 =	sadd.s32 @!p0 s9, s1;
	[sflag:s24] =	ssyncadd.s32 $0xFFFFEC78  }
0x124: {  	[tilespmem:s26], [sflag:$0x1] =	stream.linear.gather @!p0 [hbm4b:s2+s26], $0x1388, $0x38;
	[tilespmem:$0x1D570] =	vst v63  }
0x125: {  	s1 =	sadd.s32 @!p0 s10, s1;
	s2 =	simm.s32 @!p0 $0x1388  }
0x126: {  	[tilespmem:s2], [sflag:$0x2] =	stream.linear.gather @!p0 [hbm4b:s1+s26], $0x1388, $0x38;
	[tilespmem:$0x1D570] =	vst v63  }
0x127: {  	_ =	swait.ge [sflag:s19], $0x1388  }
0x128: {  	[sflag:s19] =	ssyncset.done $0x0  }
0x129: {  	[sflag:s19] =	ssyncadd.s32 $0xFFFFEC78  }
0x12a: {  	_ =	swait.ge [sflag:s20], $0x1388  }
0x12b: {  	[sflag:s20] =	ssyncset.done $0x0  }
0x12c: {  	s26 =	simm.s32 $0x0;
	[sflag:s20] =	ssyncadd.s32 $0xFFFFEC78  }
0x12d: {  	v1 =	vld [tilespmem:s26+$0x4E20]  }
0x12e: {  	s1 =	simm.s32 $0x40  }
.LBB2_15:
0x12f: {  	p0 =	sne.s32 s1, $0x4DC0  }
.Ltmp11:
0x130: {  	_ = 	snop;
	(pc) =	sbr.rel @p0 .LBB2_15-.Ltmp11, $4  }
0x131: {  	_ = 	snop  }
0x132: {  	s2 =	sshra.s32 s1, $0x2;
	s1 =	sadd.s32 $0x40, s1;
	v2 =	vunpack.i.u.bf16.f32 v1;
	v3 =	vunpack.i.l.bf16.f32 v1  }
0x133: {  	v1 =	vld [tilespmem:s2+$0x4E20];
	[tilespmem:s26+$0xD6D8] =	vst v2  }
0x134: {  	[tilespmem:s26+$0xC350] =	vst v3;
	s26 =	smov.u32 s2  }
0x135: {  	_ =	sdelay $0x2  }
0x136: {  	v2 =	vunpack.i.u.bf16.f32 v1  }
0x137: {  	v1 =	vunpack.i.l.bf16.f32 v1;
	[tilespmem:s26+$0xD6D8] =	vst v2  }
0x138: {  	[tilespmem:s26+$0xC350] =	vst v1  }
0x139: {  	v1 =	vld [tilespmem:$0x6198];
	_ =	sdelay $0x4  }
0x13a: {  	v2 =	vunpack.i.l.bf16.f32 v1  }
0x13b: {  	v1 =	vunpack.i.u.bf16.f32 v1;
	[tilespmem:$0xD6C8] =	vst v2  }
0x13c: {  	s26 =	simm.s32 $0x0;
	[tilespmem:$0xEA50] =	vst v1  }
0x13d: {  	v1 =	vld [tilespmem:s26+$0x61A8]  }
0x13e: {  	s1 =	simm.s32 $0x40  }
.LBB2_17:
0x13f: {  	p0 =	sne.s32 s1, $0x4DC0  }
.Ltmp12:
0x140: {  	_ = 	snop;
	(pc) =	sbr.rel @p0 .LBB2_17-.Ltmp12, $4  }
0x141: {  	_ = 	snop  }
0x142: {  	s2 =	sshra.s32 s1, $0x2;
	s1 =	sadd.s32 $0x40, s1;
	v2 =	vunpack.i.u.bf16.f32 v1;
	v3 =	vunpack.i.l.bf16.f32 v1  }
0x143: {  	v1 =	vld [tilespmem:s2+$0x61A8];
	[tilespmem:s26+$0xFDE8] =	vst v2  }
0x144: {  	[tilespmem:s26+$0xEA60] =	vst v3;
	s26 =	smov.u32 s2  }
.Ltmp13:
0x145: {  	_ = 	snop;
	(pc) =	sbr.rel .LBB2_18-.Ltmp13, $1  }
0x146: {  	_ =	sdelay $0x3  }
.LBB2_21:
0x147: {  	_ =	sfence.sel $0x180000  }
0x148: {  	[bflag:$0x0] =	sbarrier.arrive $0xFFFF  }
0x149: {  	_ =	strace $0x9000004A  }
0x14a: {  	s0 =	stileid.u32;
	[bflag:$0x2] =	sbarrier.arrive $0xFFFF  }
0x14b: {  	p0 =	sne.s32 s0, $0x0;
	s0 =	rddreg [dreg:$0x8]  }
0x14c: {  	s0 =	sadd.s32 @!p0 $0x100000, s0  }
0x14d: {  	[sflag:s0] =	ssyncadd.tile.s32 @!p0 $0x1;
	_ =	shalt  }
.Lfunc_end2:
_tile_overlayer_lowered:
.L_overlay_start_2:
0x14e: {  	(tag) =	ssettag $0x2  }
0x14f: {  	s0 =	rddreg [dreg:$0x0];
	s2 =	stileid.u32  }
0x150: {  	s1 =	rddreg [dreg:$0x1];
	p0 =	sne.s32 s2, $0x0  }
0x151: {  	s3 =	rddreg [dreg:$0x2];
	[bflag:$0x3] =	sbarrier.arrive $0xFFFF;
	s2 =	simm.s32 @!p0 $0x1C0F  }
0x152: {  	[timem:s3], [sflag:s2] =	dma.local @!p0 [hbm:s0], s1  }
0x153: {  	s0 =	simm.s32 @!p0 $0xF  }
0x154: {  	_ =	swait.ge @!p0 [sflag:s0], s1  }
0x155: {  	s1 =	ssub.s32 @!p0 $0x0, s1;
	[sflag:s0] =	ssyncset.done @!p0 $0x0  }
0x156: {  	[sflag:s0] =	ssyncadd.s32 @!p0 s1  }
0x157: {  	[bflag:$0x3] =	sbarrier.arrive $0xFFFF  }
0x158: {  	_ =	shalt  }

// kernel: kernel.14.cloned.1.call-start
scs
__scs_entry_jumppad:
0x0: {  	(pc) =	sbr.rel $0x88, $3  }
0x1: {  	(tag) =	ssettag $0x0;
	lr =	simm.s32 $0x1  }
0x2: {  	[smem:$0x3F9B] =	sst lr;
	_ =	strace $0xD0000000  }
0x3: {  	_ = 	snop  }
0x4: {  	_ = 	snop  }
0x5: {  	_ = 	snop  }
0x6: {  	_ = 	snop  }
0x7: {  	_ = 	snop  }
__scs_overlays_trampoline_lowered:
0x8: {  	[smem:$0x3FAA] =	sst s0  }
0x9: {  	[smem:$0x3FAB] =	sst s1  }
0xa: {  	[smem:$0x3FAC] =	sst s2  }
0xb: {  	[smem:$0x3FAD] =	sst s3  }
0xc: {  	[smem:$0x3FAE] =	sst s4  }
0xd: {  	[smem:$0x3FAF] =	sst s5  }
0xe: {  	[smem:$0x3FB0] =	sst s6  }
0xf: {  	[smem:$0x3FB1] =	sst s7  }
0x10: {  	[smem:$0x3FB2] =	sst s8  }
0x11: {  	[smem:$0x3FB3] =	sst s9;
	s0 =	simm.s32 @!p0 $0x0  }
0x12: {  	s1 =	sld [smem:$0x3F99];
	s0 =	simm.s32 @p0 $0x1  }
0x13: {  	[smem:$0x3FB4] =	sst s0;
	s0 =	simm.s32 @!p1 $0x0  }
0x14: {  	s2 =	sld [smem:$0x3F98];
	s0 =	simm.s32 @p1 $0x1  }
0x15: {  	[smem:$0x3FB5] =	sst s0;
	s0 =	simm.s32 @!p2 $0x0  }
0x16: {  	s3 =	sld [smem:$0x3FDB];
	s0 =	simm.s32 @p2 $0x1  }
0x17: {  	s4 =	simm.s32 $0x1BF5;
	[smem:$0x3FB7] =	sst s0  }
0x18: {  	s0 =	sld [smem:$0x3F9A];
	_ =	swait.ge [sflag:s4], $0x0  }
0x19: {  	s7 =	sld [smem:$0x3F9B]  }
0x1a: {  	s8 =	sadd.s32 $0xFFFFE003, lr  }
0x1b: {  	s9 =	sadd.s32 $0xFFFFFEF7, lr;
	s5 =	simm.s32 $0xFFFFFFFF;
	p2 =	slt.u32 s8, $0xFFFFF086  }
0x1c: {  	p1 =	slt.u32 s9, $0xF7A;
	s5 =	simm.s32 @!p2 $0x0  }
0x1d: {  	s5 =	simm.s32 @p1 $0x1;
	p0 =	seq.s32 s7, s2  }
0x1e: {  	s7 =	smul.u32 @!p0 $0xF7A, s2;
	p2 =	seq.s32 @!p0 s5, $0x0  }
0x1f: {  	s9 =	smul.u32 $0xF7A, s1;
	s8 =	simm.s32 @!p0 $0x1BF5;
	p2 =	por !p2, p0  }
0x20: {  	[sflag:s8] =	ssyncset.s32 @!p0 $0xFFFFF086;
	s6 =	sadd.s32 @!p0 s3, s7;
	s7 =	simm.s32 @!p0 $0x108  }
0x21: {  	s3 =	sadd.s32 s3, s9;
	s6 =	sadd.s32 @!p0 $0x88, s6;
	s7 =	simm.s32 @p2 $0x1082  }
0x22: {  	[simem:s7], [sflag:s8] =	dma.local @!p0 [hbm:s6], $0xF7A  }
0x23: {  	s9 =	sor.u32 $0xD0000000, s2;
	s6 =	simm.s32 $0x108;
	_ =	swait.ge @!p0 [sflag:s8], $0x0  }
0x24: {  	s3 =	sadd.s32 $0x88, s3;
	s6 =	simm.s32 @!p1 $0x1082;
	[sflag:s4] =	ssyncset.s32 $0xFFFFF086  }
0x25: {  	[simem:s6], [sflag:s4] =	dma.local [hbm:s3], $0xF7A  }
0x26: {  	[smem:$0x3F9B] =	sst s1;
	(tag) =	ssettag s2;
	_ =	strace s9  }
0x27: {  	s1 =	sld [smem:$0x3FAB]  }
0x28: {  	s2 =	sld [smem:$0x3FAC]  }
0x29: {  	s4 =	sld [smem:$0x3FAE]  }
0x2a: {  	p0 =	seq.s32 s5, $0x0;
	s5 =	sld [smem:$0x3FAF]  }
0x2b: {  	s6 =	sld [smem:$0x3FB0]  }
0x2c: {  	s7 =	sld [smem:$0x3FB1]  }
0x2d: {  	s3 =	simm.s32 $0x108;
	s8 =	sld [smem:$0x3FB2]  }
0x2e: {  	s3 =	simm.s32 @!p0 $0x1082;
	s9 =	sld [smem:$0x3FB3]  }
0x2f: {  	lr =	sadd.s32 s0, s3;
	s0 =	sld [smem:$0x3FAA]  }
0x30: {  	s3 =	sld [smem:$0x3FAD]  }
0x31: {  	[smem:$0x3FB6] =	sst s10  }
0x32: {  	s10 =	sld [smem:$0x3FB4];
	_ =	sdelay $0x3  }
0x33: {  	p0 =	seq.s32 s10, $0x1;
	s10 =	sld [smem:$0x3FB6];
	_ =	sdelay $0x3  }
0x34: {  	[smem:$0x3FB6] =	sst s10  }
0x35: {  	s10 =	sld [smem:$0x3FB5];
	_ =	sdelay $0x3  }
0x36: {  	p1 =	seq.s32 s10, $0x1;
	s10 =	sld [smem:$0x3FB6];
	_ =	sdelay $0x3  }
0x37: {  	[smem:$0x3FB6] =	sst s10  }
0x38: {  	s10 =	sld [smem:$0x3FB7]  }
0x39: {  	_ = 	snop;
	(pc) =	sbr.ind lr, $3  }
0x3a: {  	_ = 	snop  }
0x3b: {  	_ = 	snop  }
0x3c: {  	p2 =	seq.s32 s10, $0x1;
	s10 =	sld [smem:$0x3FB6]  }
0x3d: {  	_ =	shalt  }
0x3e: {  	_ =	shalt  }
0x3f: {  	_ =	shalt  }
0x40: {  	_ =	shalt  }
0x41: {  	_ =	shalt  }
0x42: {  	_ =	shalt  }
0x43: {  	_ =	shalt  }
0x44: {  	_ =	shalt  }
0x45: {  	_ =	shalt  }
0x46: {  	_ =	shalt  }
0x47: {  	_ =	shalt  }
0x48: {  	_ =	shalt  }
0x49: {  	_ =	shalt  }
0x4a: {  	_ =	shalt  }
0x4b: {  	_ =	shalt  }
0x4c: {  	_ =	shalt  }
0x4d: {  	_ =	shalt  }
0x4e: {  	_ =	shalt  }
0x4f: {  	_ =	shalt  }
0x50: {  	_ =	shalt  }
0x51: {  	_ =	shalt  }
0x52: {  	_ =	shalt  }
0x53: {  	_ =	shalt  }
0x54: {  	_ =	shalt  }
0x55: {  	_ =	shalt  }
0x56: {  	_ =	shalt  }
0x57: {  	_ =	shalt  }
0x58: {  	_ =	shalt  }
0x59: {  	_ =	shalt  }
0x5a: {  	_ =	shalt  }
0x5b: {  	_ =	shalt  }
0x5c: {  	_ =	shalt  }
0x5d: {  	_ =	shalt  }
0x5e: {  	_ =	shalt  }
0x5f: {  	_ =	shalt  }
0x60: {  	_ =	shalt  }
0x61: {  	_ =	shalt  }
0x62: {  	_ =	shalt  }
0x63: {  	_ =	shalt  }
0x64: {  	_ =	shalt  }
0x65: {  	_ =	shalt  }
0x66: {  	_ =	shalt  }
0x67: {  	_ =	shalt  }
0x68: {  	_ =	shalt  }
0x69: {  	_ =	shalt  }
0x6a: {  	_ =	shalt  }
0x6b: {  	_ =	shalt  }
0x6c: {  	_ =	shalt  }
0x6d: {  	_ =	shalt  }
0x6e: {  	_ =	shalt  }
0x6f: {  	_ =	shalt  }
0x70: {  	_ =	shalt  }
0x71: {  	_ =	shalt  }
0x72: {  	_ =	shalt  }
0x73: {  	_ =	shalt  }
0x74: {  	_ =	shalt  }
0x75: {  	_ =	shalt  }
0x76: {  	_ =	shalt  }
0x77: {  	_ =	shalt  }
0x78: {  	_ =	shalt  }
0x79: {  	_ =	shalt  }
0x7a: {  	_ =	shalt  }
0x7b: {  	_ =	shalt  }
0x7c: {  	_ =	shalt  }
0x7d: {  	_ =	shalt  }
0x7e: {  	_ =	shalt  }
0x7f: {  	_ =	shalt  }
0x80: {  	_ =	shalt  }
0x81: {  	_ =	shalt  }
0x82: {  	_ =	shalt  }
0x83: {  	_ =	shalt  }
0x84: {  	_ =	shalt  }
0x85: {  	_ =	shalt  }
0x86: {  	_ =	shalt  }
0x87: {  	_ =	shalt  }
.Lfunc_end0:
.L_simem_size_0:
called_computation.2_lowered:
.L_overlay_start_0:
0x88: {  	s2 =	sld [smem:$0x3FD9]  }
0x89: {  	s3 =	sld [smem:$0x3FFE];
	_ =	sdelay $0x1  }
0x8a: {  	s1 =	srdreg.scid  }
0x8b: {  	s0 =	sand.u32 $0x1, s1  }
0x8c: {  	s17 =	sshll.u32 s0, $0xA;
	s2 =	sadd.s32 s3, s2  }
0x8d: {  	s2 =	sadd.s32 s2, s17  }
0x8e: {  	[smem:$0x3FC2] =	sst s2  }
0x8f: {  	_ = 	snop  }
0x90: {  	s2 =	sld [smem:$0x3FD0];
	(tm) =	ssettm $0x1  }
0x91: {  	s18 =	sld [smem:$0x3FFB];
	_ =	sdelay $0x3  }
0x92: {  	_ =	strace s18  }
0x93: {  	s3 =	sld [smem:$0x3FFC];
	_ =	sdelay $0x3  }
0x94: {  	_ =	strace s3  }
0x95: {  	s3 =	sld [smem:$0x3FFD];
	_ =	sdelay $0x3  }
0x96: {  	_ =	strace s3  }
0x97: {  	_ =	strace $0x8FFFFFFF  }
0x98: {  	s19 =	sld [smem:$0x3FDB];
	_ =	sdelay $0x1  }
0x99: {  	s4 =	simm.s32 $_scs_section_size  }
0x9a: {  	s5 =	simm.s32 $_size__tile_overlayer_lowered;
	s6 =	simm.s32 $_tile_overlayer_lowered  }
0x9b: {  	s22 =	simm.s32 $0x1BFF;
	s21 =	sshll.u32 s6, $0x1;
	s3 =	sadd.s32 s4, s19  }
0x9c: {  	s7 =	simm.s32 $0x0;
	s20 =	sshll.u32 s5, $0x1;
	s5 =	sadd.s32 s21, s3  }
0x9d: {  	[timem:s7], [sflag:s22] =	dma.local [hbm:s5], s20  }
0x9e: {  	_ =	swait.ge [sflag:s22], s20  }
0x9f: {  	s4 =	ssub.s32 $0x0, s20;
	[sflag:s22] =	ssyncset.done $0x0  }
0xa0: {  	[sflag:s22] =	ssyncadd.s32 s4;
	_ =	sdelay $0x1  }
0xa1: {  	s23 =	simm.s32 $0x1B8B  }
0xa2: {  	_ =	swait.ge [sflag:s23], $0x1  }
0xa3: {  	[sflag:s23] =	ssyncset.done $0x0  }
0xa4: {  	s25 =	simm.s32 $0x1B8E;
	s24 =	sld [smem:$0x3FFE];
	[sflag:s23] =	ssyncadd.s32 $0xFFFFFFFF  }
0xa5: {  	s26 =	simm.s32 $execute0_lowered;
	[smem:$0x3FD2] =	sst s25  }
0xa6: {  	s5 =	sshll.u32 s26, $0x1;
	_ =	strace $0x8000004C;
	[dreg:$0x1] =	wrdreg $0xFFFFFFFF  }
0xa7: {  	s28 =	simm.s32 $_size_execute0_lowered;
	s3 =	sadd.s32 s3, s5;
	[dreg:$0x0] =	wrdreg $0x0  }
0xa8: {  	s5 =	sshll.u32 s28, $0x1;
	[dreg:$0x2] =	wrdreg s3  }
0xa9: {  	[dreg:$0x3] =	wrdreg s5  }
0xaa: {  	[dreg:$0x4] =	wrdreg $0xC0  }
0xab: {  	_ =	task [dreg:s7], $0x5FFFF  }
0xac: {  	[dreg:$0x1] =	wrdreg $0xFFFFFFFF  }
0xad: {  	[dreg:$0x0] =	wrdreg $0x60  }
0xae: {  	[dreg:$0x2] =	wrdreg s24  }
0xaf: {  	[dreg:$0x3] =	wrdreg s2  }
0xb0: {  	[dreg:$0x4] =	wrdreg $0x142700  }
0xb1: {  	[dreg:$0x5] =	wrdreg $0x15AF00  }
0xb2: {  	[dreg:$0x6] =	wrdreg $0x173700  }
0xb3: {  	[dreg:$0x7] =	wrdreg $0x18BF00  }
0xb4: {  	[dreg:$0x8] =	wrdreg $0x1A4700  }
0xb5: {  	[dreg:$0x9] =	wrdreg $0x1BCF00  }
0xb6: {  	[dreg:$0xa] =	wrdreg $0x9  }
0xb7: {  	_ =	task.clear_ibuf [dreg:s7], $0xBFFFF;
	_ =	strace $0x9000004C  }
0xb8: {  	s29 =	simm.s32 $0x9;
	_ =	strace $0x8000004E  }
0xb9: {  	_ =	swait.ge [sflag:s29], $0x1  }
0xba: {  	[sflag:s29] =	ssyncadd.s32 $0xFFFFFFFF  }
0xbb: {  	_ =	strace $0x9000004E  }
0xbc: {  	_ =	sfence  }
0xbd: {  	s30 =	sld [smem:$0x0];
	_ =	sdelay $0x2  }
0xbe: {  	s31 =	sshll.u32 s1, $0xD;
	s1 =	sshrl.u32 s1, $0x2  }
0xbf: {  	s3 =	sand.u32 $0x4000, s31;
	s1 =	sadd.s32 s1, s30  }
0xc0: {  	s0 =	sor.u32 s3, s0;
	s1 =	sshll.u32 s1, $0x11  }
0xc1: {  	s0 =	sor.u32 s1, s0  }
0xc2: {  	s0 =	sadd.s32 $0x8F2B, s0  }
0xc3: {  	[sflag:s0] =	ssyncadd.remote.s32 $0x1  }
0xc4: {  	_ =	sfence.sel $0xFFFF  }
0xc5: {  	[dreg:$0x0] =	wrdreg $0xFFFFFFFF;
	(pc) =	sbr.abs _section_cstart, $3  }
0xc6: {  	[dreg:$0x1] =	wrdreg $0xFFFFFFFF  }
0xc7: {  	_ =	task.clear_ibuf [dreg:s7], $0x2FFFF;
	_ =	strace $0x9FFFFFFF  }
0xc8: {  	(tm) =	ssettm $0x7FFFFFFF  }
0xc9: {  	_ =	shalt  }
tec
execute0_lowered:
.L_overlay_start_1:
0x0: {  	(tag) =	ssettag $0x1  }
0x1: {  	s0 =	rddreg [dreg:$0x0]  }
0x2: {  	s1 =	rddreg [dreg:$0x1]  }
0x3: {  	s2 =	rddreg [dreg:$0x2]  }
0x4: {  	s4 =	rddreg [dreg:$0x3]  }
0x5: {  	s17 =	rddreg [dreg:$0x4]  }
0x6: {  	s18 =	rddreg [dreg:$0x5]  }
0x7: {  	s19 =	rddreg [dreg:$0x6]  }
0x8: {  	s16 =	rddreg [dreg:$0x7];
	s3 =	simm.s32 $0x0;
	s20 =	stileid.u32  }
0x9: {  	s8 =	srdreg.scid;
	s31 =	simm.s32 $0xF;
	s28 =	simm.s32 $0xB  }
0xa: {  	s29 =	simm.s32 $0xC;
	s30 =	simm.s32 $0x7;
	[smem:$0x7FF] =	sst s3  }
0xb: {  	s6 =	smul.u32 $0x1880, s20;
	s9 =	sadd.s32 $0xC6200, s0;
	s8 =	sand.u32 $0x1, s8  }
0xc: {  	s10 =	sadd.s32 $0x2C00, s0;
	s5 =	smov.u32 s17;
	s7 =	smov.u32 s18  }
0xd: {  	s3 =	smov.u32 s19;
	_ =	strace $0x8000004D;
	s12 =	smul.u32 $0x3100, s8  }
0xe: {  	s14 =	ssub.s32 $0x2, s8;
	s8 =	sshll.u32 s8, $0x4;
	s11 =	sshrl.u32 s6, $0x3  }
0xf: {  	s15 =	sshrl.u32 s14, $0x1;
	s8 =	sor.u32 s20, s8;
	s2 =	sadd.s32 s6, s2  }
0x10: {  	s23 =	sadd.s32 s6, s4;
	s26 =	sadd.s32 s6, s17;
	s24 =	sadd.s32 s6, s18  }
0x11: {  	s25 =	sadd.s32 s6, s19;
	s18 =	sadd.s32 s6, s16;
	[dreg:$0xa] =	wrdreg s2  }
0x12: {  	s6 =	simm.s32 $0x1388;
	s13 =	sadd.s32 s11, s0;
	[dreg:$0xc] =	wrdreg s23  }
0x13: {  	s0 =	sadd.s32 s12, s0;
	s14 =	ssub.s32 s14, s15;
	[dreg:$0xe] =	wrdreg s24  }
0x14: {  	s8 =	smul.u32 $0x30D40, s8;
	[dreg:$0xf] =	wrdreg s25;
	s1 =	sadd.s32 s1, s12  }
0x15: {  	[dreg:$0x14] =	wrdreg s18;
	s12 =	simm.s32 $0x4E20;
	s21 =	sadd.s32 $0x18CA00, s13  }
0x16: {  	s18 =	simm.s32 $0x3A98;
	s22 =	sadd.s32 $0x189800, s13;
	s2 =	sadd.s32 $0x19C000, s0  }
0x17: {  	[dreg:$0xd] =	wrdreg s26;
	s4 =	sadd.s32 $0x195E00, s0;
	s0 =	sadd.s32 $0x18FC00, s0  }
0x18: {  	s1 =	sadd.s32 s11, s1;
	s25 =	smax.u32 s14, $0x1;
	[dreg:$0x9] =	wrdreg s21  }
0x19: {  	s13 =	simm.s32 $0x61A8;
	s14 =	simm.s32 $0x2710;
	[dreg:$0xb] =	wrdreg s22  }
0x1a: {  	[dreg:$0x10] =	wrdreg s1;
	s15 =	sadd.s32 s11, s2;
	s17 =	sadd.s32 s11, s4  }
0x1b: {  	s0 =	sadd.s32 s11, s0;
	s22 =	sadd.s32 $0x1388, s8;
	[dreg:$0x19] =	wrdreg s25  }
0x1c: {  	s4 =	smov.u32 s16;
	s19 =	sshrl.u32 s8, $0x3;
	[dreg:$0x11] =	wrdreg s15  }
0x1d: {  	s8 =	simm.s32 $0x1;
	s11 =	simm.s32 $0x2;
	[dreg:$0x12] =	wrdreg s17  }
0x1e: {  	s16 =	simm.s32 $0xE;
	s2 =	simm.s32 $0x0;
	[dreg:$0x13] =	wrdreg s0  }
0x1f: {  	s20 =	sshrl.u32 s22, $0x3;
	s21 =	sadd.s32 s9, s19;
	s0 =	sadd.s32 s10, s19  }
.Ltmp0:
0x20: {  	s19 =	simm.s32 $0x5;
	[dreg:$0x15] =	wrdreg s21;
	(pc) =	sbr.rel .LBB2_1-.Ltmp0, $4  }
0x21: {  	s15 =	simm.s32 $0xD;
	s17 =	simm.s32 $0x3;
	[dreg:$0x16] =	wrdreg s0  }
0x22: {  	s23 =	sadd.s32 s9, s20;
	s24 =	sadd.s32 s10, s20;
	s20 =	simm.s32 $0x6  }
0x23: {  	s0 =	simm.s32 $0x8;
	s21 =	simm.s32 $0x9;
	[dreg:$0x17] =	wrdreg s23  }
0x24: {  	v0 =	vimm.f32 $0.0e+00;
	[dreg:$0x18] =	wrdreg s24;
	s23 =	simm.s32 $0x4;
	s24 =	simm.s32 $0xA  }
.LBB2_20:
0x25: {  	_ =	swait.ge [sflag:s28], $0x1388  }
0x26: {  	[sflag:s28] =	ssyncset.done $0x0  }
0x27: {  	[sflag:s28] =	ssyncadd.s32 $0xFFFFEC78  }
0x28: {  	_ =	swait.ge [sflag:s29], $0x1388  }
0x29: {  	[sflag:s29] =	ssyncset.done $0x0  }
0x2a: {  	[sflag:s29] =	ssyncadd.s32 $0xFFFFEC78  }
0x2b: {  	_ =	swait.ge [sflag:s15], $0x1388  }
0x2c: {  	[sflag:s15] =	ssyncset.done $0x0  }
0x2d: {  	[sflag:s15] =	ssyncadd.s32 $0xFFFFEC78  }
0x2e: {  	_ =	swait.ge [sflag:s16], $0x1388  }
0x2f: {  	[sflag:s16] =	ssyncset.done $0x0  }
0x30: {  	[sflag:s16] =	ssyncadd.s32 $0xFFFFEC78  }
0x31: {  	s1 =	stileid.u32;
	[bflag:$0x0] =	sbarrier.arrive $0xFFFF  }
0x32: {  	s1 =	sshll.u32 s1, $0x6;
	s26 =	rddreg [dreg:$0xd]  }
0x33: {  	s1 =	sor.u32 $0x1C0F, s1;
	s25 =	rddreg [dreg:$0x10];
	s2 =	sshrl.u32 s26, $0x3  }
0x34: {  	[hbm:s25], [sflag:s1] =	dma.local [spmem:s2], $0x310  }
0x35: {  	_ =	swait.ge [sflag:s31], $0x310  }
0x36: {  	[sflag:s31] =	ssyncset.done $0x0;
	s25 =	rddreg [dreg:$0xe]  }
0x37: {  	[sflag:s31] =	ssyncadd.s32 $0xFFFFFCF0;
	s2 =	sshrl.u32 s25, $0x3;
	s25 =	rddreg [dreg:$0x11]  }
0x38: {  	[hbm:s25], [sflag:s1] =	dma.local [spmem:s2], $0x310  }
0x39: {  	_ =	swait.ge [sflag:s31], $0x310  }
0x3a: {  	[sflag:s31] =	ssyncset.done $0x0;
	s25 =	rddreg [dreg:$0xf]  }
0x3b: {  	[sflag:s31] =	ssyncadd.s32 $0xFFFFFCF0;
	s2 =	sshrl.u32 s25, $0x3;
	s25 =	rddreg [dreg:$0x12]  }
0x3c: {  	[hbm:s25], [sflag:s1] =	dma.local [spmem:s2], $0x310  }
0x3d: {  	_ =	swait.ge [sflag:s31], $0x310  }
0x3e: {  	[sflag:s31] =	ssyncset.done $0x0;
	s25 =	rddreg [dreg:$0x14]  }
0x3f: {  	[sflag:s31] =	ssyncadd.s32 $0xFFFFFCF0;
	s2 =	sshrl.u32 s25, $0x3;
	s25 =	rddreg [dreg:$0x13]  }
0x40: {  	[hbm:s25], [sflag:s1] =	dma.local [spmem:s2], $0x310  }
0x41: {  	_ =	swait.ge [sflag:s31], $0x310  }
0x42: {  	s1 =	rddreg [dreg:$0x1a]  }
0x43: {  	s25 =	rddreg [dreg:$0x19];
	s2 =	sadd.s32 $0x1, s1  }
0x44: {  	p0 =	sne.s32 s2, s25  }
.Ltmp1:
0x45: {  	_ = 	snop;
	(pc) =	sbr.rel @!p0 .LBB2_21-.Ltmp1, $3  }
0x46: {  	_ =	sdelay $0x1  }
0x47: {  	[sflag:s31] =	ssyncset.done $0x0  }
0x48: {  	[sflag:s31] =	ssyncadd.s32 $0xFFFFFCF0  }
.LBB2_1:
0x49: {  	[dreg:$0x1a] =	wrdreg s2  }
0x4a: {  	s1 =	simm.s32 $0x0;
	s2 =	rddreg [dreg:$0x9];
	s25 =	simm.s32 $0x129F0  }
0x4b: {  	[tilespmem:s25], [sflag:$0xF] =	stream.linear.gather [hbm4b:s2+s1], $0x1880, $0x38;
	[tilespmem:$0x1D570] =	vst v63  }
0x4c: {  	_ =	swait.ge [sflag:s31], $0x1880  }
0x4d: {  	[sflag:s31] =	ssyncset.done $0x0  }
0x4e: {  	s2 =	rddreg [dreg:$0xa];
	[sflag:s31] =	ssyncadd.s32 $0xFFFFE780  }
0x4f: {  	[spmem:s2] =	stream.linear.scatter [tilespmem:s25], [sflag:$0xF], $0x1880, $0x38;
	[tilespmem:$0x1D570] =	vst v63  }
0x50: {  	_ =	swait.ge [sflag:s31], $0x1880  }
0x51: {  	[sflag:s31] =	ssyncset.done $0x0  }
0x52: {  	s2 =	rddreg [dreg:$0xb];
	[sflag:s31] =	ssyncadd.s32 $0xFFFFE780  }
0x53: {  	[tilespmem:s25], [sflag:$0xF] =	stream.linear.gather [hbm4b:s2+s1], $0x1880, $0x38;
	[tilespmem:$0x1D570] =	vst v63  }
0x54: {  	_ =	swait.ge [sflag:s31], $0x1880  }
0x55: {  	[sflag:s31] =	ssyncset.done $0x0  }
0x56: {  	s2 =	rddreg [dreg:$0xc];
	[sflag:s31] =	ssyncadd.s32 $0xFFFFE780  }
0x57: {  	[spmem:s2] =	stream.linear.scatter [tilespmem:s25], [sflag:$0xF], $0x1880, $0x38;
	[tilespmem:$0x1D570] =	vst v63  }
0x58: {  	_ =	swait.ge [sflag:s31], $0x1880  }
0x59: {  	[sflag:s31] =	ssyncset.done $0x0  }
0x5a: {  	s1 =	simm.s32 $0x40;
	s25 =	simm.s32 $0x0;
	[sflag:s31] =	ssyncadd.s32 $0xFFFFE780  }
.LBB2_2:
0x5b: {  	p0 =	sne.s32 s1, $0x61C0;
	[tilespmem:s25+$0x11170] =	vst v0;
	s25 =	smov.u32 s1;
	s1 =	sadd.s32 $0x40, s1  }
.Ltmp2:
0x5c: {  	(pc) =	sbr.rel @p0 .LBB2_2-.Ltmp2, $2  }
0x5d: {  	_ =	sdelay $0x2  }
0x5e: {  	s25 =	sshra.s32 s25, $0x2  }
0x5f: {  	[tilespmem:s25+$0x11170] =	vst v0;
	s2 =	simm.s32 $0x11170  }
0x60: {  	[spmem:s26] =	stream.linear.scatter [tilespmem:s2], [sflag:$0xF], $0x1880, $0x38;
	[tilespmem:$0x1D570] =	vst v63  }
0x61: {  	_ =	swait.ge [sflag:s31], $0x1880  }
0x62: {  	[sflag:s31] =	ssyncset.done $0x0  }
0x63: {  	s1 =	rddreg [dreg:$0xe];
	[sflag:s31] =	ssyncadd.s32 $0xFFFFE780  }
0x64: {  	[spmem:s1] =	stream.linear.scatter [tilespmem:s2], [sflag:$0xF], $0x1880, $0x38;
	[tilespmem:$0x1D570] =	vst v63  }
0x65: {  	_ =	swait.ge [sflag:s31], $0x1880  }
0x66: {  	[sflag:s31] =	ssyncset.done $0x0  }
0x67: {  	s25 =	rddreg [dreg:$0xf];
	[sflag:s31] =	ssyncadd.s32 $0xFFFFE780  }
0x68: {  	[spmem:s25] =	stream.linear.scatter [tilespmem:s2], [sflag:$0xF], $0x1880, $0x38;
	[tilespmem:$0x1D570] =	vst v63  }
0x69: {  	_ =	swait.ge [sflag:s31], $0x1880  }
0x6a: {  	[sflag:s31] =	ssyncset.done $0x0  }
0x6b: {  	s26 =	rddreg [dreg:$0x14];
	[sflag:s31] =	ssyncadd.s32 $0xFFFFE780  }
0x6c: {  	[spmem:s26] =	stream.linear.scatter [tilespmem:s2], [sflag:$0xF], $0x1880, $0x38;
	[tilespmem:$0x1D570] =	vst v63  }
0x6d: {  	_ =	swait.ge [sflag:s31], $0x1880  }
0x6e: {  	[sflag:s31] =	ssyncset.done $0x0  }
0x6f: {  	[sflag:s31] =	ssyncadd.s32 $0xFFFFE780  }
0x70: {  	[bflag:$0x0] =	sbarrier.arrive $0xFFFF  }
0x71: {  	s1 =	simm.s32 $0x0;
	s25 =	rddreg [dreg:$0x15]  }
0x72: {  	[tilespmem:s1], [sflag:$0x1] =	stream.linear.gather [hbm4b:s25+s1], $0x1388, $0x38;
	[tilespmem:$0x1D570] =	vst v63  }
0x73: {  	s26 =	rddreg [dreg:$0x16]  }
0x74: {  	[tilespmem:s6], [sflag:$0x2] =	stream.linear.gather [hbm4b:s26+s1], $0x1388, $0x38;
	[tilespmem:$0x1D570] =	vst v63  }
0x75: {  	_ =	swait.ge [sflag:s8], $0x1388  }
0x76: {  	[sflag:s8] =	ssyncset.done $0x0  }
0x77: {  	[sflag:s8] =	ssyncadd.s32 $0xFFFFEC78  }
0x78: {  	_ =	swait.ge [sflag:s11], $0x1388  }
0x79: {  	[sflag:s11] =	ssyncset.done $0x0  }
0x7a: {  	[sflag:s11] =	ssyncadd.s32 $0xFFFFEC78  }
0x7b: {  	s25 =	rddreg [dreg:$0x2]  }
0x7c: {  	[tilespmem:s12], [sflag:$0x5] =	stream.indirect.gather [spmem:s25], $0x1, s1, s6, $0xb8;
	[tilespmem:$0x1D570] =	vst v63  }
0x7d: {  	s26 =	rddreg [dreg:$0x3]  }
0x7e: {  	[tilespmem:s13], [sflag:$0x6] =	stream.indirect.gather [spmem:s26], $0x1, s1, s6, $0xb8;
	[tilespmem:$0x1D570] =	vst v63  }
0x7f: {  	s25 =	rddreg [dreg:$0x17]  }
0x80: {  	[tilespmem:s14], [sflag:$0x3] =	stream.linear.gather [hbm4b:s25+s1], $0x1388, $0x38;
	[tilespmem:$0x1D570] =	vst v63  }
0x81: {  	s26 =	rddreg [dreg:$0x18]  }
0x82: {  	[tilespmem:s18], [sflag:$0x4] =	stream.linear.gather [hbm4b:s26+s1], $0x1388, $0x38;
	[tilespmem:$0x1D570] =	vst v63  }
0x83: {  	_ =	swait.ge [sflag:s19], $0x1388  }
0x84: {  	[sflag:s19] =	ssyncset.done $0x0  }
0x85: {  	[sflag:s19] =	ssyncadd.s32 $0xFFFFEC78  }
0x86: {  	_ =	swait.ge [sflag:s20], $0x1388  }
0x87: {  	[sflag:s20] =	ssyncset.done $0x0  }
0x88: {  	s25 =	simm.s32 $0x0;
	[sflag:s20] =	ssyncadd.s32 $0xFFFFEC78  }
0x89: {  	v1 =	vld [tilespmem:s25+$0x4E20]  }
0x8a: {  	s26 =	simm.s32 $0x40  }
.LBB2_4:
0x8b: {  	p0 =	sne.s32 s26, $0x4DC0  }
.Ltmp3:
0x8c: {  	_ = 	snop;
	(pc) =	sbr.rel @p0 .LBB2_4-.Ltmp3, $4  }
0x8d: {  	_ = 	snop  }
0x8e: {  	s1 =	sshra.s32 s26, $0x2;
	s26 =	sadd.s32 $0x40, s26;
	v2 =	vunpack.i.u.bf16.f32 v1;
	v3 =	vunpack.i.l.bf16.f32 v1  }
0x8f: {  	v1 =	vld [tilespmem:s1+$0x4E20];
	[tilespmem:s25+$0x88B8] =	vst v2  }
0x90: {  	[tilespmem:s25+$0x7530] =	vst v3;
	s25 =	smov.u32 s1  }
0x91: {  	_ =	sdelay $0x2  }
0x92: {  	v2 =	vunpack.i.u.bf16.f32 v1  }
0x93: {  	v1 =	vunpack.i.l.bf16.f32 v1;
	[tilespmem:s25+$0x88B8] =	vst v2  }
0x94: {  	[tilespmem:s25+$0x7530] =	vst v1  }
0x95: {  	v1 =	vld [tilespmem:$0x6198];
	_ =	sdelay $0x4  }
0x96: {  	v2 =	vunpack.i.l.bf16.f32 v1  }
0x97: {  	v1 =	vunpack.i.u.bf16.f32 v1;
	[tilespmem:$0x88A8] =	vst v2  }
0x98: {  	s25 =	simm.s32 $0x0;
	[tilespmem:$0x9C30] =	vst v1  }
0x99: {  	v1 =	vld [tilespmem:s25+$0x61A8]  }
0x9a: {  	s26 =	simm.s32 $0x40  }
.LBB2_6:
0x9b: {  	p0 =	sne.s32 s26, $0x4DC0  }
.Ltmp4:
0x9c: {  	_ = 	snop;
	(pc) =	sbr.rel @p0 .LBB2_6-.Ltmp4, $4  }
0x9d: {  	_ = 	snop  }
0x9e: {  	s1 =	sshra.s32 s26, $0x2;
	s26 =	sadd.s32 $0x40, s26;
	v2 =	vunpack.i.u.bf16.f32 v1;
	v3 =	vunpack.i.l.bf16.f32 v1  }
0x9f: {  	v1 =	vld [tilespmem:s1+$0x61A8];
	[tilespmem:s25+$0xAFC8] =	vst v2  }
0xa0: {  	[tilespmem:s25+$0x9C40] =	vst v3;
	s25 =	smov.u32 s1  }
0xa1: {  	_ =	sdelay $0x2  }
0xa2: {  	v2 =	vunpack.i.u.bf16.f32 v1  }
0xa3: {  	v1 =	vunpack.i.l.bf16.f32 v1;
	[tilespmem:s25+$0xAFC8] =	vst v2  }
0xa4: {  	[tilespmem:s25+$0x9C40] =	vst v1  }
0xa5: {  	v1 =	vld [tilespmem:$0x7520];
	_ =	sdelay $0x4  }
0xa6: {  	v2 =	vunpack.i.l.bf16.f32 v1  }
0xa7: {  	v1 =	vunpack.i.u.bf16.f32 v1;
	[tilespmem:$0xAFB8] =	vst v2  }
0xa8: {  	s1 =	simm.s32 $0x7530;
	[tilespmem:$0xC340] =	vst v1  }
0xa9: {  	[spmem:s5] =	stream.indirect.scatter.add.f32 [tilespmem:s1], [sflag:$0x7], $0x1, s6, s6, $0xb8;
	[tilespmem:$0x1D570] =	vst v63  }
0xaa: {  	s2 =	simm.s32 $0x88B8  }
0xab: {  	[spmem:s7] =	stream.indirect.scatter.add.f32 [tilespmem:s2], [sflag:$0x8], $0x1, s6, s6, $0xb8;
	[tilespmem:$0x1D570] =	vst v63  }
.Ltmp5:
0xac: {  	_ = 	snop;
	(pc) =	sbr.rel .LBB2_8-.Ltmp5, $4  }
0xad: {  	s25 =	simm.s32 $0x9C40  }
0xae: {  	[spmem:s3] =	stream.indirect.scatter.add.f32 [tilespmem:s25], [sflag:$0x9], $0x1, s6, s6, $0xb8;
	[tilespmem:$0x1D570] =	vst v63  }
0xaf: {  	s26 =	simm.s32 $0xAFC8;
	s25 =	simm.s32 $0x1  }
0xb0: {  	[spmem:s4] =	stream.indirect.scatter.add.f32 [tilespmem:s26], [sflag:$0xA], $0x1, s6, s6, $0xb8;
	[tilespmem:$0x1D570] =	vst v63  }
.LBB2_18:
0xb1: {  	v2 =	vunpack.i.u.bf16.f32 v1  }
0xb2: {  	v1 =	vunpack.i.l.bf16.f32 v1;
	[tilespmem:s26+$0xFDE8] =	vst v2  }
0xb3: {  	[tilespmem:s26+$0xEA60] =	vst v1  }
0xb4: {  	v1 =	vld [tilespmem:$0x7520];
	_ =	sdelay $0x4  }
0xb5: {  	v2 =	vunpack.i.l.bf16.f32 v1  }
0xb6: {  	v1 =	vunpack.i.u.bf16.f32 v1;
	[tilespmem:$0xFDD8] =	vst v2  }
0xb7: {  	s1 =	simm.s32 $0xC350;
	[tilespmem:$0x11160] =	vst v1  }
0xb8: {  	[spmem:s5] =	stream.indirect.scatter.add.f32 [tilespmem:s1], [sflag:$0xB], $0x1, s18, s6, $0xb8;
	[tilespmem:$0x1D570] =	vst v63  }
0xb9: {  	s26 =	simm.s32 $0xD6D8  }
0xba: {  	[spmem:s7] =	stream.indirect.scatter.add.f32 [tilespmem:s26], [sflag:$0xC], $0x1, s18, s6, $0xb8;
	[tilespmem:$0x1D570] =	vst v63  }
0xbb: {  	s2 =	simm.s32 $0xEA60  }
0xbc: {  	[spmem:s3] =	stream.indirect.scatter.add.f32 [tilespmem:s2], [sflag:$0xD], $0x1, s18, s6, $0xb8;
	[tilespmem:$0x1D570] =	vst v63  }
0xbd: {  	s26 =	simm.s32 $0xFDE8  }
0xbe: {  	[spmem:s4] =	stream.indirect.scatter.add.f32 [tilespmem:s26], [sflag:$0xE], $0x1, s18, s6, $0xb8;
	[tilespmem:$0x1D570] =	vst v63  }
.LBB2_19:
0xbf: {  	s25 =	sadd.s32 $0x1, s25  }
0xc0: {  	p0 =	sne.s32 s25, $0x28  }
.Ltmp6:
0xc1: {  	_ = 	snop;
	(pc) =	sbr.rel @!p0 .LBB2_20-.Ltmp6, $1  }
0xc2: {  	_ =	sdelay $0x3  }
.LBB2_8:
0xc3: {  	s1 =	sand.u32 $0x1, s25  }
0xc4: {  	p0 =	seq.s32 s1, $0x1  }
.Ltmp7:
0xc5: {  	_ = 	snop;
	(pc) =	sbr.rel @p0 .LBB2_14-.Ltmp7, $1  }
0xc6: {  	_ =	sdelay $0x3  }
0xc7: {  	_ =	swait.ge [sflag:s8], $0x1388  }
0xc8: {  	[sflag:s8] =	ssyncset.done $0x0  }
0xc9: {  	[sflag:s8] =	ssyncadd.s32 $0xFFFFEC78  }
0xca: {  	_ =	swait.ge [sflag:s11], $0x1388  }
0xcb: {  	[sflag:s11] =	ssyncset.done $0x0  }
0xcc: {  	[sflag:s11] =	ssyncadd.s32 $0xFFFFEC78  }
0xcd: {  	s1 =	simm.s32 $0x0;
	s2 =	rddreg [dreg:$0x2]  }
0xce: {  	[tilespmem:s12], [sflag:$0x5] =	stream.indirect.gather [spmem:s2], $0x1, s1, s6, $0xb8;
	[tilespmem:$0x1D570] =	vst v63  }
0xcf: {  	s26 =	rddreg [dreg:$0x3]  }
0xd0: {  	[tilespmem:s13], [sflag:$0x6] =	stream.indirect.gather [spmem:s26], $0x1, s1, s6, $0xb8;
	[tilespmem:$0x1D570] =	vst v63  }
0xd1: {  	_ =	swait.ge [sflag:s28], $0x1388  }
0xd2: {  	[sflag:s28] =	ssyncset.done $0x0  }
0xd3: {  	[sflag:s28] =	ssyncadd.s32 $0xFFFFEC78  }
0xd4: {  	_ =	swait.ge [sflag:s29], $0x1388  }
0xd5: {  	[sflag:s29] =	ssyncset.done $0x0  }
0xd6: {  	[sflag:s29] =	ssyncadd.s32 $0xFFFFEC78  }
0xd7: {  	_ =	swait.ge [sflag:s15], $0x1388  }
0xd8: {  	s26 =	smul.u32 $0x1388, s25;
	[sflag:s15] =	ssyncset.done $0x0  }
0xd9: {  	[sflag:s15] =	ssyncadd.s32 $0xFFFFEC78  }
0xda: {  	s26 =	sadd.s32 s26, s22;
	_ =	swait.ge [sflag:s16], $0x1388  }
0xdb: {  	s26 =	sshrl.u32 s26, $0x3;
	[sflag:s16] =	ssyncset.done $0x0  }
0xdc: {  	s2 =	sadd.s32 s9, s26;
	[sflag:s16] =	ssyncadd.s32 $0xFFFFEC78  }
0xdd: {  	[tilespmem:s14], [sflag:$0x3] =	stream.linear.gather [hbm4b:s2+s1], $0x1388, $0x38;
	[tilespmem:$0x1D570] =	vst v63  }
0xde: {  	s26 =	sadd.s32 s10, s26  }
0xdf: {  	[tilespmem:s18], [sflag:$0x4] =	stream.linear.gather [hbm4b:s26+s1], $0x1388, $0x38;
	[tilespmem:$0x1D570] =	vst v63  }
0xe0: {  	_ =	swait.ge [sflag:s19], $0x1388  }
0xe1: {  	[sflag:s19] =	ssyncset.done $0x0  }
0xe2: {  	[sflag:s19] =	ssyncadd.s32 $0xFFFFEC78  }
0xe3: {  	_ =	swait.ge [sflag:s20], $0x1388  }
0xe4: {  	[sflag:s20] =	ssyncset.done $0x0  }
0xe5: {  	s26 =	simm.s32 $0x0;
	[sflag:s20] =	ssyncadd.s32 $0xFFFFEC78  }
0xe6: {  	v1 =	vld [tilespmem:s26+$0x4E20]  }
0xe7: {  	s1 =	simm.s32 $0x40  }
.LBB2_10:
0xe8: {  	p0 =	sne.s32 s1, $0x4DC0  }
.Ltmp8:
0xe9: {  	_ = 	snop;
	(pc) =	sbr.rel @p0 .LBB2_10-.Ltmp8, $4  }
0xea: {  	_ = 	snop  }
0xeb: {  	s2 =	sshra.s32 s1, $0x2;
	s1 =	sadd.s32 $0x40, s1;
	v2 =	vunpack.i.u.bf16.f32 v1;
	v3 =	vunpack.i.l.bf16.f32 v1  }
0xec: {  	v1 =	vld [tilespmem:s2+$0x4E20];
	[tilespmem:s26+$0x88B8] =	vst v2  }
0xed: {  	[tilespmem:s26+$0x7530] =	vst v3;
	s26 =	smov.u32 s2  }
0xee: {  	_ =	sdelay $0x2  }
0xef: {  	v2 =	vunpack.i.u.bf16.f32 v1  }
0xf0: {  	v1 =	vunpack.i.l.bf16.f32 v1;
	[tilespmem:s26+$0x88B8] =	vst v2  }
0xf1: {  	[tilespmem:s26+$0x7530] =	vst v1  }
0xf2: {  	v1 =	vld [tilespmem:$0x6198];
	_ =	sdelay $0x4  }
0xf3: {  	v2 =	vunpack.i.l.bf16.f32 v1  }
0xf4: {  	v1 =	vunpack.i.u.bf16.f32 v1;
	[tilespmem:$0x88A8] =	vst v2  }
0xf5: {  	s26 =	simm.s32 $0x0;
	[tilespmem:$0x9C30] =	vst v1  }
0xf6: {  	v1 =	vld [tilespmem:s26+$0x61A8]  }
0xf7: {  	s1 =	simm.s32 $0x40  }
.LBB2_12:
0xf8: {  	p0 =	sne.s32 s1, $0x4DC0  }
.Ltmp9:
0xf9: {  	_ = 	snop;
	(pc) =	sbr.rel @p0 .LBB2_12-.Ltmp9, $4  }
0xfa: {  	_ = 	snop  }
0xfb: {  	s2 =	sshra.s32 s1, $0x2;
	s1 =	sadd.s32 $0x40, s1;
	v2 =	vunpack.i.u.bf16.f32 v1;
	v3 =	vunpack.i.l.bf16.f32 v1  }
0xfc: {  	v1 =	vld [tilespmem:s2+$0x61A8];
	[tilespmem:s26+$0xAFC8] =	vst v2  }
0xfd: {  	[tilespmem:s26+$0x9C40] =	vst v3;
	s26 =	smov.u32 s2  }
0xfe: {  	_ =	sdelay $0x2  }
0xff: {  	v2 =	vunpack.i.u.bf16.f32 v1  }
0x100: {  	v1 =	vunpack.i.l.bf16.f32 v1;
	[tilespmem:s26+$0xAFC8] =	vst v2  }
0x101: {  	[tilespmem:s26+$0x9C40] =	vst v1  }
0x102: {  	v1 =	vld [tilespmem:$0x7520];
	_ =	sdelay $0x4  }
0x103: {  	v2 =	vunpack.i.l.bf16.f32 v1  }
0x104: {  	v1 =	vunpack.i.u.bf16.f32 v1;
	[tilespmem:$0xAFB8] =	vst v2  }
0x105: {  	s1 =	simm.s32 $0x7530;
	[tilespmem:$0xC340] =	vst v1  }
0x106: {  	[spmem:s5] =	stream.indirect.scatter.add.f32 [tilespmem:s1], [sflag:$0x7], $0x1, s6, s6, $0xb8;
	[tilespmem:$0x1D570] =	vst v63  }
0x107: {  	s26 =	simm.s32 $0x88B8  }
0x108: {  	[spmem:s7] =	stream.indirect.scatter.add.f32 [tilespmem:s26], [sflag:$0x8], $0x1, s6, s6, $0xb8;
	[tilespmem:$0x1D570] =	vst v63  }
.Ltmp10:
0x109: {  	_ = 	snop;
	(pc) =	sbr.rel .LBB2_19-.Ltmp10, $4  }
0x10a: {  	s2 =	simm.s32 $0x9C40  }
0x10b: {  	[spmem:s3] =	stream.indirect.scatter.add.f32 [tilespmem:s2], [sflag:$0x9], $0x1, s6, s6, $0xb8;
	[tilespmem:$0x1D570] =	vst v63  }
0x10c: {  	s26 =	simm.s32 $0xAFC8  }
0x10d: {  	[spmem:s4] =	stream.indirect.scatter.add.f32 [tilespmem:s26], [sflag:$0xA], $0x1, s6, s6, $0xb8;
	[tilespmem:$0x1D570] =	vst v63  }
.LBB2_14:
0x10e: {  	_ =	swait.ge [sflag:s17], $0x1388  }
0x10f: {  	[sflag:s17] =	ssyncset.done $0x0  }
0x110: {  	[sflag:s17] =	ssyncadd.s32 $0xFFFFEC78  }
0x111: {  	_ =	swait.ge [sflag:s23], $0x1388  }
0x112: {  	[sflag:s23] =	ssyncset.done $0x0  }
0x113: {  	[sflag:s23] =	ssyncadd.s32 $0xFFFFEC78  }
0x114: {  	s1 =	rddreg [dreg:$0x2]  }
0x115: {  	[tilespmem:s12], [sflag:$0x5] =	stream.indirect.gather [spmem:s1], $0x1, s14, s6, $0xb8;
	[tilespmem:$0x1D570] =	vst v63  }
0x116: {  	s26 =	rddreg [dreg:$0x3]  }
0x117: {  	[tilespmem:s13], [sflag:$0x6] =	stream.indirect.gather [spmem:s26], $0x1, s14, s6, $0xb8;
	[tilespmem:$0x1D570] =	vst v63  }
0x118: {  	_ =	swait.ge [sflag:s30], $0x1388  }
0x119: {  	[sflag:s30] =	ssyncset.done $0x0  }
0x11a: {  	[sflag:s30] =	ssyncadd.s32 $0xFFFFEC78  }
0x11b: {  	_ =	swait.ge [sflag:s0], $0x1388  }
0x11c: {  	[sflag:s0] =	ssyncset.done $0x0  }
0x11d: {  	[sflag:s0] =	ssyncadd.s32 $0xFFFFEC78  }
0x11e: {  	p0 =	seq.s32 s25, $0x27;
	_ =	swait.ge [sflag:s21], $0x1388  }
0x11f: {  	s1 =	smul.u32 @!p0 $0x1388, s25;
	[sflag:s21] =	ssyncset.done $0x0  }
0x120: {  	[sflag:s21] =	ssyncadd.s32 $0xFFFFEC78  }
0x121: {  	s1 =	sadd.s32 @!p0 s1, s22;
	_ =	swait.ge [sflag:s24], $0x1388  }
0x122: {  	s1 =	sshrl.u32 @!p0 s1, $0x3;
	[sflag:s24] =	ssyncset.done $0x0  }
0x123: {  	s26 =	simm.s32 @!p0 $0x0;
	s2 =	sadd.s32 @!p0 s9, s1;
	[sflag:s24] =	ssyncadd.s32 $0xFFFFEC78  }
0x124: {  	[tilespmem:s26], [sflag:$0x1] =	stream.linear.gather @!p0 [hbm4b:s2+s26], $0x1388, $0x38;
	[tilespmem:$0x1D570] =	vst v63  }
0x125: {  	s1 =	sadd.s32 @!p0 s10, s1;
	s2 =	simm.s32 @!p0 $0x1388  }
0x126: {  	[tilespmem:s2], [sflag:$0x2] =	stream.linear.gather @!p0 [hbm4b:s1+s26], $0x1388, $0x38;
	[tilespmem:$0x1D570] =	vst v63  }
0x127: {  	_ =	swait.ge [sflag:s19], $0x1388  }
0x128: {  	[sflag:s19] =	ssyncset.done $0x0  }
0x129: {  	[sflag:s19] =	ssyncadd.s32 $0xFFFFEC78  }
0x12a: {  	_ =	swait.ge [sflag:s20], $0x1388  }
0x12b: {  	[sflag:s20] =	ssyncset.done $0x0  }
0x12c: {  	s26 =	simm.s32 $0x0;
	[sflag:s20] =	ssyncadd.s32 $0xFFFFEC78  }
0x12d: {  	v1 =	vld [tilespmem:s26+$0x4E20]  }
0x12e: {  	s1 =	simm.s32 $0x40  }
.LBB2_15:
0x12f: {  	p0 =	sne.s32 s1, $0x4DC0  }
.Ltmp11:
0x130: {  	_ = 	snop;
	(pc) =	sbr.rel @p0 .LBB2_15-.Ltmp11, $4  }
0x131: {  	_ = 	snop  }
0x132: {  	s2 =	sshra.s32 s1, $0x2;
	s1 =	sadd.s32 $0x40, s1;
	v2 =	vunpack.i.u.bf16.f32 v1;
	v3 =	vunpack.i.l.bf16.f32 v1  }
0x133: {  	v1 =	vld [tilespmem:s2+$0x4E20];
	[tilespmem:s26+$0xD6D8] =	vst v2  }
0x134: {  	[tilespmem:s26+$0xC350] =	vst v3;
	s26 =	smov.u32 s2  }
0x135: {  	_ =	sdelay $0x2  }
0x136: {  	v2 =	vunpack.i.u.bf16.f32 v1  }
0x137: {  	v1 =	vunpack.i.l.bf16.f32 v1;
	[tilespmem:s26+$0xD6D8] =	vst v2  }
0x138: {  	[tilespmem:s26+$0xC350] =	vst v1  }
0x139: {  	v1 =	vld [tilespmem:$0x6198];
	_ =	sdelay $0x4  }
0x13a: {  	v2 =	vunpack.i.l.bf16.f32 v1  }
0x13b: {  	v1 =	vunpack.i.u.bf16.f32 v1;
	[tilespmem:$0xD6C8] =	vst v2  }
0x13c: {  	s26 =	simm.s32 $0x0;
	[tilespmem:$0xEA50] =	vst v1  }
0x13d: {  	v1 =	vld [tilespmem:s26+$0x61A8]  }
0x13e: {  	s1 =	simm.s32 $0x40  }
.LBB2_17:
0x13f: {  	p0 =	sne.s32 s1, $0x4DC0  }
.Ltmp12:
0x140: {  	_ = 	snop;
	(pc) =	sbr.rel @p0 .LBB2_17-.Ltmp12, $4  }
0x141: {  	_ = 	snop  }
0x142: {  	s2 =	sshra.s32 s1, $0x2;
	s1 =	sadd.s32 $0x40, s1;
	v2 =	vunpack.i.u.bf16.f32 v1;
	v3 =	vunpack.i.l.bf16.f32 v1  }
0x143: {  	v1 =	vld [tilespmem:s2+$0x61A8];
	[tilespmem:s26+$0xFDE8] =	vst v2  }
0x144: {  	[tilespmem:s26+$0xEA60] =	vst v3;
	s26 =	smov.u32 s2  }
.Ltmp13:
0x145: {  	_ = 	snop;
	(pc) =	sbr.rel .LBB2_18-.Ltmp13, $1  }
0x146: {  	_ =	sdelay $0x3  }
.LBB2_21:
0x147: {  	_ =	sfence.sel $0x180000  }
0x148: {  	[bflag:$0x0] =	sbarrier.arrive $0xFFFF  }
0x149: {  	_ =	strace $0x9000004D  }
0x14a: {  	s0 =	stileid.u32;
	[bflag:$0x2] =	sbarrier.arrive $0xFFFF  }
0x14b: {  	p0 =	sne.s32 s0, $0x0;
	s0 =	rddreg [dreg:$0x8]  }
0x14c: {  	s0 =	sadd.s32 @!p0 $0x100000, s0  }
0x14d: {  	[sflag:s0] =	ssyncadd.tile.s32 @!p0 $0x1;
	_ =	shalt  }
.Lfunc_end2:
_tile_overlayer_lowered:
.L_overlay_start_2:
0x14e: {  	(tag) =	ssettag $0x2  }
0x14f: {  	s0 =	rddreg [dreg:$0x0];
	s2 =	stileid.u32  }
0x150: {  	s1 =	rddreg [dreg:$0x1];
	p0 =	sne.s32 s2, $0x0  }
0x151: {  	s3 =	rddreg [dreg:$0x2];
	[bflag:$0x3] =	sbarrier.arrive $0xFFFF;
	s2 =	simm.s32 @!p0 $0x1C0F  }
0x152: {  	[timem:s3], [sflag:s2] =	dma.local @!p0 [hbm:s0], s1  }
0x153: {  	s0 =	simm.s32 @!p0 $0xF  }
0x154: {  	_ =	swait.ge @!p0 [sflag:s0], s1  }
0x155: {  	s1 =	ssub.s32 @!p0 $0x0, s1;
	[sflag:s0] =	ssyncset.done @!p0 $0x0  }
0x156: {  	[sflag:s0] =	ssyncadd.s32 @!p0 s1  }
0x157: {  	[bflag:$0x3] =	sbarrier.arrive $0xFFFF  }
0x158: {  	_ =	shalt  }

// kernel: kernel.8.cloned.1.call-start
scs
__scs_entry_jumppad:
0x0: {  	(pc) =	sbr.rel $0x88, $3  }
0x1: {  	(tag) =	ssettag $0x0;
	lr =	simm.s32 $0x1  }
0x2: {  	[smem:$0x3F9B] =	sst lr;
	_ =	strace $0xD0000000  }
0x3: {  	_ = 	snop  }
0x4: {  	_ = 	snop  }
0x5: {  	_ = 	snop  }
0x6: {  	_ = 	snop  }
0x7: {  	_ = 	snop  }
__scs_overlays_trampoline_lowered:
0x8: {  	[smem:$0x3FAA] =	sst s0  }
0x9: {  	[smem:$0x3FAB] =	sst s1  }
0xa: {  	[smem:$0x3FAC] =	sst s2  }
0xb: {  	[smem:$0x3FAD] =	sst s3  }
0xc: {  	[smem:$0x3FAE] =	sst s4  }
0xd: {  	[smem:$0x3FAF] =	sst s5  }
0xe: {  	[smem:$0x3FB0] =	sst s6  }
0xf: {  	[smem:$0x3FB1] =	sst s7  }
0x10: {  	[smem:$0x3FB2] =	sst s8  }
0x11: {  	[smem:$0x3FB3] =	sst s9;
	s0 =	simm.s32 @!p0 $0x0  }
0x12: {  	s1 =	sld [smem:$0x3F99];
	s0 =	simm.s32 @p0 $0x1  }
0x13: {  	[smem:$0x3FB4] =	sst s0;
	s0 =	simm.s32 @!p1 $0x0  }
0x14: {  	s2 =	sld [smem:$0x3F98];
	s0 =	simm.s32 @p1 $0x1  }
0x15: {  	[smem:$0x3FB5] =	sst s0;
	s0 =	simm.s32 @!p2 $0x0  }
0x16: {  	s3 =	sld [smem:$0x3FDB];
	s0 =	simm.s32 @p2 $0x1  }
0x17: {  	s4 =	simm.s32 $0x1BF5;
	[smem:$0x3FB7] =	sst s0  }
0x18: {  	s0 =	sld [smem:$0x3F9A];
	_ =	swait.ge [sflag:s4], $0x0  }
0x19: {  	s7 =	sld [smem:$0x3F9B]  }
0x1a: {  	s8 =	sadd.s32 $0xFFFFE003, lr  }
0x1b: {  	s9 =	sadd.s32 $0xFFFFFEF7, lr;
	s5 =	simm.s32 $0xFFFFFFFF;
	p2 =	slt.u32 s8, $0xFFFFF086  }
0x1c: {  	p1 =	slt.u32 s9, $0xF7A;
	s5 =	simm.s32 @!p2 $0x0  }
0x1d: {  	s5 =	simm.s32 @p1 $0x1;
	p0 =	seq.s32 s7, s2  }
0x1e: {  	s7 =	smul.u32 @!p0 $0xF7A, s2;
	p2 =	seq.s32 @!p0 s5, $0x0  }
0x1f: {  	s9 =	smul.u32 $0xF7A, s1;
	s8 =	simm.s32 @!p0 $0x1BF5;
	p2 =	por !p2, p0  }
0x20: {  	[sflag:s8] =	ssyncset.s32 @!p0 $0xFFFFF086;
	s6 =	sadd.s32 @!p0 s3, s7;
	s7 =	simm.s32 @!p0 $0x108  }
0x21: {  	s3 =	sadd.s32 s3, s9;
	s6 =	sadd.s32 @!p0 $0x88, s6;
	s7 =	simm.s32 @p2 $0x1082  }
0x22: {  	[simem:s7], [sflag:s8] =	dma.local @!p0 [hbm:s6], $0xF7A  }
0x23: {  	s9 =	sor.u32 $0xD0000000, s2;
	s6 =	simm.s32 $0x108;
	_ =	swait.ge @!p0 [sflag:s8], $0x0  }
0x24: {  	s3 =	sadd.s32 $0x88, s3;
	s6 =	simm.s32 @!p1 $0x1082;
	[sflag:s4] =	ssyncset.s32 $0xFFFFF086  }
0x25: {  	[simem:s6], [sflag:s4] =	dma.local [hbm:s3], $0xF7A  }
0x26: {  	[smem:$0x3F9B] =	sst s1;
	(tag) =	ssettag s2;
	_ =	strace s9  }
0x27: {  	s1 =	sld [smem:$0x3FAB]  }
0x28: {  	s2 =	sld [smem:$0x3FAC]  }
0x29: {  	s4 =	sld [smem:$0x3FAE]  }
0x2a: {  	p0 =	seq.s32 s5, $0x0;
	s5 =	sld [smem:$0x3FAF]  }
0x2b: {  	s6 =	sld [smem:$0x3FB0]  }
0x2c: {  	s7 =	sld [smem:$0x3FB1]  }
0x2d: {  	s3 =	simm.s32 $0x108;
	s8 =	sld [smem:$0x3FB2]  }
0x2e: {  	s3 =	simm.s32 @!p0 $0x1082;
	s9 =	sld [smem:$0x3FB3]  }
0x2f: {  	lr =	sadd.s32 s0, s3;
	s0 =	sld [smem:$0x3FAA]  }
0x30: {  	s3 =	sld [smem:$0x3FAD]  }
0x31: {  	[smem:$0x3FB6] =	sst s10  }
0x32: {  	s10 =	sld [smem:$0x3FB4];
	_ =	sdelay $0x3  }
0x33: {  	p0 =	seq.s32 s10, $0x1;
	s10 =	sld [smem:$0x3FB6];
	_ =	sdelay $0x3  }
0x34: {  	[smem:$0x3FB6] =	sst s10  }
0x35: {  	s10 =	sld [smem:$0x3FB5];
	_ =	sdelay $0x3  }
0x36: {  	p1 =	seq.s32 s10, $0x1;
	s10 =	sld [smem:$0x3FB6];
	_ =	sdelay $0x3  }
0x37: {  	[smem:$0x3FB6] =	sst s10  }
0x38: {  	s10 =	sld [smem:$0x3FB7]  }
0x39: {  	_ = 	snop;
	(pc) =	sbr.ind lr, $3  }
0x3a: {  	_ = 	snop  }
0x3b: {  	_ = 	snop  }
0x3c: {  	p2 =	seq.s32 s10, $0x1;
	s10 =	sld [smem:$0x3FB6]  }
0x3d: {  	_ =	shalt  }
0x3e: {  	_ =	shalt  }
0x3f: {  	_ =	shalt  }
0x40: {  	_ =	shalt  }
0x41: {  	_ =	shalt  }
0x42: {  	_ =	shalt  }
0x43: {  	_ =	shalt  }
0x44: {  	_ =	shalt  }
0x45: {  	_ =	shalt  }
0x46: {  	_ =	shalt  }
0x47: {  	_ =	shalt  }
0x48: {  	_ =	shalt  }
0x49: {  	_ =	shalt  }
0x4a: {  	_ =	shalt  }
0x4b: {  	_ =	shalt  }
0x4c: {  	_ =	shalt  }
0x4d: {  	_ =	shalt  }
0x4e: {  	_ =	shalt  }
0x4f: {  	_ =	shalt  }
0x50: {  	_ =	shalt  }
0x51: {  	_ =	shalt  }
0x52: {  	_ =	shalt  }
0x53: {  	_ =	shalt  }
0x54: {  	_ =	shalt  }
0x55: {  	_ =	shalt  }
0x56: {  	_ =	shalt  }
0x57: {  	_ =	shalt  }
0x58: {  	_ =	shalt  }
0x59: {  	_ =	shalt  }
0x5a: {  	_ =	shalt  }
0x5b: {  	_ =	shalt  }
0x5c: {  	_ =	shalt  }
0x5d: {  	_ =	shalt  }
0x5e: {  	_ =	shalt  }
0x5f: {  	_ =	shalt  }
0x60: {  	_ =	shalt  }
0x61: {  	_ =	shalt  }
0x62: {  	_ =	shalt  }
0x63: {  	_ =	shalt  }
0x64: {  	_ =	shalt  }
0x65: {  	_ =	shalt  }
0x66: {  	_ =	shalt  }
0x67: {  	_ =	shalt  }
0x68: {  	_ =	shalt  }
0x69: {  	_ =	shalt  }
0x6a: {  	_ =	shalt  }
0x6b: {  	_ =	shalt  }
0x6c: {  	_ =	shalt  }
0x6d: {  	_ =	shalt  }
0x6e: {  	_ =	shalt  }
0x6f: {  	_ =	shalt  }
0x70: {  	_ =	shalt  }
0x71: {  	_ =	shalt  }
0x72: {  	_ =	shalt  }
0x73: {  	_ =	shalt  }
0x74: {  	_ =	shalt  }
0x75: {  	_ =	shalt  }
0x76: {  	_ =	shalt  }
0x77: {  	_ =	shalt  }
0x78: {  	_ =	shalt  }
0x79: {  	_ =	shalt  }
0x7a: {  	_ =	shalt  }
0x7b: {  	_ =	shalt  }
0x7c: {  	_ =	shalt  }
0x7d: {  	_ =	shalt  }
0x7e: {  	_ =	shalt  }
0x7f: {  	_ =	shalt  }
0x80: {  	_ =	shalt  }
0x81: {  	_ =	shalt  }
0x82: {  	_ =	shalt  }
0x83: {  	_ =	shalt  }
0x84: {  	_ =	shalt  }
0x85: {  	_ =	shalt  }
0x86: {  	_ =	shalt  }
0x87: {  	_ =	shalt  }
.Lfunc_end0:
.L_simem_size_0:
called_computation_lowered:
.L_overlay_start_0:
0x88: {  	s2 =	sld [smem:$0x3FD9]  }
0x89: {  	s3 =	sld [smem:$0x3FFE];
	_ =	sdelay $0x1  }
0x8a: {  	s1 =	srdreg.scid  }
0x8b: {  	s0 =	sand.u32 $0x1, s1  }
0x8c: {  	s17 =	sshll.u32 s0, $0xA;
	s2 =	sadd.s32 s3, s2  }
0x8d: {  	s2 =	sadd.s32 s2, s17  }
0x8e: {  	[smem:$0x3FC2] =	sst s2  }
0x8f: {  	_ = 	snop  }
0x90: {  	s2 =	sld [smem:$0x3FD0];
	(tm) =	ssettm $0x1  }
0x91: {  	s18 =	sld [smem:$0x3FFB];
	_ =	sdelay $0x3  }
0x92: {  	_ =	strace s18  }
0x93: {  	s3 =	sld [smem:$0x3FFC];
	_ =	sdelay $0x3  }
0x94: {  	_ =	strace s3  }
0x95: {  	s3 =	sld [smem:$0x3FFD];
	_ =	sdelay $0x3  }
0x96: {  	_ =	strace s3  }
0x97: {  	_ =	strace $0x8FFFFFFF  }
0x98: {  	s19 =	sld [smem:$0x3FDB];
	_ =	sdelay $0x1  }
0x99: {  	s4 =	simm.s32 $_scs_section_size  }
0x9a: {  	s5 =	simm.s32 $_size__tile_overlayer_lowered;
	s6 =	simm.s32 $_tile_overlayer_lowered  }
0x9b: {  	s22 =	simm.s32 $0x1BFF;
	s21 =	sshll.u32 s6, $0x1;
	s3 =	sadd.s32 s4, s19  }
0x9c: {  	s7 =	simm.s32 $0x0;
	s20 =	sshll.u32 s5, $0x1;
	s5 =	sadd.s32 s21, s3  }
0x9d: {  	[timem:s7], [sflag:s22] =	dma.local [hbm:s5], s20  }
0x9e: {  	_ =	swait.ge [sflag:s22], s20  }
0x9f: {  	s4 =	ssub.s32 $0x0, s20;
	[sflag:s22] =	ssyncset.done $0x0  }
0xa0: {  	[sflag:s22] =	ssyncadd.s32 s4;
	_ =	sdelay $0x1  }
0xa1: {  	s23 =	simm.s32 $0x1B8B  }
0xa2: {  	_ =	swait.ge [sflag:s23], $0x1  }
0xa3: {  	[sflag:s23] =	ssyncset.done $0x0  }
0xa4: {  	s25 =	simm.s32 $0x1B8E;
	s24 =	sld [smem:$0x3FFE];
	[sflag:s23] =	ssyncadd.s32 $0xFFFFFFFF  }
0xa5: {  	s26 =	simm.s32 $execute0_lowered;
	[smem:$0x3FD2] =	sst s25  }
0xa6: {  	s5 =	sshll.u32 s26, $0x1;
	_ =	strace $0x80000046;
	[dreg:$0x1] =	wrdreg $0xFFFFFFFF  }
0xa7: {  	s28 =	simm.s32 $_size_execute0_lowered;
	s3 =	sadd.s32 s3, s5;
	[dreg:$0x0] =	wrdreg $0x0  }
0xa8: {  	s5 =	sshll.u32 s28, $0x1;
	[dreg:$0x2] =	wrdreg s3  }
0xa9: {  	[dreg:$0x3] =	wrdreg s5  }
0xaa: {  	[dreg:$0x4] =	wrdreg $0xC0  }
0xab: {  	_ =	task [dreg:s7], $0x5FFFF  }
0xac: {  	[dreg:$0x1] =	wrdreg $0xFFFFFFFF  }
0xad: {  	[dreg:$0x0] =	wrdreg $0x60  }
0xae: {  	[dreg:$0x2] =	wrdreg s24  }
0xaf: {  	[dreg:$0x3] =	wrdreg s2  }
0xb0: {  	[dreg:$0x4] =	wrdreg $0x3F900  }
0xb1: {  	[dreg:$0x5] =	wrdreg $0x9  }
0xb2: {  	_ =	task.clear_ibuf [dreg:s7], $0x6FFFF;
	_ =	strace $0x90000046  }
0xb3: {  	s29 =	simm.s32 $0x9;
	_ =	strace $0x80000048  }
0xb4: {  	_ =	swait.ge [sflag:s29], $0x1  }
0xb5: {  	[sflag:s29] =	ssyncadd.s32 $0xFFFFFFFF  }
0xb6: {  	_ =	strace $0x90000048  }
0xb7: {  	_ =	sfence  }
0xb8: {  	s30 =	sld [smem:$0x0];
	_ =	sdelay $0x2  }
0xb9: {  	s31 =	sshll.u32 s1, $0xD;
	s1 =	sshrl.u32 s1, $0x2  }
0xba: {  	s3 =	sand.u32 $0x4000, s31;
	s1 =	sadd.s32 s1, s30  }
0xbb: {  	s0 =	sor.u32 s3, s0;
	s1 =	sshll.u32 s1, $0x11  }
0xbc: {  	s0 =	sor.u32 s1, s0  }
0xbd: {  	s0 =	sadd.s32 $0x8F2B, s0  }
0xbe: {  	[sflag:s0] =	ssyncadd.remote.s32 $0x1  }
0xbf: {  	_ =	sfence.sel $0xFFFF  }
0xc0: {  	[dreg:$0x0] =	wrdreg $0xFFFFFFFF;
	(pc) =	sbr.abs _section_cstart, $3  }
0xc1: {  	[dreg:$0x1] =	wrdreg $0xFFFFFFFF  }
0xc2: {  	_ =	task.clear_ibuf [dreg:s7], $0x2FFFF;
	_ =	strace $0x9FFFFFFF  }
0xc3: {  	(tm) =	ssettm $0x7FFFFFFF  }
tec
execute0_lowered:
.L_overlay_start_1:
0x0: {  	(tag) =	ssettag $0x1  }
0x1: {  	s4 =	rddreg [dreg:$0x0]  }
0x2: {  	s5 =	rddreg [dreg:$0x1]  }
0x3: {  	s1 =	rddreg [dreg:$0x2];
	s2 =	srdreg.scid  }
0x4: {  	s0 =	rddreg [dreg:$0x3];
	s6 =	sand.u32 $0x1, s2  }
0x5: {  	s3 =	simm.s32 $0x0;
	s2 =	stileid.u32;
	s7 =	smul.u32 $0x30D400, s6  }
0x6: {  	s13 =	simm.s32 $0x0;
	[smem:$0x7FF] =	sst s3;
	s8 =	smul.u32 $0x30D40, s2  }
0x7: {  	_ =	strace $0x80000047;
	s29 =	ssub.s32 $0x2, s6;
	s6 =	smul.u32 $0x3100, s6  }
0x8: {  	s9 =	smul.u32 $0x1880, s2;
	s31 =	sshll.u32 s2, $0x6;
	s10 =	sshrl.u32 s29, $0x1  }
0x9: {  	s7 =	sadd.s32 s8, s7;
	s8 =	ssub.s32 s29, s10;
	s30 =	sadd.s32 s5, s6  }
0xa: {  	s11 =	sshrl.u32 s9, $0x3;
	s7 =	sshrl.u32 s7, $0x3;
	s5 =	smax.u32 s8, $0x1  }
0xb: {  	s8 =	simm.s32 $0x1;
	s10 =	sadd.s32 s11, s30;
	s11 =	sor.u32 $0x1C01, s31  }
0xc: {  	s7 =	sadd.s32 s7, s4;
	s4 =	sadd.s32 s9, s1;
	s9 =	simm.s32 $0x1388  }
0xd: {  	v0 =	vimm.f32 $1.000000000e+00;
	v1 =	vimm.f32 $5.000000000e-01;
	s6 =	sadd.s32 $0x2C00, s7;
	s7 =	simm.s32 $0x2710;
	s12 =	sshrl.u32 s4, $0x3  }
.LBB2_1:
0xe: {  	s14 =	simm.s32 $0x0  }
.LBB2_2:
0xf: {  	p0 =	sne.s32 s14, $0x4DC0  }
.Ltmp0:
0x10: {  	_ = 	snop;
	(pc) =	sbr.rel @p0 .LBB2_2-.Ltmp0, $3  }
0x11: {  	_ =	sdelay $0x1  }
0x12: {  	s15 =	sshra.s32 s14, $0x2  }
0x13: {  	s14 =	sadd.s32 $0x40, s14;
	[tilespmem:s15+$0x1388] =	vst v0  }
0x14: {  	s14 =	simm.s32 $0x40;
	s15 =	simm.s32 $0x0  }
.LBB2_4:
0x15: {  	p0 =	sne.s32 s14, $0x61C0;
	[tilespmem:s15+$0x2710] =	vst v1;
	s15 =	smov.u32 s14;
	s14 =	sadd.s32 $0x40, s14  }
.Ltmp1:
0x16: {  	(pc) =	sbr.rel @p0 .LBB2_4-.Ltmp1, $2  }
0x17: {  	_ =	sdelay $0x2  }
0x18: {  	s15 =	sshra.s32 s15, $0x2  }
0x19: {  	[tilespmem:s15+$0x2710] =	vst v1  }
0x1a: {  	[spmem:s4] =	stream.linear.scatter [tilespmem:s7], [sflag:$0x1], $0x1880, $0x38;
	[tilespmem:$0x5810] =	vst v63  }
0x1b: {  	_ =	swait.ge [sflag:s8], $0x1880  }
0x1c: {  	[sflag:s8] =	ssyncset.done $0x0  }
0x1d: {  	[sflag:s8] =	ssyncadd.s32 $0xFFFFE780  }
0x1e: {  	s14 =	sadd.s32 $0x0, s6;
	[bflag:$0x0] =	sbarrier.arrive $0xFFFF  }
0x1f: {  	[tilespmem:s3], [sflag:$0x1] =	stream.linear.gather [hbm4b:s14+s3], $0x1388, $0x38;
	[tilespmem:$0x5810] =	vst v63  }
0x20: {  	_ =	swait.ge [sflag:s8], $0x1388  }
0x21: {  	[sflag:s8] =	ssyncset.done $0x0  }
0x22: {  	[sflag:s8] =	ssyncadd.s32 $0xFFFFEC78  }
0x23: {  	[spmem:s1] =	stream.indirect.scatter.add.f32 [tilespmem:s9], [sflag:$0x1], $0x1, s3, s9, $0xb8;
	[tilespmem:$0x5810] =	vst v63  }
0x24: {  	_ =	swait.ge [sflag:s8], $0x1388  }
0x25: {  	s15 =	simm.s32 $0x4E2;
	s14 =	simm.s32 $0x271;
	[sflag:s8] =	ssyncset.done $0x0  }
.LBB2_6:
0x26: {  	s16 =	sadd.s32 s14, s6  }
0x27: {  	[sflag:s8] =	ssyncadd.s32 $0xFFFFEC78;
	s14 =	smov.u32 s15;
	s17 =	sadd.s32 $0x271, s15  }
0x28: {  	[tilespmem:s3], [sflag:$0x1] =	stream.linear.gather [hbm4b:s16+s3], $0x1388, $0x38;
	[tilespmem:$0x5810] =	vst v63  }
0x29: {  	p0 =	sne.s32 s15, $0x5F37;
	_ =	swait.ge [sflag:s8], $0x1388  }
.Ltmp2:
0x2a: {  	[sflag:s8] =	ssyncset.done $0x0;
	(pc) =	sbr.rel @p0 .LBB2_6-.Ltmp2, $4  }
0x2b: {  	[sflag:s8] =	ssyncadd.s32 $0xFFFFEC78  }
0x2c: {  	[spmem:s1] =	stream.indirect.scatter.add.f32 [tilespmem:s9], [sflag:$0x1], $0x1, s3, s9, $0xb8;
	[tilespmem:$0x5810] =	vst v63  }
0x2d: {  	_ =	swait.ge [sflag:s8], $0x1388  }
0x2e: {  	s15 =	smov.u32 s17;
	[sflag:s8] =	ssyncset.done $0x0  }
0x2f: {  	s14 =	sadd.s32 s14, s6;
	[sflag:s8] =	ssyncadd.s32 $0xFFFFEC78  }
0x30: {  	[tilespmem:s3], [sflag:$0x1] =	stream.linear.gather [hbm4b:s14+s3], $0x1388, $0x38;
	[tilespmem:$0x5810] =	vst v63  }
0x31: {  	_ =	swait.ge [sflag:s8], $0x1388  }
0x32: {  	[sflag:s8] =	ssyncset.done $0x0  }
0x33: {  	[sflag:s8] =	ssyncadd.s32 $0xFFFFEC78  }
0x34: {  	[spmem:s1] =	stream.indirect.scatter.add.f32 [tilespmem:s9], [sflag:$0x1], $0x1, s3, s9, $0xb8;
	[tilespmem:$0x5810] =	vst v63  }
0x35: {  	_ =	swait.ge [sflag:s8], $0x1388  }
0x36: {  	s13 =	sadd.s32 $0x1, s13;
	[sflag:s8] =	ssyncset.done $0x0  }
0x37: {  	p0 =	sne.s32 s13, s5;
	[sflag:s8] =	ssyncadd.s32 $0xFFFFEC78  }
.Ltmp3:
0x38: {  	[bflag:$0x0] =	sbarrier.arrive $0xFFFF;
	(pc) =	sbr.rel @p0 .LBB2_1-.Ltmp3, $4  }
0x39: {  	[hbm:s10], [sflag:s11] =	dma.local [spmem:s12], $0x310  }
0x3a: {  	_ =	swait.ge [sflag:s8], $0x310  }
0x3b: {  	[sflag:s8] =	ssyncset.done $0x0  }
0x3c: {  	[sflag:s8] =	ssyncadd.s32 $0xFFFFFCF0  }
0x3d: {  	_ =	sfence.sel $0x180000  }
0x3e: {  	[bflag:$0x0] =	sbarrier.arrive $0xFFFF  }
0x3f: {  	p0 =	sne.s32 s2, $0x0;
	_ =	strace $0x90000047  }
0x40: {  	s0 =	sadd.s32 @!p0 $0x100000, s0;
	[bflag:$0x2] =	sbarrier.arrive $0xFFFF  }
0x41: {  	[sflag:s0] =	ssyncadd.tile.s32 @!p0 $0x1;
	_ =	shalt  }
.Lfunc_end2:
_tile_overlayer_lowered:
.L_overlay_start_2:
0x42: {  	(tag) =	ssettag $0x2  }
0x43: {  	s0 =	rddreg [dreg:$0x0];
	s2 =	stileid.u32  }
0x44: {  	s1 =	rddreg [dreg:$0x1];
	p0 =	sne.s32 s2, $0x0  }
0x45: {  	s3 =	rddreg [dreg:$0x2];
	[bflag:$0x3] =	sbarrier.arrive $0xFFFF;
	s2 =	simm.s32 @!p0 $0x1C01  }
0x46: {  	[timem:s3], [sflag:s2] =	dma.local @!p0 [hbm:s0], s1  }
0x47: {  	s0 =	simm.s32 @!p0 $0x1  }
0x48: {  	_ =	swait.ge @!p0 [sflag:s0], s1  }
0x49: {  	s1 =	ssub.s32 @!p0 $0x0, s1;
	[sflag:s0] =	ssyncset.done @!p0 $0x0  }
0x4a: {  	[sflag:s0] =	ssyncadd.s32 @!p0 s1  }
0x4b: {  	[bflag:$0x3] =	sbarrier.arrive $0xFFFF  }
0x4c: {  	_ =	shalt  }

</sc_bundles>
